<compile_context>
chip_gen: v7x
topology: tpu7x:2x2x1
jax: 0.10.2.dev20260603
libtpu: 0.0.44.dev20260713+nightly
codegen_flags: <defaults>
</compile_context>

<pallas_src>
import jax
import jax.numpy as jnp
import numpy as np
from jax import lax
from jax.experimental import pallas as pl
from jax.experimental.pallas import tpu as pltpu
from jax.experimental.pallas import tpu_sc as plsc

N = 5000
NPAD = 5120
NW = 16
OWN = NPAD // NW
OWNC = OWN // 16
LPAD = OWN + 16
NEG = np.float32(-1e30)
NEG_HALF = np.float32(-5e29)
BLO = np.float32(-3e38)
SCORE_T = np.float32(0.2)
IOU_T = np.float32(0.5)
HUMAN = np.int32(1)
MAXH = np.int32(15)
MAXO = np.int32(15)
NOUT = 30

_GDN = lax.GatherDimensionNumbers(
    offset_dims=(), collapsed_slice_dims=(0,), start_index_map=(0,))


def _perm(x, idx):
    return lax.gather(x, idx[:, None], _GDN, (1,),
                      mode=lax.GatherScatterMode.PROMISE_IN_BOUNDS)


def _argmax_splat(m, mi, lanes):
    for k in (8, 4, 2, 1):
        pidx = lanes ^ k
        pm = _perm(m, pidx)
        pmi = _perm(mi, pidx)
        better = (pm > m) | ((pm == m) & (pmi < mi))
        m = jnp.where(better, pm, m)
        mi = jnp.where(better, pmi, mi)
    return m, mi


def _sc_nms(x1h, y1h, x2h, y2h, sh, labh, pack_o, olab_o, oval_o,
            lx1, ly1, lx2, ly2, ls, llab,
            lox1, loy1, lox2, loy2, lkey, lfill,
            pack_v, olab_v, oval_v, rowbuf, fbrow, puball, pub_sh):
    cid = lax.axis_index("c")
    sid = lax.axis_index("s")
    lanes = lax.iota(jnp.int32, 16)
    base = sid * OWN
    is_out = (cid == 0) & (sid == 0)

    pltpu.sync_copy(x1h.at[pl.ds(base, OWN)], lx1.at[pl.ds(0, OWN)])
    pltpu.sync_copy(y1h.at[pl.ds(base, OWN)], ly1.at[pl.ds(0, OWN)])
    pltpu.sync_copy(x2h.at[pl.ds(base, OWN)], lx2.at[pl.ds(0, OWN)])
    pltpu.sync_copy(y2h.at[pl.ds(base, OWN)], ly2.at[pl.ds(0, OWN)])
    pltpu.sync_copy(sh.at[pl.ds(base, OWN)], ls.at[pl.ds(0, OWN)])
    pltpu.sync_copy(labh.at[pl.ds(base, OWN)], llab.at[pl.ds(0, OWN)])

    def publish_round(off):
        pltpu.sync_copy(rowbuf, pub_sh.at[pl.ds(off + sid * 16, 16)])
        plsc.subcore_barrier()
        pltpu.sync_copy(pub_sh.at[pl.ds(off, NW * 16)], puball)

    def reduce_rows():
        bm = BLO
        bi = np.float32(3e38)
        brow = jnp.zeros((16,), jnp.float32)
        for r in range(NW):
            rrow = puball[pl.ds(r * 16, 16)]
            mr = rrow[0]
            ir = rrow[1]
            better = (mr > bm) | ((mr == bm) & (ir < bi))
            bf = jnp.where(better, np.float32(1.0), np.float32(0.0))
            bfv = jnp.full((16,), bf, jnp.float32)
            brow = bfv * rrow + (1.0 - bfv) * brow
            bm = jnp.where(better, mr, bm)
            bi = jnp.where(better, ir, bi)
        return brow

    def mk_row(m, mi, with_coords):
        ms = m[0]
        gi = mi[0]
        loff = jnp.clip(gi - base, 0, OWN - 1)
        fd = pl.ds(loff, 16)
        if with_coords:
            coords = (lox1[fd][0], loy1[fd][0], lox2[fd][0], loy2[fd][0])
        else:
            z = np.float32(0.0)
            coords = (z, z, z, z)
        vals = (ms, gi.astype(jnp.float32)) + coords + (
            lx1[fd][0], ly1[fd][0], lx2[fd][0], ly2[fd][0],
            ls[fd][0], llab[fd][0].astype(jnp.float32))
        row = jnp.full((16,), np.float32(0.0), jnp.float32)
        for j, v in enumerate(vals):
            row = jnp.where(lanes == j, v, row)
        return row

    def s1(c, m):
        d = pl.ds(c * 16, 16)
        return jnp.maximum(m, jnp.maximum(lx2[d], ly2[d]))
    mloc = lax.fori_loop(0, OWNC, s1, jnp.full((16,), NEG, jnp.float32))
    for k in (8, 4, 2, 1):
        mloc = jnp.maximum(mloc, _perm(mloc, lanes ^ k))
    rowbuf[...] = jnp.where(lanes == 0, mloc[0], np.float32(0.0))
    publish_round(2 * NW * 16)
    mc = BLO
    for r in range(NW):
        mc = jnp.maximum(mc, puball[pl.ds(r * 16, 16)][0])
    mc = mc + 1.0

    def s2(c, carry):
        m, mi = carry
        d = pl.ds(c * 16, 16)
        idxv = base + c * 16 + lanes
        off = llab[d].astype(jnp.float32) * mc
        a = lx1[d] + off
        b = ly1[d] + off
        cc = lx2[d] + off
        dd = ly2[d] + off
        lox1[d] = a
        loy1[d] = b
        lox2[d] = cc
        loy2[d] = dd
        sc = ls[d]
        vmask = sc >= SCORE_T
        keyc = jnp.where(vmask, sc, NEG)
        lkey[d] = keyc
        idxf = idxv.astype(jnp.float32)
        lfill[d] = jnp.where(vmask, sc,
                             jnp.where(idxv < N, -(idxf + 2.0), NEG))
        upd = keyc > m
        return jnp.where(upd, keyc, m), jnp.where(upd, idxv, mi)

    m0, mi0 = lax.fori_loop(
        0, OWNC, s2,
        (jnp.full((16,), NEG, jnp.float32), jnp.zeros((16,), jnp.int32)))
    m0, mi0 = _argmax_splat(m0, mi0, lanes)
    rowbuf[...] = mk_row(m0, mi0, True)
    fbrow[...] = jnp.zeros((16,), jnp.float32)
    publish_round(NW * 16)

    def body(t, carry):
        h, o = carry
        brow = reduce_rows()
        active = brow[0] > NEG_HALF

        @pl.when(jnp.logical_not(active))
        def _():
            def fsweep(c, fcarry):
                m, mi = fcarry
                fc = lfill[pl.ds(c * 16, 16)]
                idxv = base + c * 16 + lanes
                upd = fc > m
                return jnp.where(upd, fc, m), jnp.where(upd, idxv, mi)
            fm, fmi = lax.fori_loop(
                0, OWNC, fsweep,
                (jnp.full((16,), NEG, jnp.float32),
                 jnp.zeros((16,), jnp.int32)))
            fm, fmi = _argmax_splat(fm, fmi, lanes)
            rowbuf[...] = mk_row(fm, fmi, False)
            publish_round(2 * NW * 16)
            fbrow[...] = reduce_rows()

        af = jnp.where(active, np.float32(1.0), np.float32(0.0))
        afv = jnp.full((16,), af, jnp.float32)
        brow2 = afv * brow + (1.0 - afv) * fbrow[...]
        pick = brow2[1].astype(jnp.int32)
        plab = brow2[11].astype(jnp.int32)

        is_h = plab == HUMAN
        inc = active.astype(jnp.int32)
        h2 = h + jnp.where(is_h, inc, 0)
        o2 = o + jnp.where(is_h, 0, inc)

        loffp = jnp.clip(pick - base, 0, OWN - 1)
        inr = (pick >= base) & (pick < base + OWN)
        kd = pl.ds(loffp, 16)
        fold = lfill[kd]
        v0 = jnp.where(inr, NEG, fold[0])
        lfill[kd] = jnp.where(lanes == 0, v0, fold)

        @pl.when(is_out)
        def _():
            vals = jnp.where(lanes == 0, brow2[6],
                   jnp.where(lanes == 1, brow2[7],
                   jnp.where(lanes == 2, brow2[8],
                   jnp.where(lanes == 3, brow2[9], brow2[10]))))
            pd = pl.ds(t * 5, 16)
            pold = pack_v[pd]
            pack_v[pd] = jnp.where(lanes < 5, vals, pold)
            od = pl.ds(t, 16)
            lold = olab_v[od]
            olab_v[od] = jnp.where(lanes == 0, plab, lold)
            vold = oval_v[od]
            oval_v[od] = jnp.where(lanes == 0, inc, vold)

        rowbuf[...] = jnp.where(lanes == 0, NEG, np.float32(0.0))

        @pl.when(active)
        def _():
            pox1 = brow2[2]
            poy1 = brow2[3]
            pox2 = brow2[4]
            poy2 = brow2[5]
            poarea = (pox2 - pox1) * (poy2 - poy1)

            ph = 1 - jnp.minimum(jnp.abs(plab - HUMAN), 1)
            capchg = jnp.where(ph == 1, h2 == MAXH, o2 == MAXO)

            @pl.when(capchg)
            def _():
                phv = jnp.full((16,), ph, jnp.int32)

                def ksweep(c, _):
                    d = pl.ds(c * 16, 16)
                    labc = llab[d]
                    labhum = 1 - jnp.minimum(jnp.abs(labc - HUMAN), 1)
                    lkey[d] = jnp.where(labhum == phv, NEG, lkey[d])
                    return 0

                lax.fori_loop(0, OWNC, ksweep, 0)

            def sweep(c, scarry):
                m, mi = scarry
                for k in range(4):
                    d = pl.ds(c * 64 + k * 16, 16)
                    idxv = base + c * 64 + k * 16 + lanes
                    a = lox1[d]
                    b = loy1[d]
                    cc = lox2[d]
                    dd = loy2[d]
                    ltx = jnp.maximum(pox1, a)
                    lty = jnp.maximum(poy1, b)
                    rbx = jnp.minimum(pox2, cc)
                    rby = jnp.minimum(poy2, dd)
                    w = jnp.maximum(rbx - ltx, 0.0)
                    hh = jnp.maximum(rby - lty, 0.0)
                    inter = w * hh
                    union = poarea + (cc - a) * (dd - b) - inter
                    iou = inter / jnp.maximum(union, np.float32(1e-8))
                    keyc = jnp.where(iou > IOU_T, NEG, lkey[d])
                    lkey[d] = keyc
                    upd = keyc > m
                    m = jnp.where(upd, keyc, m)
                    mi = jnp.where(upd, idxv, mi)
                return m, mi

            m, mi = lax.fori_loop(
                0, OWNC // 4, sweep,
                (jnp.full((16,), NEG, jnp.float32),
                 jnp.zeros((16,), jnp.int32)))
            m, mi = _argmax_splat(m, mi, lanes)
            rowbuf[...] = mk_row(m, mi, True)

        publish_round((t % 2) * (NW * 16))
        return h2, o2

    lax.fori_loop(0, NOUT, body, (jnp.int32(0), jnp.int32(0)))

    @pl.when(is_out)
    def _():
        pltpu.sync_copy(pack_v, pack_o)
        pltpu.sync_copy(olab_v, olab_o)
        pltpu.sync_copy(oval_v, oval_o)


@jax.jit
def kernel(boxes, scores, labels):
    pad = NPAD - N
    x1 = jnp.pad(boxes[:, 0], (0, pad))
    y1 = jnp.pad(boxes[:, 1], (0, pad))
    x2 = jnp.pad(boxes[:, 2], (0, pad))
    y2 = jnp.pad(boxes[:, 3], (0, pad))
    sp = jnp.pad(scores, (0, pad))
    lp = jnp.pad(labels, (0, pad))

    mesh = plsc.VectorSubcoreMesh(core_axis_name="c", subcore_axis_name="s", num_cores=1)
    f = pl.kernel(
        _sc_nms, mesh=mesh,
        out_type=[
            jax.ShapeDtypeStruct((176,), jnp.float32),
            jax.ShapeDtypeStruct((48,), jnp.int32),
            jax.ShapeDtypeStruct((48,), jnp.int32),
        ],
        scratch_types=(
            [pltpu.VMEM((LPAD,), jnp.float32) for _ in range(5)]
            + [pltpu.VMEM((LPAD,), jnp.int32)]
            + [pltpu.VMEM((LPAD,), jnp.float32) for _ in range(6)]
            + [pltpu.VMEM((176,), jnp.float32),
               pltpu.VMEM((48,), jnp.int32),
               pltpu.VMEM((48,), jnp.int32),
               pltpu.VMEM((16,), jnp.float32),
               pltpu.VMEM((16,), jnp.float32),
               pltpu.VMEM((NW * 16,), jnp.float32),
               pltpu.VMEM_SHARED((3 * NW * 16,), jnp.float32)]),
    )
    pack, olab, oval = f(x1, y1, x2, y2, sp, lp)
    packed = pack[:150].reshape(30, 5)
    return packed, olab[:30], oval[:30].astype(bool)

# --- scband reference (transcript-rebuilt; emitter-appended) ---
"""Pipeline reference for scband-interaction-head-17806934409947 (READ-ONLY COPY).

The authoritative reference and input builder live on the scoring server;
editing this copy changes nothing except your own understanding.
"""

import jax, jax.numpy as jnp
import numpy as np

N = 5000
NUM_OBJ_CLASSES = 80
HUMAN_IDX = 1
NMS_THRESH = 0.5
SCORE_THRESH = 0.2
MAX_HUMAN = 15
MAX_OBJECT = 15


def setup_inputs(seed: int = 0) -> dict:
    key = jax.random.key(seed)
    k1, k2, k3 = jax.random.split(key, 3)
    raw = jax.random.uniform(k1, (N, 4), dtype=jnp.float32) * 1024.0
    xy1 = jnp.minimum(raw[:, :2], raw[:, 2:])
    xy2 = jnp.maximum(raw[:, :2], raw[:, 2:])
    boxes = jnp.concatenate([xy1, xy2 + 1.0], axis=1)
    scores = jax.random.uniform(k2, (N,), dtype=jnp.float32)
    labels = jax.random.randint(k3, (N,), 0, NUM_OBJ_CLASSES).astype(jnp.int32)
    return {"boxes": boxes, "scores": scores, "labels": labels}


def _pairwise_iou(b):
    area = (b[:, 2] - b[:, 0]) * (b[:, 3] - b[:, 1])
    lt = jnp.maximum(b[:, None, :2], b[None, :, :2])
    rb = jnp.minimum(b[:, None, 2:], b[None, :, 2:])
    wh = jnp.clip(rb - lt, 0.0, None)
    inter = wh[..., 0] * wh[..., 1]
    union = area[:, None] + area[None, :] - inter
    return inter / jnp.maximum(union, 1e-8)


def reference(boxes, scores, labels):
    # Faithful jax port of InteractionHead.preprocess for one image:
    # score threshold -> class-batched greedy NMS -> sort by score desc ->
    # split human/object -> cap at max_human/max_object.
    n = boxes.shape[0]
    valid = scores >= SCORE_THRESH
    # batched_nms offset trick: shift boxes by label so classes never overlap
    max_coord = jnp.max(boxes) + 1.0
    nb = boxes + (labels.astype(boxes.dtype) * max_coord)[:, None]
    order = jnp.argsort(-jnp.where(valid, scores, -jnp.inf))
    b = nb[order]
    ob = boxes[order]
    s = scores[order]
    l = labels[order]
    v = valid[order]
    iou = _pairwise_iou(b)
    idx = jnp.arange(n)
    def body(i, keep):
        sup = jnp.any(keep & (iou[i] > NMS_THRESH) & (idx < i))
        return keep.at[i].set(jnp.logical_and(jnp.logical_not(sup), v[i]))
    keep = jax.lax.fori_loop(0, n, body, jnp.zeros((n,), dtype=bool))
    h = keep & (l == HUMAN_IDX)
    o = keep & (l != HUMAN_IDX)
    h_sel = h & (jnp.cumsum(h.astype(jnp.int32)) <= MAX_HUMAN)
    o_sel = o & (jnp.cumsum(o.astype(jnp.int32)) <= MAX_OBJECT)
    sel = h_sel | o_sel
    _, top_idx = jax.lax.top_k(jnp.where(sel, s, -jnp.inf), MAX_HUMAN + MAX_OBJECT)
    out_boxes = ob[top_idx]
    out_scores = s[top_idx]
    out_labels = l[top_idx]
    out_valid = sel[top_idx]
    packed = jnp.concatenate([out_boxes, out_scores[:, None]], axis=1)
    return packed, out_labels, out_valid

if __name__ == "__main__":
    import jax
    _d = setup_inputs()
    print(jax.jit(kernel)(*tuple(_d.values())))

</pallas_src>

<mosaic_0001>
#map = affine_map<(d0, d1) -> (0)>
module attributes {stable_mosaic.version = 14 : i64} {
  func.func @_sc_nms(%arg0: i32, %arg1: i32, %arg2: memref<5120xf32, #tpu.memory_space<hbm>>, %arg3: memref<5120xf32, #tpu.memory_space<hbm>>, %arg4: memref<5120xf32, #tpu.memory_space<hbm>>, %arg5: memref<5120xf32, #tpu.memory_space<hbm>>, %arg6: memref<5120xf32, #tpu.memory_space<hbm>>, %arg7: memref<5120xi32, #tpu.memory_space<hbm>>, %arg8: memref<176xf32, #tpu.memory_space<hbm>>, %arg9: memref<48xi32, #tpu.memory_space<hbm>>, %arg10: memref<48xi32, #tpu.memory_space<hbm>>, %arg11: memref<336xf32, #tpu.memory_space<vmem>>, %arg12: memref<336xf32, #tpu.memory_space<vmem>>, %arg13: memref<336xf32, #tpu.memory_space<vmem>>, %arg14: memref<336xf32, #tpu.memory_space<vmem>>, %arg15: memref<336xf32, #tpu.memory_space<vmem>>, %arg16: memref<336xi32, #tpu.memory_space<vmem>>, %arg17: memref<336xf32, #tpu.memory_space<vmem>>, %arg18: memref<336xf32, #tpu.memory_space<vmem>>, %arg19: memref<336xf32, #tpu.memory_space<vmem>>, %arg20: memref<336xf32, #tpu.memory_space<vmem>>, %arg21: memref<336xf32, #tpu.memory_space<vmem>>, %arg22: memref<336xf32, #tpu.memory_space<vmem>>, %arg23: memref<176xf32, #tpu.memory_space<vmem>>, %arg24: memref<48xi32, #tpu.memory_space<vmem>>, %arg25: memref<48xi32, #tpu.memory_space<vmem>>, %arg26: memref<16xf32, #tpu.memory_space<vmem>>, %arg27: memref<16xf32, #tpu.memory_space<vmem>>, %arg28: memref<256xf32, #tpu.memory_space<vmem>>, %arg29: memref<768xf32, #tpu.memory_space<vmem_shared>>) attributes {dimension_semantics = [#tpu.dimension_semantics<core_parallel>, #tpu.dimension_semantics<subcore_parallel>], iteration_bounds = array<i64: 1, 16>, scalar_prefetch = 0 : i64, scratch_operands = 19 : i64, tpu.core_type = #tpu.core_type<sc_vector_subcore>, window_params = [{transform_indices = #map}, {transform_indices = #map}, {transform_indices = #map}, {transform_indices = #map}, {transform_indices = #map}, {transform_indices = #map}, {transform_indices = #map}, {transform_indices = #map}, {transform_indices = #map}]} {
    %iota3A = tpu.iota {dimensions = array<i32: 0>} : vector<16xi32>
    %mul3A = arith.constant 320 : i32
    %mul3A_0 = arith.muli %arg1, %mul3A : i32
    %eq3A = arith.constant 0 : i32
    %eq3A_1 = arith.cmpi eq, %arg0, %eq3A : i32
    %eq3A_2 = arith.constant 0 : i32
    %eq3A_3 = arith.cmpi eq, %arg1, %eq3A_2 : i32
    %and3A = arith.andi %eq3A_1, %eq3A_3 : i1
    "tpu.region"() ({
      %run_scoped3A = tpu.sem_alloc : memref<!tpu.dma_semaphore, #tpu.memory_space<semaphore_mem>>
      %dma_start3A = arith.constant 0 : i32
      %dma_start3A_360 = tpu.memref_slice %arg11[%dma_start3A] : memref<336xf32, #tpu.memory_space<vmem>> -> memref<320xf32, #tpu.memory_space<vmem>>
      %dma_start3A_361 = tpu.memref_slice %arg2[%mul3A_0] : memref<5120xf32, #tpu.memory_space<hbm>> -> memref<320xf32, #tpu.memory_space<hbm>>
      %dma_start3A_362 = arith.constant 0 : i32
      %dma_start3A_363 = tpu.memref_slice %arg11[%dma_start3A_362] : memref<336xf32, #tpu.memory_space<vmem>> -> memref<320xf32, #tpu.memory_space<vmem>>
      %dma_start3A_364 = tpu.memref_slice %arg2[%mul3A_0] : memref<5120xf32, #tpu.memory_space<hbm>> -> memref<320xf32, #tpu.memory_space<hbm>>
      tpu.enqueue_dma source(%dma_start3A_364 : memref<320xf32, #tpu.memory_space<hbm>>) target(%dma_start3A_363 : memref<320xf32, #tpu.memory_space<vmem>>) target_semaphore(%run_scoped3A : memref<!tpu.dma_semaphore, #tpu.memory_space<semaphore_mem>>)
      %dma_wait3A = arith.constant 0 : i32
      %dma_wait3A_365 = tpu.memref_slice %arg11[%dma_wait3A] : memref<336xf32, #tpu.memory_space<vmem>> -> memref<320xf32, #tpu.memory_space<vmem>>
      %dma_wait3A_366 = tpu.memref_slice %arg2[%mul3A_0] : memref<5120xf32, #tpu.memory_space<hbm>> -> memref<320xf32, #tpu.memory_space<hbm>>
      %dma_wait3A_367 = arith.constant 0 : i32
      %dma_wait3A_368 = tpu.memref_slice %arg11[%dma_wait3A_367] : memref<336xf32, #tpu.memory_space<vmem>> -> memref<320xf32, #tpu.memory_space<vmem>>
      %dma_wait3A_369 = tpu.memref_slice %arg2[%mul3A_0] : memref<5120xf32, #tpu.memory_space<hbm>> -> memref<320xf32, #tpu.memory_space<hbm>>
      tpu.wait_dma2 semaphore(%run_scoped3A : memref<!tpu.dma_semaphore, #tpu.memory_space<semaphore_mem>>) src(%dma_wait3A_369 : memref<320xf32, #tpu.memory_space<hbm>>) dst(%dma_wait3A_368 : memref<320xf32, #tpu.memory_space<vmem>>)
      tpu.yield
    }) : () -> ()
    "tpu.region"() ({
      %run_scoped3A = tpu.sem_alloc : memref<!tpu.dma_semaphore, #tpu.memory_space<semaphore_mem>>
      %dma_start3A = arith.constant 0 : i32
      %dma_start3A_360 = tpu.memref_slice %arg12[%dma_start3A] : memref<336xf32, #tpu.memory_space<vmem>> -> memref<320xf32, #tpu.memory_space<vmem>>
      %dma_start3A_361 = tpu.memref_slice %arg3[%mul3A_0] : memref<5120xf32, #tpu.memory_space<hbm>> -> memref<320xf32, #tpu.memory_space<hbm>>
      %dma_start3A_362 = arith.constant 0 : i32
      %dma_start3A_363 = tpu.memref_slice %arg12[%dma_start3A_362] : memref<336xf32, #tpu.memory_space<vmem>> -> memref<320xf32, #tpu.memory_space<vmem>>
      %dma_start3A_364 = tpu.memref_slice %arg3[%mul3A_0] : memref<5120xf32, #tpu.memory_space<hbm>> -> memref<320xf32, #tpu.memory_space<hbm>>
      tpu.enqueue_dma source(%dma_start3A_364 : memref<320xf32, #tpu.memory_space<hbm>>) target(%dma_start3A_363 : memref<320xf32, #tpu.memory_space<vmem>>) target_semaphore(%run_scoped3A : memref<!tpu.dma_semaphore, #tpu.memory_space<semaphore_mem>>)
      %dma_wait3A = arith.constant 0 : i32
      %dma_wait3A_365 = tpu.memref_slice %arg12[%dma_wait3A] : memref<336xf32, #tpu.memory_space<vmem>> -> memref<320xf32, #tpu.memory_space<vmem>>
      %dma_wait3A_366 = tpu.memref_slice %arg3[%mul3A_0] : memref<5120xf32, #tpu.memory_space<hbm>> -> memref<320xf32, #tpu.memory_space<hbm>>
      %dma_wait3A_367 = arith.constant 0 : i32
      %dma_wait3A_368 = tpu.memref_slice %arg12[%dma_wait3A_367] : memref<336xf32, #tpu.memory_space<vmem>> -> memref<320xf32, #tpu.memory_space<vmem>>
      %dma_wait3A_369 = tpu.memref_slice %arg3[%mul3A_0] : memref<5120xf32, #tpu.memory_space<hbm>> -> memref<320xf32, #tpu.memory_space<hbm>>
      tpu.wait_dma2 semaphore(%run_scoped3A : memref<!tpu.dma_semaphore, #tpu.memory_space<semaphore_mem>>) src(%dma_wait3A_369 : memref<320xf32, #tpu.memory_space<hbm>>) dst(%dma_wait3A_368 : memref<320xf32, #tpu.memory_space<vmem>>)
      tpu.yield
    }) : () -> ()
    "tpu.region"() ({
      %run_scoped3A = tpu.sem_alloc : memref<!tpu.dma_semaphore, #tpu.memory_space<semaphore_mem>>
      %dma_start3A = arith.constant 0 : i32
      %dma_start3A_360 = tpu.memref_slice %arg13[%dma_start3A] : memref<336xf32, #tpu.memory_space<vmem>> -> memref<320xf32, #tpu.memory_space<vmem>>
      %dma_start3A_361 = tpu.memref_slice %arg4[%mul3A_0] : memref<5120xf32, #tpu.memory_space<hbm>> -> memref<320xf32, #tpu.memory_space<hbm>>
      %dma_start3A_362 = arith.constant 0 : i32
      %dma_start3A_363 = tpu.memref_slice %arg13[%dma_start3A_362] : memref<336xf32, #tpu.memory_space<vmem>> -> memref<320xf32, #tpu.memory_space<vmem>>
      %dma_start3A_364 = tpu.memref_slice %arg4[%mul3A_0] : memref<5120xf32, #tpu.memory_space<hbm>> -> memref<320xf32, #tpu.memory_space<hbm>>
      tpu.enqueue_dma source(%dma_start3A_364 : memref<320xf32, #tpu.memory_space<hbm>>) target(%dma_start3A_363 : memref<320xf32, #tpu.memory_space<vmem>>) target_semaphore(%run_scoped3A : memref<!tpu.dma_semaphore, #tpu.memory_space<semaphore_mem>>)
      %dma_wait3A = arith.constant 0 : i32
      %dma_wait3A_365 = tpu.memref_slice %arg13[%dma_wait3A] : memref<336xf32, #tpu.memory_space<vmem>> -> memref<320xf32, #tpu.memory_space<vmem>>
      %dma_wait3A_366 = tpu.memref_slice %arg4[%mul3A_0] : memref<5120xf32, #tpu.memory_space<hbm>> -> memref<320xf32, #tpu.memory_space<hbm>>
      %dma_wait3A_367 = arith.constant 0 : i32
      %dma_wait3A_368 = tpu.memref_slice %arg13[%dma_wait3A_367] : memref<336xf32, #tpu.memory_space<vmem>> -> memref<320xf32, #tpu.memory_space<vmem>>
      %dma_wait3A_369 = tpu.memref_slice %arg4[%mul3A_0] : memref<5120xf32, #tpu.memory_space<hbm>> -> memref<320xf32, #tpu.memory_space<hbm>>
      tpu.wait_dma2 semaphore(%run_scoped3A : memref<!tpu.dma_semaphore, #tpu.memory_space<semaphore_mem>>) src(%dma_wait3A_369 : memref<320xf32, #tpu.memory_space<hbm>>) dst(%dma_wait3A_368 : memref<320xf32, #tpu.memory_space<vmem>>)
      tpu.yield
    }) : () -> ()
    "tpu.region"() ({
      %run_scoped3A = tpu.sem_alloc : memref<!tpu.dma_semaphore, #tpu.memory_space<semaphore_mem>>
      %dma_start3A = arith.constant 0 : i32
      %dma_start3A_360 = tpu.memref_slice %arg14[%dma_start3A] : memref<336xf32, #tpu.memory_space<vmem>> -> memref<320xf32, #tpu.memory_space<vmem>>
      %dma_start3A_361 = tpu.memref_slice %arg5[%mul3A_0] : memref<5120xf32, #tpu.memory_space<hbm>> -> memref<320xf32, #tpu.memory_space<hbm>>
      %dma_start3A_362 = arith.constant 0 : i32
      %dma_start3A_363 = tpu.memref_slice %arg14[%dma_start3A_362] : memref<336xf32, #tpu.memory_space<vmem>> -> memref<320xf32, #tpu.memory_space<vmem>>
      %dma_start3A_364 = tpu.memref_slice %arg5[%mul3A_0] : memref<5120xf32, #tpu.memory_space<hbm>> -> memref<320xf32, #tpu.memory_space<hbm>>
      tpu.enqueue_dma source(%dma_start3A_364 : memref<320xf32, #tpu.memory_space<hbm>>) target(%dma_start3A_363 : memref<320xf32, #tpu.memory_space<vmem>>) target_semaphore(%run_scoped3A : memref<!tpu.dma_semaphore, #tpu.memory_space<semaphore_mem>>)
      %dma_wait3A = arith.constant 0 : i32
      %dma_wait3A_365 = tpu.memref_slice %arg14[%dma_wait3A] : memref<336xf32, #tpu.memory_space<vmem>> -> memref<320xf32, #tpu.memory_space<vmem>>
      %dma_wait3A_366 = tpu.memref_slice %arg5[%mul3A_0] : memref<5120xf32, #tpu.memory_space<hbm>> -> memref<320xf32, #tpu.memory_space<hbm>>
      %dma_wait3A_367 = arith.constant 0 : i32
      %dma_wait3A_368 = tpu.memref_slice %arg14[%dma_wait3A_367] : memref<336xf32, #tpu.memory_space<vmem>> -> memref<320xf32, #tpu.memory_space<vmem>>
      %dma_wait3A_369 = tpu.memref_slice %arg5[%mul3A_0] : memref<5120xf32, #tpu.memory_space<hbm>> -> memref<320xf32, #tpu.memory_space<hbm>>
      tpu.wait_dma2 semaphore(%run_scoped3A : memref<!tpu.dma_semaphore, #tpu.memory_space<semaphore_mem>>) src(%dma_wait3A_369 : memref<320xf32, #tpu.memory_space<hbm>>) dst(%dma_wait3A_368 : memref<320xf32, #tpu.memory_space<vmem>>)
      tpu.yield
    }) : () -> ()
    "tpu.region"() ({
      %run_scoped3A = tpu.sem_alloc : memref<!tpu.dma_semaphore, #tpu.memory_space<semaphore_mem>>
      %dma_start3A = arith.constant 0 : i32
      %dma_start3A_360 = tpu.memref_slice %arg15[%dma_start3A] : memref<336xf32, #tpu.memory_space<vmem>> -> memref<320xf32, #tpu.memory_space<vmem>>
      %dma_start3A_361 = tpu.memref_slice %arg6[%mul3A_0] : memref<5120xf32, #tpu.memory_space<hbm>> -> memref<320xf32, #tpu.memory_space<hbm>>
      %dma_start3A_362 = arith.constant 0 : i32
      %dma_start3A_363 = tpu.memref_slice %arg15[%dma_start3A_362] : memref<336xf32, #tpu.memory_space<vmem>> -> memref<320xf32, #tpu.memory_space<vmem>>
      %dma_start3A_364 = tpu.memref_slice %arg6[%mul3A_0] : memref<5120xf32, #tpu.memory_space<hbm>> -> memref<320xf32, #tpu.memory_space<hbm>>
      tpu.enqueue_dma source(%dma_start3A_364 : memref<320xf32, #tpu.memory_space<hbm>>) target(%dma_start3A_363 : memref<320xf32, #tpu.memory_space<vmem>>) target_semaphore(%run_scoped3A : memref<!tpu.dma_semaphore, #tpu.memory_space<semaphore_mem>>)
      %dma_wait3A = arith.constant 0 : i32
      %dma_wait3A_365 = tpu.memref_slice %arg15[%dma_wait3A] : memref<336xf32, #tpu.memory_space<vmem>> -> memref<320xf32, #tpu.memory_space<vmem>>
      %dma_wait3A_366 = tpu.memref_slice %arg6[%mul3A_0] : memref<5120xf32, #tpu.memory_space<hbm>> -> memref<320xf32, #tpu.memory_space<hbm>>
      %dma_wait3A_367 = arith.constant 0 : i32
      %dma_wait3A_368 = tpu.memref_slice %arg15[%dma_wait3A_367] : memref<336xf32, #tpu.memory_space<vmem>> -> memref<320xf32, #tpu.memory_space<vmem>>
      %dma_wait3A_369 = tpu.memref_slice %arg6[%mul3A_0] : memref<5120xf32, #tpu.memory_space<hbm>> -> memref<320xf32, #tpu.memory_space<hbm>>
      tpu.wait_dma2 semaphore(%run_scoped3A : memref<!tpu.dma_semaphore, #tpu.memory_space<semaphore_mem>>) src(%dma_wait3A_369 : memref<320xf32, #tpu.memory_space<hbm>>) dst(%dma_wait3A_368 : memref<320xf32, #tpu.memory_space<vmem>>)
      tpu.yield
    }) : () -> ()
    "tpu.region"() ({
      %run_scoped3A = tpu.sem_alloc : memref<!tpu.dma_semaphore, #tpu.memory_space<semaphore_mem>>
      %dma_start3A = arith.constant 0 : i32
      %dma_start3A_360 = tpu.memref_slice %arg16[%dma_start3A] : memref<336xi32, #tpu.memory_space<vmem>> -> memref<320xi32, #tpu.memory_space<vmem>>
      %dma_start3A_361 = tpu.memref_slice %arg7[%mul3A_0] : memref<5120xi32, #tpu.memory_space<hbm>> -> memref<320xi32, #tpu.memory_space<hbm>>
      %dma_start3A_362 = arith.constant 0 : i32
      %dma_start3A_363 = tpu.memref_slice %arg16[%dma_start3A_362] : memref<336xi32, #tpu.memory_space<vmem>> -> memref<320xi32, #tpu.memory_space<vmem>>
      %dma_start3A_364 = tpu.memref_slice %arg7[%mul3A_0] : memref<5120xi32, #tpu.memory_space<hbm>> -> memref<320xi32, #tpu.memory_space<hbm>>
      tpu.enqueue_dma source(%dma_start3A_364 : memref<320xi32, #tpu.memory_space<hbm>>) target(%dma_start3A_363 : memref<320xi32, #tpu.memory_space<vmem>>) target_semaphore(%run_scoped3A : memref<!tpu.dma_semaphore, #tpu.memory_space<semaphore_mem>>)
      %dma_wait3A = arith.constant 0 : i32
      %dma_wait3A_365 = tpu.memref_slice %arg16[%dma_wait3A] : memref<336xi32, #tpu.memory_space<vmem>> -> memref<320xi32, #tpu.memory_space<vmem>>
      %dma_wait3A_366 = tpu.memref_slice %arg7[%mul3A_0] : memref<5120xi32, #tpu.memory_space<hbm>> -> memref<320xi32, #tpu.memory_space<hbm>>
      %dma_wait3A_367 = arith.constant 0 : i32
      %dma_wait3A_368 = tpu.memref_slice %arg16[%dma_wait3A_367] : memref<336xi32, #tpu.memory_space<vmem>> -> memref<320xi32, #tpu.memory_space<vmem>>
      %dma_wait3A_369 = tpu.memref_slice %arg7[%mul3A_0] : memref<5120xi32, #tpu.memory_space<hbm>> -> memref<320xi32, #tpu.memory_space<hbm>>
      tpu.wait_dma2 semaphore(%run_scoped3A : memref<!tpu.dma_semaphore, #tpu.memory_space<semaphore_mem>>) src(%dma_wait3A_369 : memref<320xi32, #tpu.memory_space<hbm>>) dst(%dma_wait3A_368 : memref<320xi32, #tpu.memory_space<vmem>>)
      tpu.yield
    }) : () -> ()
    %broadcast_in_dim3A = arith.constant -1.000000e+30 : f32
    %broadcast_in_dim3A_4 = vector.broadcast %broadcast_in_dim3A : f32 to vector<16xf32>
    %scan3A = arith.constant 0 : i32
    %scan3A_5 = arith.constant 20 : i32
    %scan3A_6 = arith.addi %scan3A, %scan3A_5 : i32
    %scan3A_7 = arith.constant 1 : i32
    %scan3A_8 = scf.for %scan3A_360 = %scan3A to %scan3A_6 step %scan3A_7 iter_args(%scan3A_361 = %broadcast_in_dim3A_4) -> (vector<16xf32>)  : i32 {
      %mul3A_362 = arith.constant 16 : i32
      %mul3A_363 = arith.muli %scan3A_360, %mul3A_362 : i32
      %get3A_364 = arith.index_cast %mul3A_363 : i32 to index
      %get3A_365 = tpu.vector_load %arg13[%get3A_364] {strides = array<i32>} : memref<336xf32, #tpu.memory_space<vmem>>, vector<16xf32>,
      %get3A_366 = vector.shape_cast %get3A_365 : vector<16xf32> to vector<16xf32>
      %get3A_367 = arith.index_cast %mul3A_363 : i32 to index
      %get3A_368 = tpu.vector_load %arg14[%get3A_367] {strides = array<i32>} : memref<336xf32, #tpu.memory_space<vmem>>, vector<16xf32>,
      %get3A_369 = vector.shape_cast %get3A_368 : vector<16xf32> to vector<16xf32>
      %max3A_370 = arith.maximumf %get3A_366, %get3A_369 : vector<16xf32>
      %max3A_371 = arith.maximumf %scan3A_361, %max3A_370 : vector<16xf32>
      scf.yield %max3A_371 : vector<16xf32>
    }
    %scan3A_9 = arith.constant 20 : i32
    %xor3A = arith.constant 8 : i32
    %xor3A_10 = vector.broadcast %xor3A : i32 to vector<16xi32>
    %xor3A_11 = arith.xori %iota3A, %xor3A_10 : vector<16xi32>
    %broadcast_in_dim3A_12 = vector.shape_cast %xor3A_11 : vector<16xi32> to vector<16x1xi32>
    %gather3A = vector.shape_cast %broadcast_in_dim3A_12 : vector<16x1xi32> to vector<16xi32>
    %gather3A_13 = tpu.dynamic_gather %scan3A_8[%gather3A] in [0] : vector<16xf32>, vector<16xi32> -> vector<16xf32>
    %max3A = arith.maximumf %scan3A_8, %gather3A_13 : vector<16xf32>
    %xor3A_14 = arith.constant 4 : i32
    %xor3A_15 = vector.broadcast %xor3A_14 : i32 to vector<16xi32>
    %xor3A_16 = arith.xori %iota3A, %xor3A_15 : vector<16xi32>
    %broadcast_in_dim3A_17 = vector.shape_cast %xor3A_16 : vector<16xi32> to vector<16x1xi32>
    %gather3A_18 = vector.shape_cast %broadcast_in_dim3A_17 : vector<16x1xi32> to vector<16xi32>
    %gather3A_19 = tpu.dynamic_gather %max3A[%gather3A_18] in [0] : vector<16xf32>, vector<16xi32> -> vector<16xf32>
    %max3A_20 = arith.maximumf %max3A, %gather3A_19 : vector<16xf32>
    %xor3A_21 = arith.constant 2 : i32
    %xor3A_22 = vector.broadcast %xor3A_21 : i32 to vector<16xi32>
    %xor3A_23 = arith.xori %iota3A, %xor3A_22 : vector<16xi32>
    %broadcast_in_dim3A_24 = vector.shape_cast %xor3A_23 : vector<16xi32> to vector<16x1xi32>
    %gather3A_25 = vector.shape_cast %broadcast_in_dim3A_24 : vector<16x1xi32> to vector<16xi32>
    %gather3A_26 = tpu.dynamic_gather %max3A_20[%gather3A_25] in [0] : vector<16xf32>, vector<16xi32> -> vector<16xf32>
    %max3A_27 = arith.maximumf %max3A_20, %gather3A_26 : vector<16xf32>
    %xor3A_28 = arith.constant 1 : i32
    %xor3A_29 = vector.broadcast %xor3A_28 : i32 to vector<16xi32>
    %xor3A_30 = arith.xori %iota3A, %xor3A_29 : vector<16xi32>
    %broadcast_in_dim3A_31 = vector.shape_cast %xor3A_30 : vector<16xi32> to vector<16x1xi32>
    %gather3A_32 = vector.shape_cast %broadcast_in_dim3A_31 : vector<16x1xi32> to vector<16xi32>
    %gather3A_33 = tpu.dynamic_gather %max3A_27[%gather3A_32] in [0] : vector<16xf32>, vector<16xi32> -> vector<16xf32>
    %max3A_34 = arith.maximumf %max3A_27, %gather3A_33 : vector<16xf32>
    %eq3A_35 = arith.constant 0 : i32
    %eq3A_36 = vector.broadcast %eq3A_35 : i32 to vector<16xi32>
    %eq3A_37 = arith.cmpi eq, %iota3A, %eq3A_36 : vector<16xi32>
    %slice3A = vector.extract_strided_slice %max3A_34 {offsets = [0], sizes = [1], strides = [1]} : vector<16xf32> to vector<1xf32>
    %squeeze3A = vector.extract %slice3A[0] : f32 from vector<1xf32>
    %jit3A = arith.constant 0.000000e+00 : f32
    %broadcast_in_dim3A_38 = vector.broadcast %squeeze3A : f32 to vector<16xf32>
    %broadcast_in_dim3A_39 = vector.broadcast %jit3A : f32 to vector<16xf32>
    %select_n3A = arith.select %eq3A_37, %broadcast_in_dim3A_38, %broadcast_in_dim3A_39 : vector<16xi1>, vector<16xf32>
    %swap3A = arith.constant 0 : index
    %swap3A_40 = tpu.vector_load %arg26[%swap3A] {strides = array<i32>} : memref<16xf32, #tpu.memory_space<vmem>>, vector<16xf32>,
    %swap3A_41 = vector.shape_cast %swap3A_40 : vector<16xf32> to vector<16xf32>
    %swap3A_42 = vector.shape_cast %select_n3A : vector<16xf32> to vector<16xf32>
    tpu.vector_store %arg26[%swap3A], %swap3A_42 {strides = array<i32>} : memref<16xf32, #tpu.memory_space<vmem>>, vector<16xf32>,
    %mul3A_43 = arith.constant 16 : i32
    %mul3A_44 = arith.muli %arg1, %mul3A_43 : i32
    %add3A = arith.constant 512 : i32
    %add3A_45 = arith.addi %add3A, %mul3A_44 : i32
    "tpu.region"() ({
      %run_scoped3A = tpu.sem_alloc : memref<!tpu.dma_semaphore, #tpu.memory_space<semaphore_mem>>
      %dma_start3A = tpu.memref_slice %arg29[%add3A_45] : memref<768xf32, #tpu.memory_space<vmem_shared>> -> memref<16xf32, #tpu.memory_space<vmem_shared>>
      %dma_start3A_360 = tpu.memref_slice %arg29[%add3A_45] : memref<768xf32, #tpu.memory_space<vmem_shared>> -> memref<16xf32, #tpu.memory_space<vmem_shared>>
      tpu.enqueue_dma source(%arg26 : memref<16xf32, #tpu.memory_space<vmem>>) target(%dma_start3A_360 : memref<16xf32, #tpu.memory_space<vmem_shared>>) target_semaphore(%run_scoped3A : memref<!tpu.dma_semaphore, #tpu.memory_space<semaphore_mem>>)
      %dma_wait3A = tpu.memref_slice %arg29[%add3A_45] : memref<768xf32, #tpu.memory_space<vmem_shared>> -> memref<16xf32, #tpu.memory_space<vmem_shared>>
      %dma_wait3A_361 = tpu.memref_slice %arg29[%add3A_45] : memref<768xf32, #tpu.memory_space<vmem_shared>> -> memref<16xf32, #tpu.memory_space<vmem_shared>>
      tpu.wait_dma2 semaphore(%run_scoped3A : memref<!tpu.dma_semaphore, #tpu.memory_space<semaphore_mem>>) src(%arg26 : memref<16xf32, #tpu.memory_space<vmem>>) dst(%dma_wait3A_361 : memref<16xf32, #tpu.memory_space<vmem_shared>>)
      tpu.yield
    }) : () -> ()
    %barrier3A = arith.constant 0 : index
    tpu.barrier barrier_id(%barrier3A)
    "tpu.region"() ({
      %run_scoped3A = tpu.sem_alloc : memref<!tpu.dma_semaphore, #tpu.memory_space<semaphore_mem>>
      %dma_start3A = arith.constant 512 : i32
      %dma_start3A_360 = tpu.memref_slice %arg29[%dma_start3A] : memref<768xf32, #tpu.memory_space<vmem_shared>> -> memref<256xf32, #tpu.memory_space<vmem_shared>>
      %dma_start3A_361 = arith.constant 512 : i32
      %dma_start3A_362 = tpu.memref_slice %arg29[%dma_start3A_361] : memref<768xf32, #tpu.memory_space<vmem_shared>> -> memref<256xf32, #tpu.memory_space<vmem_shared>>
      tpu.enqueue_dma source(%dma_start3A_362 : memref<256xf32, #tpu.memory_space<vmem_shared>>) target(%arg28 : memref<256xf32, #tpu.memory_space<vmem>>) target_semaphore(%run_scoped3A : memref<!tpu.dma_semaphore, #tpu.memory_space<semaphore_mem>>)
      %dma_wait3A = arith.constant 512 : i32
      %dma_wait3A_363 = tpu.memref_slice %arg29[%dma_wait3A] : memref<768xf32, #tpu.memory_space<vmem_shared>> -> memref<256xf32, #tpu.memory_space<vmem_shared>>
      %dma_wait3A_364 = arith.constant 512 : i32
      %dma_wait3A_365 = tpu.memref_slice %arg29[%dma_wait3A_364] : memref<768xf32, #tpu.memory_space<vmem_shared>> -> memref<256xf32, #tpu.memory_space<vmem_shared>>
      tpu.wait_dma2 semaphore(%run_scoped3A : memref<!tpu.dma_semaphore, #tpu.memory_space<semaphore_mem>>) src(%dma_wait3A_365 : memref<256xf32, #tpu.memory_space<vmem_shared>>) dst(%arg28 : memref<256xf32, #tpu.memory_space<vmem>>)
      tpu.yield
    }) : () -> ()
    %get3A = arith.constant 0 : index
    %get3A_46 = tpu.vector_load %arg28[%get3A] {strides = array<i32>} : memref<256xf32, #tpu.memory_space<vmem>>, vector<16xf32>,
    %get3A_47 = vector.shape_cast %get3A_46 : vector<16xf32> to vector<16xf32>
    %slice3A_48 = vector.extract_strided_slice %get3A_47 {offsets = [0], sizes = [1], strides = [1]} : vector<16xf32> to vector<1xf32>
    %squeeze3A_49 = vector.extract %slice3A_48[0] : f32 from vector<1xf32>
    %max3A_50 = arith.constant -3.000000e+38 : f32
    %max3A_51 = arith.maximumf %max3A_50, %squeeze3A_49 : f32
    %get3A_52 = arith.constant 16 : index
    %get3A_53 = tpu.vector_load %arg28[%get3A_52] {strides = array<i32>} : memref<256xf32, #tpu.memory_space<vmem>>, vector<16xf32>,
    %get3A_54 = vector.shape_cast %get3A_53 : vector<16xf32> to vector<16xf32>
    %slice3A_55 = vector.extract_strided_slice %get3A_54 {offsets = [0], sizes = [1], strides = [1]} : vector<16xf32> to vector<1xf32>
    %squeeze3A_56 = vector.extract %slice3A_55[0] : f32 from vector<1xf32>
    %max3A_57 = arith.maximumf %max3A_51, %squeeze3A_56 : f32
    %get3A_58 = arith.constant 32 : index
    %get3A_59 = tpu.vector_load %arg28[%get3A_58] {strides = array<i32>} : memref<256xf32, #tpu.memory_space<vmem>>, vector<16xf32>,
    %get3A_60 = vector.shape_cast %get3A_59 : vector<16xf32> to vector<16xf32>
    %slice3A_61 = vector.extract_strided_slice %get3A_60 {offsets = [0], sizes = [1], strides = [1]} : vector<16xf32> to vector<1xf32>
    %squeeze3A_62 = vector.extract %slice3A_61[0] : f32 from vector<1xf32>
    %max3A_63 = arith.maximumf %max3A_57, %squeeze3A_62 : f32
    %get3A_64 = arith.constant 48 : index
    %get3A_65 = tpu.vector_load %arg28[%get3A_64] {strides = array<i32>} : memref<256xf32, #tpu.memory_space<vmem>>, vector<16xf32>,
    %get3A_66 = vector.shape_cast %get3A_65 : vector<16xf32> to vector<16xf32>
    %slice3A_67 = vector.extract_strided_slice %get3A_66 {offsets = [0], sizes = [1], strides = [1]} : vector<16xf32> to vector<1xf32>
    %squeeze3A_68 = vector.extract %slice3A_67[0] : f32 from vector<1xf32>
    %max3A_69 = arith.maximumf %max3A_63, %squeeze3A_68 : f32
    %get3A_70 = arith.constant 64 : index
    %get3A_71 = tpu.vector_load %arg28[%get3A_70] {strides = array<i32>} : memref<256xf32, #tpu.memory_space<vmem>>, vector<16xf32>,
    %get3A_72 = vector.shape_cast %get3A_71 : vector<16xf32> to vector<16xf32>
    %slice3A_73 = vector.extract_strided_slice %get3A_72 {offsets = [0], sizes = [1], strides = [1]} : vector<16xf32> to vector<1xf32>
    %squeeze3A_74 = vector.extract %slice3A_73[0] : f32 from vector<1xf32>
    %max3A_75 = arith.maximumf %max3A_69, %squeeze3A_74 : f32
    %get3A_76 = arith.constant 80 : index
    %get3A_77 = tpu.vector_load %arg28[%get3A_76] {strides = array<i32>} : memref<256xf32, #tpu.memory_space<vmem>>, vector<16xf32>,
    %get3A_78 = vector.shape_cast %get3A_77 : vector<16xf32> to vector<16xf32>
    %slice3A_79 = vector.extract_strided_slice %get3A_78 {offsets = [0], sizes = [1], strides = [1]} : vector<16xf32> to vector<1xf32>
    %squeeze3A_80 = vector.extract %slice3A_79[0] : f32 from vector<1xf32>
    %max3A_81 = arith.maximumf %max3A_75, %squeeze3A_80 : f32
    %get3A_82 = arith.constant 96 : index
    %get3A_83 = tpu.vector_load %arg28[%get3A_82] {strides = array<i32>} : memref<256xf32, #tpu.memory_space<vmem>>, vector<16xf32>,
    %get3A_84 = vector.shape_cast %get3A_83 : vector<16xf32> to vector<16xf32>
    %slice3A_85 = vector.extract_strided_slice %get3A_84 {offsets = [0], sizes = [1], strides = [1]} : vector<16xf32> to vector<1xf32>
    %squeeze3A_86 = vector.extract %slice3A_85[0] : f32 from vector<1xf32>
    %max3A_87 = arith.maximumf %max3A_81, %squeeze3A_86 : f32
    %get3A_88 = arith.constant 112 : index
    %get3A_89 = tpu.vector_load %arg28[%get3A_88] {strides = array<i32>} : memref<256xf32, #tpu.memory_space<vmem>>, vector<16xf32>,
    %get3A_90 = vector.shape_cast %get3A_89 : vector<16xf32> to vector<16xf32>
    %slice3A_91 = vector.extract_strided_slice %get3A_90 {offsets = [0], sizes = [1], strides = [1]} : vector<16xf32> to vector<1xf32>
    %squeeze3A_92 = vector.extract %slice3A_91[0] : f32 from vector<1xf32>
    %max3A_93 = arith.maximumf %max3A_87, %squeeze3A_92 : f32
    %get3A_94 = arith.constant 128 : index
    %get3A_95 = tpu.vector_load %arg28[%get3A_94] {strides = array<i32>} : memref<256xf32, #tpu.memory_space<vmem>>, vector<16xf32>,
    %get3A_96 = vector.shape_cast %get3A_95 : vector<16xf32> to vector<16xf32>
    %slice3A_97 = vector.extract_strided_slice %get3A_96 {offsets = [0], sizes = [1], strides = [1]} : vector<16xf32> to vector<1xf32>
    %squeeze3A_98 = vector.extract %slice3A_97[0] : f32 from vector<1xf32>
    %max3A_99 = arith.maximumf %max3A_93, %squeeze3A_98 : f32
    %get3A_100 = arith.constant 144 : index
    %get3A_101 = tpu.vector_load %arg28[%get3A_100] {strides = array<i32>} : memref<256xf32, #tpu.memory_space<vmem>>, vector<16xf32>,
    %get3A_102 = vector.shape_cast %get3A_101 : vector<16xf32> to vector<16xf32>
    %slice3A_103 = vector.extract_strided_slice %get3A_102 {offsets = [0], sizes = [1], strides = [1]} : vector<16xf32> to vector<1xf32>
    %squeeze3A_104 = vector.extract %slice3A_103[0] : f32 from vector<1xf32>
    %max3A_105 = arith.maximumf %max3A_99, %squeeze3A_104 : f32
    %get3A_106 = arith.constant 160 : index
    %get3A_107 = tpu.vector_load %arg28[%get3A_106] {strides = array<i32>} : memref<256xf32, #tpu.memory_space<vmem>>, vector<16xf32>,
    %get3A_108 = vector.shape_cast %get3A_107 : vector<16xf32> to vector<16xf32>
    %slice3A_109 = vector.extract_strided_slice %get3A_108 {offsets = [0], sizes = [1], strides = [1]} : vector<16xf32> to vector<1xf32>
    %squeeze3A_110 = vector.extract %slice3A_109[0] : f32 from vector<1xf32>
    %max3A_111 = arith.maximumf %max3A_105, %squeeze3A_110 : f32
    %get3A_112 = arith.constant 176 : index
    %get3A_113 = tpu.vector_load %arg28[%get3A_112] {strides = array<i32>} : memref<256xf32, #tpu.memory_space<vmem>>, vector<16xf32>,
    %get3A_114 = vector.shape_cast %get3A_113 : vector<16xf32> to vector<16xf32>
    %slice3A_115 = vector.extract_strided_slice %get3A_114 {offsets = [0], sizes = [1], strides = [1]} : vector<16xf32> to vector<1xf32>
    %squeeze3A_116 = vector.extract %slice3A_115[0] : f32 from vector<1xf32>
    %max3A_117 = arith.maximumf %max3A_111, %squeeze3A_116 : f32
    %get3A_118 = arith.constant 192 : index
    %get3A_119 = tpu.vector_load %arg28[%get3A_118] {strides = array<i32>} : memref<256xf32, #tpu.memory_space<vmem>>, vector<16xf32>,
    %get3A_120 = vector.shape_cast %get3A_119 : vector<16xf32> to vector<16xf32>
    %slice3A_121 = vector.extract_strided_slice %get3A_120 {offsets = [0], sizes = [1], strides = [1]} : vector<16xf32> to vector<1xf32>
    %squeeze3A_122 = vector.extract %slice3A_121[0] : f32 from vector<1xf32>
    %max3A_123 = arith.maximumf %max3A_117, %squeeze3A_122 : f32
    %get3A_124 = arith.constant 208 : index
    %get3A_125 = tpu.vector_load %arg28[%get3A_124] {strides = array<i32>} : memref<256xf32, #tpu.memory_space<vmem>>, vector<16xf32>,
    %get3A_126 = vector.shape_cast %get3A_125 : vector<16xf32> to vector<16xf32>
    %slice3A_127 = vector.extract_strided_slice %get3A_126 {offsets = [0], sizes = [1], strides = [1]} : vector<16xf32> to vector<1xf32>
    %squeeze3A_128 = vector.extract %slice3A_127[0] : f32 from vector<1xf32>
    %max3A_129 = arith.maximumf %max3A_123, %squeeze3A_128 : f32
    %get3A_130 = arith.constant 224 : index
    %get3A_131 = tpu.vector_load %arg28[%get3A_130] {strides = array<i32>} : memref<256xf32, #tpu.memory_space<vmem>>, vector<16xf32>,
    %get3A_132 = vector.shape_cast %get3A_131 : vector<16xf32> to vector<16xf32>
    %slice3A_133 = vector.extract_strided_slice %get3A_132 {offsets = [0], sizes = [1], strides = [1]} : vector<16xf32> to vector<1xf32>
    %squeeze3A_134 = vector.extract %slice3A_133[0] : f32 from vector<1xf32>
    %max3A_135 = arith.maximumf %max3A_129, %squeeze3A_134 : f32
    %get3A_136 = arith.constant 240 : index
    %get3A_137 = tpu.vector_load %arg28[%get3A_136] {strides = array<i32>} : memref<256xf32, #tpu.memory_space<vmem>>, vector<16xf32>,
    %get3A_138 = vector.shape_cast %get3A_137 : vector<16xf32> to vector<16xf32>
    %slice3A_139 = vector.extract_strided_slice %get3A_138 {offsets = [0], sizes = [1], strides = [1]} : vector<16xf32> to vector<1xf32>
    %squeeze3A_140 = vector.extract %slice3A_139[0] : f32 from vector<1xf32>
    %max3A_141 = arith.maximumf %max3A_135, %squeeze3A_140 : f32
    %add3A_142 = arith.constant 1.000000e+00 : f32
    %add3A_143 = arith.addf %max3A_141, %add3A_142 : f32
    %broadcast_in_dim3A_144 = arith.constant -1.000000e+30 : f32
    %broadcast_in_dim3A_145 = vector.broadcast %broadcast_in_dim3A_144 : f32 to vector<16xf32>
    %broadcast_in_dim3A_146 = arith.constant 0 : i32
    %broadcast_in_dim3A_147 = vector.broadcast %broadcast_in_dim3A_146 : i32 to vector<16xi32>
    %scan3A_148 = arith.constant 0 : i32
    %scan3A_149 = arith.constant 20 : i32
    %scan3A_150 = arith.addi %scan3A_148, %scan3A_149 : i32
    %scan3A_151 = arith.constant 1 : i32
    %scan3A_152:2 = scf.for %scan3A_360 = %scan3A_148 to %scan3A_150 step %scan3A_151 iter_args(%scan3A_361 = %broadcast_in_dim3A_145, %scan3A_362 = %broadcast_in_dim3A_147) -> (vector<16xf32>, vector<16xi32>)  : i32 {
      %mul3A_363 = arith.constant 16 : i32
      %mul3A_364 = arith.muli %scan3A_360, %mul3A_363 : i32
      %mul3A_365 = arith.constant 16 : i32
      %mul3A_366 = arith.muli %scan3A_360, %mul3A_365 : i32
      %add3A_367 = arith.addi %mul3A_0, %mul3A_366 : i32
      %add3A_368 = vector.broadcast %add3A_367 : i32 to vector<16xi32>
      %add3A_369 = arith.addi %add3A_368, %iota3A : vector<16xi32>
      %get3A_370 = arith.index_cast %mul3A_364 : i32 to index
      %get3A_371 = tpu.vector_load %arg16[%get3A_370] {strides = array<i32>} : memref<336xi32, #tpu.memory_space<vmem>>, vector<16xi32>,
      %get3A_372 = vector.shape_cast %get3A_371 : vector<16xi32> to vector<16xi32>
      %convert_element_type3A_373 = arith.sitofp %get3A_372 : vector<16xi32> to vector<16xf32>
      %mul3A_374 = vector.broadcast %add3A_143 : f32 to vector<16xf32>
      %mul3A_375 = arith.mulf %convert_element_type3A_373, %mul3A_374 : vector<16xf32>
      %get3A_376 = arith.index_cast %mul3A_364 : i32 to index
      %get3A_377 = tpu.vector_load %arg11[%get3A_376] {strides = array<i32>} : memref<336xf32, #tpu.memory_space<vmem>>, vector<16xf32>,
      %get3A_378 = vector.shape_cast %get3A_377 : vector<16xf32> to vector<16xf32>
      %add3A_379 = arith.addf %get3A_378, %mul3A_375 : vector<16xf32>
      %get3A_380 = arith.index_cast %mul3A_364 : i32 to index
      %get3A_381 = tpu.vector_load %arg12[%get3A_380] {strides = array<i32>} : memref<336xf32, #tpu.memory_space<vmem>>, vector<16xf32>,
      %get3A_382 = vector.shape_cast %get3A_381 : vector<16xf32> to vector<16xf32>
      %add3A_383 = arith.addf %get3A_382, %mul3A_375 : vector<16xf32>
      %get3A_384 = arith.index_cast %mul3A_364 : i32 to index
      %get3A_385 = tpu.vector_load %arg13[%get3A_384] {strides = array<i32>} : memref<336xf32, #tpu.memory_space<vmem>>, vector<16xf32>,
      %get3A_386 = vector.shape_cast %get3A_385 : vector<16xf32> to vector<16xf32>
      %add3A_387 = arith.addf %get3A_386, %mul3A_375 : vector<16xf32>
      %get3A_388 = arith.index_cast %mul3A_364 : i32 to index
      %get3A_389 = tpu.vector_load %arg14[%get3A_388] {strides = array<i32>} : memref<336xf32, #tpu.memory_space<vmem>>, vector<16xf32>,
      %get3A_390 = vector.shape_cast %get3A_389 : vector<16xf32> to vector<16xf32>
      %add3A_391 = arith.addf %get3A_390, %mul3A_375 : vector<16xf32>
      %swap3A_392 = arith.index_cast %mul3A_364 : i32 to index
      %swap3A_393 = tpu.vector_load %arg17[%swap3A_392] {strides = array<i32>} : memref<336xf32, #tpu.memory_space<vmem>>, vector<16xf32>,
      %swap3A_394 = vector.shape_cast %swap3A_393 : vector<16xf32> to vector<16xf32>
      %swap3A_395 = vector.shape_cast %add3A_379 : vector<16xf32> to vector<16xf32>
      tpu.vector_store %arg17[%swap3A_392], %swap3A_395 {strides = array<i32>} : memref<336xf32, #tpu.memory_space<vmem>>, vector<16xf32>,
      %swap3A_396 = arith.index_cast %mul3A_364 : i32 to index
      %swap3A_397 = tpu.vector_load %arg18[%swap3A_396] {strides = array<i32>} : memref<336xf32, #tpu.memory_space<vmem>>, vector<16xf32>,
      %swap3A_398 = vector.shape_cast %swap3A_397 : vector<16xf32> to vector<16xf32>
      %swap3A_399 = vector.shape_cast %add3A_383 : vector<16xf32> to vector<16xf32>
      tpu.vector_store %arg18[%swap3A_396], %swap3A_399 {strides = array<i32>} : memref<336xf32, #tpu.memory_space<vmem>>, vector<16xf32>,
      %swap3A_400 = arith.index_cast %mul3A_364 : i32 to index
      %swap3A_401 = tpu.vector_load %arg19[%swap3A_400] {strides = array<i32>} : memref<336xf32, #tpu.memory_space<vmem>>, vector<16xf32>,
      %swap3A_402 = vector.shape_cast %swap3A_401 : vector<16xf32> to vector<16xf32>
      %swap3A_403 = vector.shape_cast %add3A_387 : vector<16xf32> to vector<16xf32>
      tpu.vector_store %arg19[%swap3A_400], %swap3A_403 {strides = array<i32>} : memref<336xf32, #tpu.memory_space<vmem>>, vector<16xf32>,
      %swap3A_404 = arith.index_cast %mul3A_364 : i32 to index
      %swap3A_405 = tpu.vector_load %arg20[%swap3A_404] {strides = array<i32>} : memref<336xf32, #tpu.memory_space<vmem>>, vector<16xf32>,
      %swap3A_406 = vector.shape_cast %swap3A_405 : vector<16xf32> to vector<16xf32>
      %swap3A_407 = vector.shape_cast %add3A_391 : vector<16xf32> to vector<16xf32>
      tpu.vector_store %arg20[%swap3A_404], %swap3A_407 {strides = array<i32>} : memref<336xf32, #tpu.memory_space<vmem>>, vector<16xf32>,
      %get3A_408 = arith.index_cast %mul3A_364 : i32 to index
      %get3A_409 = tpu.vector_load %arg15[%get3A_408] {strides = array<i32>} : memref<336xf32, #tpu.memory_space<vmem>>, vector<16xf32>,
      %get3A_410 = vector.shape_cast %get3A_409 : vector<16xf32> to vector<16xf32>
      %ge3A = arith.constant 2.000000e-01 : f32
      %ge3A_411 = vector.broadcast %ge3A : f32 to vector<16xf32>
      %ge3A_412 = arith.cmpf oge, %get3A_410, %ge3A_411 : vector<16xf32>
      %jit3A_413 = arith.constant -1.000000e+30 : f32
      %broadcast_in_dim3A_414 = vector.broadcast %jit3A_413 : f32 to vector<16xf32>
      %select_n3A_415 = arith.select %ge3A_412, %get3A_410, %broadcast_in_dim3A_414 : vector<16xi1>, vector<16xf32>
      %swap3A_416 = arith.index_cast %mul3A_364 : i32 to index
      %swap3A_417 = tpu.vector_load %arg21[%swap3A_416] {strides = array<i32>} : memref<336xf32, #tpu.memory_space<vmem>>, vector<16xf32>,
      %swap3A_418 = vector.shape_cast %swap3A_417 : vector<16xf32> to vector<16xf32>
      %swap3A_419 = vector.shape_cast %select_n3A_415 : vector<16xf32> to vector<16xf32>
      tpu.vector_store %arg21[%swap3A_416], %swap3A_419 {strides = array<i32>} : memref<336xf32, #tpu.memory_space<vmem>>, vector<16xf32>,
      %convert_element_type3A_420 = arith.sitofp %add3A_369 : vector<16xi32> to vector<16xf32>
      %lt3A_421 = arith.constant 5000 : i32
      %lt3A_422 = vector.broadcast %lt3A_421 : i32 to vector<16xi32>
      %lt3A_423 = arith.cmpi slt, %add3A_369, %lt3A_422 : vector<16xi32>
      %add3A_424 = arith.constant 2.000000e+00 : f32
      %add3A_425 = vector.broadcast %add3A_424 : f32 to vector<16xf32>
      %add3A_426 = arith.addf %convert_element_type3A_420, %add3A_425 : vector<16xf32>
      %neg3A = arith.constant 0.000000e+00 : f32
      %neg3A_427 = vector.broadcast %neg3A : f32 to vector<16xf32>
      %neg3A_428 = arith.subf %neg3A_427, %add3A_426 : vector<16xf32>
      %jit3A_429 = arith.constant -1.000000e+30 : f32
      %broadcast_in_dim3A_430 = vector.broadcast %jit3A_429 : f32 to vector<16xf32>
      %select_n3A_431 = arith.select %lt3A_423, %neg3A_428, %broadcast_in_dim3A_430 : vector<16xi1>, vector<16xf32>
      %select_n3A_432 = arith.select %ge3A_412, %get3A_410, %select_n3A_431 : vector<16xi1>, vector<16xf32>
      %swap3A_433 = arith.index_cast %mul3A_364 : i32 to index
      %swap3A_434 = tpu.vector_load %arg22[%swap3A_433] {strides = array<i32>} : memref<336xf32, #tpu.memory_space<vmem>>, vector<16xf32>,
      %swap3A_435 = vector.shape_cast %swap3A_434 : vector<16xf32> to vector<16xf32>
      %swap3A_436 = vector.shape_cast %select_n3A_432 : vector<16xf32> to vector<16xf32>
      tpu.vector_store %arg22[%swap3A_433], %swap3A_436 {strides = array<i32>} : memref<336xf32, #tpu.memory_space<vmem>>, vector<16xf32>,
      %gt3A_437 = arith.cmpf ogt, %select_n3A_415, %scan3A_361 : vector<16xf32>
      %select_n3A_438 = arith.select %gt3A_437, %select_n3A_415, %scan3A_361 : vector<16xi1>, vector<16xf32>
      %select_n3A_439 = arith.select %gt3A_437, %add3A_369, %scan3A_362 : vector<16xi1>, vector<16xi32>
      scf.yield %select_n3A_438, %select_n3A_439 : vector<16xf32>, vector<16xi32>
    }
    %scan3A_153 = arith.constant 20 : i32
    %xor3A_154 = arith.constant 8 : i32
    %xor3A_155 = vector.broadcast %xor3A_154 : i32 to vector<16xi32>
    %xor3A_156 = arith.xori %iota3A, %xor3A_155 : vector<16xi32>
    %broadcast_in_dim3A_157 = vector.shape_cast %xor3A_156 : vector<16xi32> to vector<16x1xi32>
    %gather3A_158 = vector.shape_cast %broadcast_in_dim3A_157 : vector<16x1xi32> to vector<16xi32>
    %gather3A_159 = tpu.dynamic_gather %scan3A_152#0[%gather3A_158] in [0] : vector<16xf32>, vector<16xi32> -> vector<16xf32>
    %broadcast_in_dim3A_160 = vector.shape_cast %xor3A_156 : vector<16xi32> to vector<16x1xi32>
    %gather3A_161 = vector.shape_cast %broadcast_in_dim3A_160 : vector<16x1xi32> to vector<16xi32>
    %gather3A_162 = tpu.dynamic_gather %scan3A_152#1[%gather3A_161] in [0] : vector<16xi32>, vector<16xi32> -> vector<16xi32>
    %gt3A = arith.cmpf ogt, %gather3A_159, %scan3A_152#0 : vector<16xf32>
    %eq3A_163 = arith.cmpf oeq, %gather3A_159, %scan3A_152#0 : vector<16xf32>
    %lt3A = arith.cmpi slt, %gather3A_162, %scan3A_152#1 : vector<16xi32>
    %and3A_164 = arith.andi %eq3A_163, %lt3A : vector<16xi1>
    %or3A = arith.ori %gt3A, %and3A_164 : vector<16xi1>
    %select_n3A_165 = arith.select %or3A, %gather3A_159, %scan3A_152#0 : vector<16xi1>, vector<16xf32>
    %select_n3A_166 = arith.select %or3A, %gather3A_162, %scan3A_152#1 : vector<16xi1>, vector<16xi32>
    %xor3A_167 = arith.constant 4 : i32
    %xor3A_168 = vector.broadcast %xor3A_167 : i32 to vector<16xi32>
    %xor3A_169 = arith.xori %iota3A, %xor3A_168 : vector<16xi32>
    %broadcast_in_dim3A_170 = vector.shape_cast %xor3A_169 : vector<16xi32> to vector<16x1xi32>
    %gather3A_171 = vector.shape_cast %broadcast_in_dim3A_170 : vector<16x1xi32> to vector<16xi32>
    %gather3A_172 = tpu.dynamic_gather %select_n3A_165[%gather3A_171] in [0] : vector<16xf32>, vector<16xi32> -> vector<16xf32>
    %broadcast_in_dim3A_173 = vector.shape_cast %xor3A_169 : vector<16xi32> to vector<16x1xi32>
    %gather3A_174 = vector.shape_cast %broadcast_in_dim3A_173 : vector<16x1xi32> to vector<16xi32>
    %gather3A_175 = tpu.dynamic_gather %select_n3A_166[%gather3A_174] in [0] : vector<16xi32>, vector<16xi32> -> vector<16xi32>
    %gt3A_176 = arith.cmpf ogt, %gather3A_172, %select_n3A_165 : vector<16xf32>
    %eq3A_177 = arith.cmpf oeq, %gather3A_172, %select_n3A_165 : vector<16xf32>
    %lt3A_178 = arith.cmpi slt, %gather3A_175, %select_n3A_166 : vector<16xi32>
    %and3A_179 = arith.andi %eq3A_177, %lt3A_178 : vector<16xi1>
    %or3A_180 = arith.ori %gt3A_176, %and3A_179 : vector<16xi1>
    %select_n3A_181 = arith.select %or3A_180, %gather3A_172, %select_n3A_165 : vector<16xi1>, vector<16xf32>
    %select_n3A_182 = arith.select %or3A_180, %gather3A_175, %select_n3A_166 : vector<16xi1>, vector<16xi32>
    %xor3A_183 = arith.constant 2 : i32
    %xor3A_184 = vector.broadcast %xor3A_183 : i32 to vector<16xi32>
    %xor3A_185 = arith.xori %iota3A, %xor3A_184 : vector<16xi32>
    %broadcast_in_dim3A_186 = vector.shape_cast %xor3A_185 : vector<16xi32> to vector<16x1xi32>
    %gather3A_187 = vector.shape_cast %broadcast_in_dim3A_186 : vector<16x1xi32> to vector<16xi32>
    %gather3A_188 = tpu.dynamic_gather %select_n3A_181[%gather3A_187] in [0] : vector<16xf32>, vector<16xi32> -> vector<16xf32>
    %broadcast_in_dim3A_189 = vector.shape_cast %xor3A_185 : vector<16xi32> to vector<16x1xi32>
    %gather3A_190 = vector.shape_cast %broadcast_in_dim3A_189 : vector<16x1xi32> to vector<16xi32>
    %gather3A_191 = tpu.dynamic_gather %select_n3A_182[%gather3A_190] in [0] : vector<16xi32>, vector<16xi32> -> vector<16xi32>
    %gt3A_192 = arith.cmpf ogt, %gather3A_188, %select_n3A_181 : vector<16xf32>
    %eq3A_193 = arith.cmpf oeq, %gather3A_188, %select_n3A_181 : vector<16xf32>
    %lt3A_194 = arith.cmpi slt, %gather3A_191, %select_n3A_182 : vector<16xi32>
    %and3A_195 = arith.andi %eq3A_193, %lt3A_194 : vector<16xi1>
    %or3A_196 = arith.ori %gt3A_192, %and3A_195 : vector<16xi1>
    %select_n3A_197 = arith.select %or3A_196, %gather3A_188, %select_n3A_181 : vector<16xi1>, vector<16xf32>
    %select_n3A_198 = arith.select %or3A_196, %gather3A_191, %select_n3A_182 : vector<16xi1>, vector<16xi32>
    %xor3A_199 = arith.constant 1 : i32
    %xor3A_200 = vector.broadcast %xor3A_199 : i32 to vector<16xi32>
    %xor3A_201 = arith.xori %iota3A, %xor3A_200 : vector<16xi32>
    %broadcast_in_dim3A_202 = vector.shape_cast %xor3A_201 : vector<16xi32> to vector<16x1xi32>
    %gather3A_203 = vector.shape_cast %broadcast_in_dim3A_202 : vector<16x1xi32> to vector<16xi32>
    %gather3A_204 = tpu.dynamic_gather %select_n3A_197[%gather3A_203] in [0] : vector<16xf32>, vector<16xi32> -> vector<16xf32>
    %broadcast_in_dim3A_205 = vector.shape_cast %xor3A_201 : vector<16xi32> to vector<16x1xi32>
    %gather3A_206 = vector.shape_cast %broadcast_in_dim3A_205 : vector<16x1xi32> to vector<16xi32>
    %gather3A_207 = tpu.dynamic_gather %select_n3A_198[%gather3A_206] in [0] : vector<16xi32>, vector<16xi32> -> vector<16xi32>
    %gt3A_208 = arith.cmpf ogt, %gather3A_204, %select_n3A_197 : vector<16xf32>
    %eq3A_209 = arith.cmpf oeq, %gather3A_204, %select_n3A_197 : vector<16xf32>
    %lt3A_210 = arith.cmpi slt, %gather3A_207, %select_n3A_198 : vector<16xi32>
    %and3A_211 = arith.andi %eq3A_209, %lt3A_210 : vector<16xi1>
    %or3A_212 = arith.ori %gt3A_208, %and3A_211 : vector<16xi1>
    %select_n3A_213 = arith.select %or3A_212, %gather3A_204, %select_n3A_197 : vector<16xi1>, vector<16xf32>
    %select_n3A_214 = arith.select %or3A_212, %gather3A_207, %select_n3A_198 : vector<16xi1>, vector<16xi32>
    %slice3A_215 = vector.extract_strided_slice %select_n3A_213 {offsets = [0], sizes = [1], strides = [1]} : vector<16xf32> to vector<1xf32>
    %squeeze3A_216 = vector.extract %slice3A_215[0] : f32 from vector<1xf32>
    %slice3A_217 = vector.extract_strided_slice %select_n3A_214 {offsets = [0], sizes = [1], strides = [1]} : vector<16xi32> to vector<1xi32>
    %squeeze3A_218 = vector.extract %slice3A_217[0] : i32 from vector<1xi32>
    %sub3A = arith.subi %squeeze3A_218, %mul3A_0 : i32
    %jit3A_219 = arith.constant 0 : i32
    %jit3A_220 = arith.constant 319 : i32
    %max3A_221 = arith.maxsi %jit3A_219, %sub3A : i32
    %min3A = arith.minsi %jit3A_220, %max3A_221 : i32
    %get3A_222 = arith.index_cast %min3A : i32 to index
    %get3A_223 = tpu.vector_load %arg17[%get3A_222] {strides = array<i32>} : memref<336xf32, #tpu.memory_space<vmem>>, vector<16xf32>,
    %get3A_224 = vector.shape_cast %get3A_223 : vector<16xf32> to vector<16xf32>
    %slice3A_225 = vector.extract_strided_slice %get3A_224 {offsets = [0], sizes = [1], strides = [1]} : vector<16xf32> to vector<1xf32>
    %squeeze3A_226 = vector.extract %slice3A_225[0] : f32 from vector<1xf32>
    %get3A_227 = arith.index_cast %min3A : i32 to index
    %get3A_228 = tpu.vector_load %arg18[%get3A_227] {strides = array<i32>} : memref<336xf32, #tpu.memory_space<vmem>>, vector<16xf32>,
    %get3A_229 = vector.shape_cast %get3A_228 : vector<16xf32> to vector<16xf32>
    %slice3A_230 = vector.extract_strided_slice %get3A_229 {offsets = [0], sizes = [1], strides = [1]} : vector<16xf32> to vector<1xf32>
    %squeeze3A_231 = vector.extract %slice3A_230[0] : f32 from vector<1xf32>
    %get3A_232 = arith.index_cast %min3A : i32 to index
    %get3A_233 = tpu.vector_load %arg19[%get3A_232] {strides = array<i32>} : memref<336xf32, #tpu.memory_space<vmem>>, vector<16xf32>,
    %get3A_234 = vector.shape_cast %get3A_233 : vector<16xf32> to vector<16xf32>
    %slice3A_235 = vector.extract_strided_slice %get3A_234 {offsets = [0], sizes = [1], strides = [1]} : vector<16xf32> to vector<1xf32>
    %squeeze3A_236 = vector.extract %slice3A_235[0] : f32 from vector<1xf32>
    %get3A_237 = arith.index_cast %min3A : i32 to index
    %get3A_238 = tpu.vector_load %arg20[%get3A_237] {strides = array<i32>} : memref<336xf32, #tpu.memory_space<vmem>>, vector<16xf32>,
    %get3A_239 = vector.shape_cast %get3A_238 : vector<16xf32> to vector<16xf32>
    %slice3A_240 = vector.extract_strided_slice %get3A_239 {offsets = [0], sizes = [1], strides = [1]} : vector<16xf32> to vector<1xf32>
    %squeeze3A_241 = vector.extract %slice3A_240[0] : f32 from vector<1xf32>
    %convert_element_type3A = arith.sitofp %squeeze3A_218 : i32 to f32
    %get3A_242 = arith.index_cast %min3A : i32 to index
    %get3A_243 = tpu.vector_load %arg11[%get3A_242] {strides = array<i32>} : memref<336xf32, #tpu.memory_space<vmem>>, vector<16xf32>,
    %get3A_244 = vector.shape_cast %get3A_243 : vector<16xf32> to vector<16xf32>
    %slice3A_245 = vector.extract_strided_slice %get3A_244 {offsets = [0], sizes = [1], strides = [1]} : vector<16xf32> to vector<1xf32>
    %squeeze3A_246 = vector.extract %slice3A_245[0] : f32 from vector<1xf32>
    %get3A_247 = arith.index_cast %min3A : i32 to index
    %get3A_248 = tpu.vector_load %arg12[%get3A_247] {strides = array<i32>} : memref<336xf32, #tpu.memory_space<vmem>>, vector<16xf32>,
    %get3A_249 = vector.shape_cast %get3A_248 : vector<16xf32> to vector<16xf32>
    %slice3A_250 = vector.extract_strided_slice %get3A_249 {offsets = [0], sizes = [1], strides = [1]} : vector<16xf32> to vector<1xf32>
    %squeeze3A_251 = vector.extract %slice3A_250[0] : f32 from vector<1xf32>
    %get3A_252 = arith.index_cast %min3A : i32 to index
    %get3A_253 = tpu.vector_load %arg13[%get3A_252] {strides = array<i32>} : memref<336xf32, #tpu.memory_space<vmem>>, vector<16xf32>,
    %get3A_254 = vector.shape_cast %get3A_253 : vector<16xf32> to vector<16xf32>
    %slice3A_255 = vector.extract_strided_slice %get3A_254 {offsets = [0], sizes = [1], strides = [1]} : vector<16xf32> to vector<1xf32>
    %squeeze3A_256 = vector.extract %slice3A_255[0] : f32 from vector<1xf32>
    %get3A_257 = arith.index_cast %min3A : i32 to index
    %get3A_258 = tpu.vector_load %arg14[%get3A_257] {strides = array<i32>} : memref<336xf32, #tpu.memory_space<vmem>>, vector<16xf32>,
    %get3A_259 = vector.shape_cast %get3A_258 : vector<16xf32> to vector<16xf32>
    %slice3A_260 = vector.extract_strided_slice %get3A_259 {offsets = [0], sizes = [1], strides = [1]} : vector<16xf32> to vector<1xf32>
    %squeeze3A_261 = vector.extract %slice3A_260[0] : f32 from vector<1xf32>
    %get3A_262 = arith.index_cast %min3A : i32 to index
    %get3A_263 = tpu.vector_load %arg15[%get3A_262] {strides = array<i32>} : memref<336xf32, #tpu.memory_space<vmem>>, vector<16xf32>,
    %get3A_264 = vector.shape_cast %get3A_263 : vector<16xf32> to vector<16xf32>
    %slice3A_265 = vector.extract_strided_slice %get3A_264 {offsets = [0], sizes = [1], strides = [1]} : vector<16xf32> to vector<1xf32>
    %squeeze3A_266 = vector.extract %slice3A_265[0] : f32 from vector<1xf32>
    %get3A_267 = arith.index_cast %min3A : i32 to index
    %get3A_268 = tpu.vector_load %arg16[%get3A_267] {strides = array<i32>} : memref<336xi32, #tpu.memory_space<vmem>>, vector<16xi32>,
    %get3A_269 = vector.shape_cast %get3A_268 : vector<16xi32> to vector<16xi32>
    %slice3A_270 = vector.extract_strided_slice %get3A_269 {offsets = [0], sizes = [1], strides = [1]} : vector<16xi32> to vector<1xi32>
    %squeeze3A_271 = vector.extract %slice3A_270[0] : i32 from vector<1xi32>
    %convert_element_type3A_272 = arith.sitofp %squeeze3A_271 : i32 to f32
    %broadcast_in_dim3A_273 = arith.constant 0.000000e+00 : f32
    %broadcast_in_dim3A_274 = vector.broadcast %broadcast_in_dim3A_273 : f32 to vector<16xf32>
    %eq3A_275 = arith.constant 0 : i32
    %eq3A_276 = vector.broadcast %eq3A_275 : i32 to vector<16xi32>
    %eq3A_277 = arith.cmpi eq, %iota3A, %eq3A_276 : vector<16xi32>
    %broadcast_in_dim3A_278 = vector.broadcast %squeeze3A_216 : f32 to vector<16xf32>
    %select_n3A_279 = arith.select %eq3A_277, %broadcast_in_dim3A_278, %broadcast_in_dim3A_274 : vector<16xi1>, vector<16xf32>
    %eq3A_280 = arith.constant 1 : i32
    %eq3A_281 = vector.broadcast %eq3A_280 : i32 to vector<16xi32>
    %eq3A_282 = arith.cmpi eq, %iota3A, %eq3A_281 : vector<16xi32>
    %broadcast_in_dim3A_283 = vector.broadcast %convert_element_type3A : f32 to vector<16xf32>
    %select_n3A_284 = arith.select %eq3A_282, %broadcast_in_dim3A_283, %select_n3A_279 : vector<16xi1>, vector<16xf32>
    %eq3A_285 = arith.constant 2 : i32
    %eq3A_286 = vector.broadcast %eq3A_285 : i32 to vector<16xi32>
    %eq3A_287 = arith.cmpi eq, %iota3A, %eq3A_286 : vector<16xi32>
    %broadcast_in_dim3A_288 = vector.broadcast %squeeze3A_226 : f32 to vector<16xf32>
    %select_n3A_289 = arith.select %eq3A_287, %broadcast_in_dim3A_288, %select_n3A_284 : vector<16xi1>, vector<16xf32>
    %eq3A_290 = arith.constant 3 : i32
    %eq3A_291 = vector.broadcast %eq3A_290 : i32 to vector<16xi32>
    %eq3A_292 = arith.cmpi eq, %iota3A, %eq3A_291 : vector<16xi32>
    %broadcast_in_dim3A_293 = vector.broadcast %squeeze3A_231 : f32 to vector<16xf32>
    %select_n3A_294 = arith.select %eq3A_292, %broadcast_in_dim3A_293, %select_n3A_289 : vector<16xi1>, vector<16xf32>
    %eq3A_295 = arith.constant 4 : i32
    %eq3A_296 = vector.broadcast %eq3A_295 : i32 to vector<16xi32>
    %eq3A_297 = arith.cmpi eq, %iota3A, %eq3A_296 : vector<16xi32>
    %broadcast_in_dim3A_298 = vector.broadcast %squeeze3A_236 : f32 to vector<16xf32>
    %select_n3A_299 = arith.select %eq3A_297, %broadcast_in_dim3A_298, %select_n3A_294 : vector<16xi1>, vector<16xf32>
    %eq3A_300 = arith.constant 5 : i32
    %eq3A_301 = vector.broadcast %eq3A_300 : i32 to vector<16xi32>
    %eq3A_302 = arith.cmpi eq, %iota3A, %eq3A_301 : vector<16xi32>
    %broadcast_in_dim3A_303 = vector.broadcast %squeeze3A_241 : f32 to vector<16xf32>
    %select_n3A_304 = arith.select %eq3A_302, %broadcast_in_dim3A_303, %select_n3A_299 : vector<16xi1>, vector<16xf32>
    %eq3A_305 = arith.constant 6 : i32
    %eq3A_306 = vector.broadcast %eq3A_305 : i32 to vector<16xi32>
    %eq3A_307 = arith.cmpi eq, %iota3A, %eq3A_306 : vector<16xi32>
    %broadcast_in_dim3A_308 = vector.broadcast %squeeze3A_246 : f32 to vector<16xf32>
    %select_n3A_309 = arith.select %eq3A_307, %broadcast_in_dim3A_308, %select_n3A_304 : vector<16xi1>, vector<16xf32>
    %eq3A_310 = arith.constant 7 : i32
    %eq3A_311 = vector.broadcast %eq3A_310 : i32 to vector<16xi32>
    %eq3A_312 = arith.cmpi eq, %iota3A, %eq3A_311 : vector<16xi32>
    %broadcast_in_dim3A_313 = vector.broadcast %squeeze3A_251 : f32 to vector<16xf32>
    %select_n3A_314 = arith.select %eq3A_312, %broadcast_in_dim3A_313, %select_n3A_309 : vector<16xi1>, vector<16xf32>
    %eq3A_315 = arith.constant 8 : i32
    %eq3A_316 = vector.broadcast %eq3A_315 : i32 to vector<16xi32>
    %eq3A_317 = arith.cmpi eq, %iota3A, %eq3A_316 : vector<16xi32>
    %broadcast_in_dim3A_318 = vector.broadcast %squeeze3A_256 : f32 to vector<16xf32>
    %select_n3A_319 = arith.select %eq3A_317, %broadcast_in_dim3A_318, %select_n3A_314 : vector<16xi1>, vector<16xf32>
    %eq3A_320 = arith.constant 9 : i32
    %eq3A_321 = vector.broadcast %eq3A_320 : i32 to vector<16xi32>
    %eq3A_322 = arith.cmpi eq, %iota3A, %eq3A_321 : vector<16xi32>
    %broadcast_in_dim3A_323 = vector.broadcast %squeeze3A_261 : f32 to vector<16xf32>
    %select_n3A_324 = arith.select %eq3A_322, %broadcast_in_dim3A_323, %select_n3A_319 : vector<16xi1>, vector<16xf32>
    %eq3A_325 = arith.constant 10 : i32
    %eq3A_326 = vector.broadcast %eq3A_325 : i32 to vector<16xi32>
    %eq3A_327 = arith.cmpi eq, %iota3A, %eq3A_326 : vector<16xi32>
    %broadcast_in_dim3A_328 = vector.broadcast %squeeze3A_266 : f32 to vector<16xf32>
    %select_n3A_329 = arith.select %eq3A_327, %broadcast_in_dim3A_328, %select_n3A_324 : vector<16xi1>, vector<16xf32>
    %eq3A_330 = arith.constant 11 : i32
    %eq3A_331 = vector.broadcast %eq3A_330 : i32 to vector<16xi32>
    %eq3A_332 = arith.cmpi eq, %iota3A, %eq3A_331 : vector<16xi32>
    %broadcast_in_dim3A_333 = vector.broadcast %convert_element_type3A_272 : f32 to vector<16xf32>
    %select_n3A_334 = arith.select %eq3A_332, %broadcast_in_dim3A_333, %select_n3A_329 : vector<16xi1>, vector<16xf32>
    %swap3A_335 = arith.constant 0 : index
    %swap3A_336 = tpu.vector_load %arg26[%swap3A_335] {strides = array<i32>} : memref<16xf32, #tpu.memory_space<vmem>>, vector<16xf32>,
    %swap3A_337 = vector.shape_cast %swap3A_336 : vector<16xf32> to vector<16xf32>
    %swap3A_338 = vector.shape_cast %select_n3A_334 : vector<16xf32> to vector<16xf32>
    tpu.vector_store %arg26[%swap3A_335], %swap3A_338 {strides = array<i32>} : memref<16xf32, #tpu.memory_space<vmem>>, vector<16xf32>,
    %broadcast_in_dim3A_339 = arith.constant 0.000000e+00 : f32
    %broadcast_in_dim3A_340 = vector.broadcast %broadcast_in_dim3A_339 : f32 to vector<16xf32>
    %swap3A_341 = arith.constant 0 : index
    %swap3A_342 = tpu.vector_load %arg27[%swap3A_341] {strides = array<i32>} : memref<16xf32, #tpu.memory_space<vmem>>, vector<16xf32>,
    %swap3A_343 = vector.shape_cast %swap3A_342 : vector<16xf32> to vector<16xf32>
    %swap3A_344 = vector.shape_cast %broadcast_in_dim3A_340 : vector<16xf32> to vector<16xf32>
    tpu.vector_store %arg27[%swap3A_341], %swap3A_344 {strides = array<i32>} : memref<16xf32, #tpu.memory_space<vmem>>, vector<16xf32>,
    %mul3A_345 = arith.constant 16 : i32
    %mul3A_346 = arith.muli %arg1, %mul3A_345 : i32
    %add3A_347 = arith.constant 256 : i32
    %add3A_348 = arith.addi %add3A_347, %mul3A_346 : i32
    "tpu.region"() ({
      %run_scoped3A = tpu.sem_alloc : memref<!tpu.dma_semaphore, #tpu.memory_space<semaphore_mem>>
      %dma_start3A = tpu.memref_slice %arg29[%add3A_348] : memref<768xf32, #tpu.memory_space<vmem_shared>> -> memref<16xf32, #tpu.memory_space<vmem_shared>>
      %dma_start3A_360 = tpu.memref_slice %arg29[%add3A_348] : memref<768xf32, #tpu.memory_space<vmem_shared>> -> memref<16xf32, #tpu.memory_space<vmem_shared>>
      tpu.enqueue_dma source(%arg26 : memref<16xf32, #tpu.memory_space<vmem>>) target(%dma_start3A_360 : memref<16xf32, #tpu.memory_space<vmem_shared>>) target_semaphore(%run_scoped3A : memref<!tpu.dma_semaphore, #tpu.memory_space<semaphore_mem>>)
      %dma_wait3A = tpu.memref_slice %arg29[%add3A_348] : memref<768xf32, #tpu.memory_space<vmem_shared>> -> memref<16xf32, #tpu.memory_space<vmem_shared>>
      %dma_wait3A_361 = tpu.memref_slice %arg29[%add3A_348] : memref<768xf32, #tpu.memory_space<vmem_shared>> -> memref<16xf32, #tpu.memory_space<vmem_shared>>
      tpu.wait_dma2 semaphore(%run_scoped3A : memref<!tpu.dma_semaphore, #tpu.memory_space<semaphore_mem>>) src(%arg26 : memref<16xf32, #tpu.memory_space<vmem>>) dst(%dma_wait3A_361 : memref<16xf32, #tpu.memory_space<vmem_shared>>)
      tpu.yield
    }) : () -> ()
    %barrier3A_349 = arith.constant 0 : index
    tpu.barrier barrier_id(%barrier3A_349)
    "tpu.region"() ({
      %run_scoped3A = tpu.sem_alloc : memref<!tpu.dma_semaphore, #tpu.memory_space<semaphore_mem>>
      %dma_start3A = arith.constant 256 : i32
      %dma_start3A_360 = tpu.memref_slice %arg29[%dma_start3A] : memref<768xf32, #tpu.memory_space<vmem_shared>> -> memref<256xf32, #tpu.memory_space<vmem_shared>>
      %dma_start3A_361 = arith.constant 256 : i32
      %dma_start3A_362 = tpu.memref_slice %arg29[%dma_start3A_361] : memref<768xf32, #tpu.memory_space<vmem_shared>> -> memref<256xf32, #tpu.memory_space<vmem_shared>>
      tpu.enqueue_dma source(%dma_start3A_362 : memref<256xf32, #tpu.memory_space<vmem_shared>>) target(%arg28 : memref<256xf32, #tpu.memory_space<vmem>>) target_semaphore(%run_scoped3A : memref<!tpu.dma_semaphore, #tpu.memory_space<semaphore_mem>>)
      %dma_wait3A = arith.constant 256 : i32
      %dma_wait3A_363 = tpu.memref_slice %arg29[%dma_wait3A] : memref<768xf32, #tpu.memory_space<vmem_shared>> -> memref<256xf32, #tpu.memory_space<vmem_shared>>
      %dma_wait3A_364 = arith.constant 256 : i32
      %dma_wait3A_365 = tpu.memref_slice %arg29[%dma_wait3A_364] : memref<768xf32, #tpu.memory_space<vmem_shared>> -> memref<256xf32, #tpu.memory_space<vmem_shared>>
      tpu.wait_dma2 semaphore(%run_scoped3A : memref<!tpu.dma_semaphore, #tpu.memory_space<semaphore_mem>>) src(%dma_wait3A_365 : memref<256xf32, #tpu.memory_space<vmem_shared>>) dst(%arg28 : memref<256xf32, #tpu.memory_space<vmem>>)
      tpu.yield
    }) : () -> ()
    %scan3A_350 = arith.constant 0 : i32
    %scan3A_351 = arith.constant 0 : i32
    %scan3A_352 = arith.constant 0 : i32
    %scan3A_353 = arith.constant 30 : i32
    %scan3A_354 = arith.addi %scan3A_352, %scan3A_353 : i32
    %scan3A_355 = arith.constant 1 : i32
    %scan3A_356:2 = scf.for %scan3A_360 = %scan3A_352 to %scan3A_354 step %scan3A_355 iter_args(%scan3A_361 = %scan3A_350, %scan3A_362 = %scan3A_351) -> (i32, i32)  : i32 {
      %broadcast_in_dim3A_363 = arith.constant 0.000000e+00 : f32
      %broadcast_in_dim3A_364 = vector.broadcast %broadcast_in_dim3A_363 : f32 to vector<16xf32>
      %get3A_365 = arith.constant 0 : index
      %get3A_366 = tpu.vector_load %arg28[%get3A_365] {strides = array<i32>} : memref<256xf32, #tpu.memory_space<vmem>>, vector<16xf32>,
      %get3A_367 = vector.shape_cast %get3A_366 : vector<16xf32> to vector<16xf32>
      %slice3A_368 = vector.extract_strided_slice %get3A_367 {offsets = [0], sizes = [1], strides = [1]} : vector<16xf32> to vector<1xf32>
      %squeeze3A_369 = vector.extract %slice3A_368[0] : f32 from vector<1xf32>
      %slice3A_370 = vector.extract_strided_slice %get3A_367 {offsets = [1], sizes = [1], strides = [1]} : vector<16xf32> to vector<1xf32>
      %squeeze3A_371 = vector.extract %slice3A_370[0] : f32 from vector<1xf32>
      %gt3A_372 = arith.constant -3.000000e+38 : f32
      %gt3A_373 = arith.cmpf ogt, %squeeze3A_369, %gt3A_372 : f32
      %eq3A_374 = arith.constant -3.000000e+38 : f32
      %eq3A_375 = arith.cmpf oeq, %squeeze3A_369, %eq3A_374 : f32
      %lt3A_376 = arith.constant 3.000000e+38 : f32
      %lt3A_377 = arith.cmpf olt, %squeeze3A_371, %lt3A_376 : f32
      %and3A_378 = arith.andi %eq3A_375, %lt3A_377 : i1
      %or3A_379 = arith.ori %gt3A_373, %and3A_378 : i1
      %jit3A_380 = arith.constant 1.000000e+00 : f32
      %jit3A_381 = arith.constant 0.000000e+00 : f32
      %select_n3A_382 = arith.select %or3A_379, %jit3A_380, %jit3A_381 : f32
      %broadcast_in_dim3A_383 = vector.broadcast %select_n3A_382 : f32 to vector<16xf32>
      %mul3A_384 = arith.mulf %broadcast_in_dim3A_383, %get3A_367 : vector<16xf32>
      %sub3A_385 = arith.constant 1.000000e+00 : f32
      %sub3A_386 = vector.broadcast %sub3A_385 : f32 to vector<16xf32>
      %sub3A_387 = arith.subf %sub3A_386, %broadcast_in_dim3A_383 : vector<16xf32>
      %mul3A_388 = arith.mulf %sub3A_387, %broadcast_in_dim3A_364 : vector<16xf32>
      %add3A_389 = arith.addf %mul3A_384, %mul3A_388 : vector<16xf32>
      %jit3A_390 = arith.constant -3.000000e+38 : f32
      %select_n3A_391 = arith.select %or3A_379, %squeeze3A_369, %jit3A_390 : f32
      %jit3A_392 = arith.constant 3.000000e+38 : f32
      %select_n3A_393 = arith.select %or3A_379, %squeeze3A_371, %jit3A_392 : f32
      %get3A_394 = arith.constant 16 : index
      %get3A_395 = tpu.vector_load %arg28[%get3A_394] {strides = array<i32>} : memref<256xf32, #tpu.memory_space<vmem>>, vector<16xf32>,
      %get3A_396 = vector.shape_cast %get3A_395 : vector<16xf32> to vector<16xf32>
      %slice3A_397 = vector.extract_strided_slice %get3A_396 {offsets = [0], sizes = [1], strides = [1]} : vector<16xf32> to vector<1xf32>
      %squeeze3A_398 = vector.extract %slice3A_397[0] : f32 from vector<1xf32>
      %slice3A_399 = vector.extract_strided_slice %get3A_396 {offsets = [1], sizes = [1], strides = [1]} : vector<16xf32> to vector<1xf32>
      %squeeze3A_400 = vector.extract %slice3A_399[0] : f32 from vector<1xf32>
      %gt3A_401 = arith.cmpf ogt, %squeeze3A_398, %select_n3A_391 : f32
      %eq3A_402 = arith.cmpf oeq, %squeeze3A_398, %select_n3A_391 : f32
      %lt3A_403 = arith.cmpf olt, %squeeze3A_400, %select_n3A_393 : f32
      %and3A_404 = arith.andi %eq3A_402, %lt3A_403 : i1
      %or3A_405 = arith.ori %gt3A_401, %and3A_404 : i1
      %jit3A_406 = arith.constant 1.000000e+00 : f32
      %jit3A_407 = arith.constant 0.000000e+00 : f32
      %select_n3A_408 = arith.select %or3A_405, %jit3A_406, %jit3A_407 : f32
      %broadcast_in_dim3A_409 = vector.broadcast %select_n3A_408 : f32 to vector<16xf32>
      %mul3A_410 = arith.mulf %broadcast_in_dim3A_409, %get3A_396 : vector<16xf32>
      %sub3A_411 = arith.constant 1.000000e+00 : f32
      %sub3A_412 = vector.broadcast %sub3A_411 : f32 to vector<16xf32>
      %sub3A_413 = arith.subf %sub3A_412, %broadcast_in_dim3A_409 : vector<16xf32>
      %mul3A_414 = arith.mulf %sub3A_413, %add3A_389 : vector<16xf32>
      %add3A_415 = arith.addf %mul3A_410, %mul3A_414 : vector<16xf32>
      %select_n3A_416 = arith.select %or3A_405, %squeeze3A_398, %select_n3A_391 : f32
      %select_n3A_417 = arith.select %or3A_405, %squeeze3A_400, %select_n3A_393 : f32
      %get3A_418 = arith.constant 32 : index
      %get3A_419 = tpu.vector_load %arg28[%get3A_418] {strides = array<i32>} : memref<256xf32, #tpu.memory_space<vmem>>, vector<16xf32>,
      %get3A_420 = vector.shape_cast %get3A_419 : vector<16xf32> to vector<16xf32>
      %slice3A_421 = vector.extract_strided_slice %get3A_420 {offsets = [0], sizes = [1], strides = [1]} : vector<16xf32> to vector<1xf32>
      %squeeze3A_422 = vector.extract %slice3A_421[0] : f32 from vector<1xf32>
      %slice3A_423 = vector.extract_strided_slice %get3A_420 {offsets = [1], sizes = [1], strides = [1]} : vector<16xf32> to vector<1xf32>
      %squeeze3A_424 = vector.extract %slice3A_423[0] : f32 from vector<1xf32>
      %gt3A_425 = arith.cmpf ogt, %squeeze3A_422, %select_n3A_416 : f32
      %eq3A_426 = arith.cmpf oeq, %squeeze3A_422, %select_n3A_416 : f32
      %lt3A_427 = arith.cmpf olt, %squeeze3A_424, %select_n3A_417 : f32
      %and3A_428 = arith.andi %eq3A_426, %lt3A_427 : i1
      %or3A_429 = arith.ori %gt3A_425, %and3A_428 : i1
      %jit3A_430 = arith.constant 1.000000e+00 : f32
      %jit3A_431 = arith.constant 0.000000e+00 : f32
      %select_n3A_432 = arith.select %or3A_429, %jit3A_430, %jit3A_431 : f32
      %broadcast_in_dim3A_433 = vector.broadcast %select_n3A_432 : f32 to vector<16xf32>
      %mul3A_434 = arith.mulf %broadcast_in_dim3A_433, %get3A_420 : vector<16xf32>
      %sub3A_435 = arith.constant 1.000000e+00 : f32
      %sub3A_436 = vector.broadcast %sub3A_435 : f32 to vector<16xf32>
      %sub3A_437 = arith.subf %sub3A_436, %broadcast_in_dim3A_433 : vector<16xf32>
      %mul3A_438 = arith.mulf %sub3A_437, %add3A_415 : vector<16xf32>
      %add3A_439 = arith.addf %mul3A_434, %mul3A_438 : vector<16xf32>
      %select_n3A_440 = arith.select %or3A_429, %squeeze3A_422, %select_n3A_416 : f32
      %select_n3A_441 = arith.select %or3A_429, %squeeze3A_424, %select_n3A_417 : f32
      %get3A_442 = arith.constant 48 : index
      %get3A_443 = tpu.vector_load %arg28[%get3A_442] {strides = array<i32>} : memref<256xf32, #tpu.memory_space<vmem>>, vector<16xf32>,
      %get3A_444 = vector.shape_cast %get3A_443 : vector<16xf32> to vector<16xf32>
      %slice3A_445 = vector.extract_strided_slice %get3A_444 {offsets = [0], sizes = [1], strides = [1]} : vector<16xf32> to vector<1xf32>
      %squeeze3A_446 = vector.extract %slice3A_445[0] : f32 from vector<1xf32>
      %slice3A_447 = vector.extract_strided_slice %get3A_444 {offsets = [1], sizes = [1], strides = [1]} : vector<16xf32> to vector<1xf32>
      %squeeze3A_448 = vector.extract %slice3A_447[0] : f32 from vector<1xf32>
      %gt3A_449 = arith.cmpf ogt, %squeeze3A_446, %select_n3A_440 : f32
      %eq3A_450 = arith.cmpf oeq, %squeeze3A_446, %select_n3A_440 : f32
      %lt3A_451 = arith.cmpf olt, %squeeze3A_448, %select_n3A_441 : f32
      %and3A_452 = arith.andi %eq3A_450, %lt3A_451 : i1
      %or3A_453 = arith.ori %gt3A_449, %and3A_452 : i1
      %jit3A_454 = arith.constant 1.000000e+00 : f32
      %jit3A_455 = arith.constant 0.000000e+00 : f32
      %select_n3A_456 = arith.select %or3A_453, %jit3A_454, %jit3A_455 : f32
      %broadcast_in_dim3A_457 = vector.broadcast %select_n3A_456 : f32 to vector<16xf32>
      %mul3A_458 = arith.mulf %broadcast_in_dim3A_457, %get3A_444 : vector<16xf32>
      %sub3A_459 = arith.constant 1.000000e+00 : f32
      %sub3A_460 = vector.broadcast %sub3A_459 : f32 to vector<16xf32>
      %sub3A_461 = arith.subf %sub3A_460, %broadcast_in_dim3A_457 : vector<16xf32>
      %mul3A_462 = arith.mulf %sub3A_461, %add3A_439 : vector<16xf32>
      %add3A_463 = arith.addf %mul3A_458, %mul3A_462 : vector<16xf32>
      %select_n3A_464 = arith.select %or3A_453, %squeeze3A_446, %select_n3A_440 : f32
      %select_n3A_465 = arith.select %or3A_453, %squeeze3A_448, %select_n3A_441 : f32
      %get3A_466 = arith.constant 64 : index
      %get3A_467 = tpu.vector_load %arg28[%get3A_466] {strides = array<i32>} : memref<256xf32, #tpu.memory_space<vmem>>, vector<16xf32>,
      %get3A_468 = vector.shape_cast %get3A_467 : vector<16xf32> to vector<16xf32>
      %slice3A_469 = vector.extract_strided_slice %get3A_468 {offsets = [0], sizes = [1], strides = [1]} : vector<16xf32> to vector<1xf32>
      %squeeze3A_470 = vector.extract %slice3A_469[0] : f32 from vector<1xf32>
      %slice3A_471 = vector.extract_strided_slice %get3A_468 {offsets = [1], sizes = [1], strides = [1]} : vector<16xf32> to vector<1xf32>
      %squeeze3A_472 = vector.extract %slice3A_471[0] : f32 from vector<1xf32>
      %gt3A_473 = arith.cmpf ogt, %squeeze3A_470, %select_n3A_464 : f32
      %eq3A_474 = arith.cmpf oeq, %squeeze3A_470, %select_n3A_464 : f32
      %lt3A_475 = arith.cmpf olt, %squeeze3A_472, %select_n3A_465 : f32
      %and3A_476 = arith.andi %eq3A_474, %lt3A_475 : i1
      %or3A_477 = arith.ori %gt3A_473, %and3A_476 : i1
      %jit3A_478 = arith.constant 1.000000e+00 : f32
      %jit3A_479 = arith.constant 0.000000e+00 : f32
      %select_n3A_480 = arith.select %or3A_477, %jit3A_478, %jit3A_479 : f32
      %broadcast_in_dim3A_481 = vector.broadcast %select_n3A_480 : f32 to vector<16xf32>
      %mul3A_482 = arith.mulf %broadcast_in_dim3A_481, %get3A_468 : vector<16xf32>
      %sub3A_483 = arith.constant 1.000000e+00 : f32
      %sub3A_484 = vector.broadcast %sub3A_483 : f32 to vector<16xf32>
      %sub3A_485 = arith.subf %sub3A_484, %broadcast_in_dim3A_481 : vector<16xf32>
      %mul3A_486 = arith.mulf %sub3A_485, %add3A_463 : vector<16xf32>
      %add3A_487 = arith.addf %mul3A_482, %mul3A_486 : vector<16xf32>
      %select_n3A_488 = arith.select %or3A_477, %squeeze3A_470, %select_n3A_464 : f32
      %select_n3A_489 = arith.select %or3A_477, %squeeze3A_472, %select_n3A_465 : f32
      %get3A_490 = arith.constant 80 : index
      %get3A_491 = tpu.vector_load %arg28[%get3A_490] {strides = array<i32>} : memref<256xf32, #tpu.memory_space<vmem>>, vector<16xf32>,
      %get3A_492 = vector.shape_cast %get3A_491 : vector<16xf32> to vector<16xf32>
      %slice3A_493 = vector.extract_strided_slice %get3A_492 {offsets = [0], sizes = [1], strides = [1]} : vector<16xf32> to vector<1xf32>
      %squeeze3A_494 = vector.extract %slice3A_493[0] : f32 from vector<1xf32>
      %slice3A_495 = vector.extract_strided_slice %get3A_492 {offsets = [1], sizes = [1], strides = [1]} : vector<16xf32> to vector<1xf32>
      %squeeze3A_496 = vector.extract %slice3A_495[0] : f32 from vector<1xf32>
      %gt3A_497 = arith.cmpf ogt, %squeeze3A_494, %select_n3A_488 : f32
      %eq3A_498 = arith.cmpf oeq, %squeeze3A_494, %select_n3A_488 : f32
      %lt3A_499 = arith.cmpf olt, %squeeze3A_496, %select_n3A_489 : f32
      %and3A_500 = arith.andi %eq3A_498, %lt3A_499 : i1
      %or3A_501 = arith.ori %gt3A_497, %and3A_500 : i1
      %jit3A_502 = arith.constant 1.000000e+00 : f32
      %jit3A_503 = arith.constant 0.000000e+00 : f32
      %select_n3A_504 = arith.select %or3A_501, %jit3A_502, %jit3A_503 : f32
      %broadcast_in_dim3A_505 = vector.broadcast %select_n3A_504 : f32 to vector<16xf32>
      %mul3A_506 = arith.mulf %broadcast_in_dim3A_505, %get3A_492 : vector<16xf32>
      %sub3A_507 = arith.constant 1.000000e+00 : f32
      %sub3A_508 = vector.broadcast %sub3A_507 : f32 to vector<16xf32>
      %sub3A_509 = arith.subf %sub3A_508, %broadcast_in_dim3A_505 : vector<16xf32>
      %mul3A_510 = arith.mulf %sub3A_509, %add3A_487 : vector<16xf32>
      %add3A_511 = arith.addf %mul3A_506, %mul3A_510 : vector<16xf32>
      %select_n3A_512 = arith.select %or3A_501, %squeeze3A_494, %select_n3A_488 : f32
      %select_n3A_513 = arith.select %or3A_501, %squeeze3A_496, %select_n3A_489 : f32
      %get3A_514 = arith.constant 96 : index
      %get3A_515 = tpu.vector_load %arg28[%get3A_514] {strides = array<i32>} : memref<256xf32, #tpu.memory_space<vmem>>, vector<16xf32>,
      %get3A_516 = vector.shape_cast %get3A_515 : vector<16xf32> to vector<16xf32>
      %slice3A_517 = vector.extract_strided_slice %get3A_516 {offsets = [0], sizes = [1], strides = [1]} : vector<16xf32> to vector<1xf32>
      %squeeze3A_518 = vector.extract %slice3A_517[0] : f32 from vector<1xf32>
      %slice3A_519 = vector.extract_strided_slice %get3A_516 {offsets = [1], sizes = [1], strides = [1]} : vector<16xf32> to vector<1xf32>
      %squeeze3A_520 = vector.extract %slice3A_519[0] : f32 from vector<1xf32>
      %gt3A_521 = arith.cmpf ogt, %squeeze3A_518, %select_n3A_512 : f32
      %eq3A_522 = arith.cmpf oeq, %squeeze3A_518, %select_n3A_512 : f32
      %lt3A_523 = arith.cmpf olt, %squeeze3A_520, %select_n3A_513 : f32
      %and3A_524 = arith.andi %eq3A_522, %lt3A_523 : i1
      %or3A_525 = arith.ori %gt3A_521, %and3A_524 : i1
      %jit3A_526 = arith.constant 1.000000e+00 : f32
      %jit3A_527 = arith.constant 0.000000e+00 : f32
      %select_n3A_528 = arith.select %or3A_525, %jit3A_526, %jit3A_527 : f32
      %broadcast_in_dim3A_529 = vector.broadcast %select_n3A_528 : f32 to vector<16xf32>
      %mul3A_530 = arith.mulf %broadcast_in_dim3A_529, %get3A_516 : vector<16xf32>
      %sub3A_531 = arith.constant 1.000000e+00 : f32
      %sub3A_532 = vector.broadcast %sub3A_531 : f32 to vector<16xf32>
      %sub3A_533 = arith.subf %sub3A_532, %broadcast_in_dim3A_529 : vector<16xf32>
      %mul3A_534 = arith.mulf %sub3A_533, %add3A_511 : vector<16xf32>
      %add3A_535 = arith.addf %mul3A_530, %mul3A_534 : vector<16xf32>
      %select_n3A_536 = arith.select %or3A_525, %squeeze3A_518, %select_n3A_512 : f32
      %select_n3A_537 = arith.select %or3A_525, %squeeze3A_520, %select_n3A_513 : f32
      %get3A_538 = arith.constant 112 : index
      %get3A_539 = tpu.vector_load %arg28[%get3A_538] {strides = array<i32>} : memref<256xf32, #tpu.memory_space<vmem>>, vector<16xf32>,
      %get3A_540 = vector.shape_cast %get3A_539 : vector<16xf32> to vector<16xf32>
      %slice3A_541 = vector.extract_strided_slice %get3A_540 {offsets = [0], sizes = [1], strides = [1]} : vector<16xf32> to vector<1xf32>
      %squeeze3A_542 = vector.extract %slice3A_541[0] : f32 from vector<1xf32>
      %slice3A_543 = vector.extract_strided_slice %get3A_540 {offsets = [1], sizes = [1], strides = [1]} : vector<16xf32> to vector<1xf32>
      %squeeze3A_544 = vector.extract %slice3A_543[0] : f32 from vector<1xf32>
      %gt3A_545 = arith.cmpf ogt, %squeeze3A_542, %select_n3A_536 : f32
      %eq3A_546 = arith.cmpf oeq, %squeeze3A_542, %select_n3A_536 : f32
      %lt3A_547 = arith.cmpf olt, %squeeze3A_544, %select_n3A_537 : f32
      %and3A_548 = arith.andi %eq3A_546, %lt3A_547 : i1
      %or3A_549 = arith.ori %gt3A_545, %and3A_548 : i1
      %jit3A_550 = arith.constant 1.000000e+00 : f32
      %jit3A_551 = arith.constant 0.000000e+00 : f32
      %select_n3A_552 = arith.select %or3A_549, %jit3A_550, %jit3A_551 : f32
      %broadcast_in_dim3A_553 = vector.broadcast %select_n3A_552 : f32 to vector<16xf32>
      %mul3A_554 = arith.mulf %broadcast_in_dim3A_553, %get3A_540 : vector<16xf32>
      %sub3A_555 = arith.constant 1.000000e+00 : f32
      %sub3A_556 = vector.broadcast %sub3A_555 : f32 to vector<16xf32>
      %sub3A_557 = arith.subf %sub3A_556, %broadcast_in_dim3A_553 : vector<16xf32>
      %mul3A_558 = arith.mulf %sub3A_557, %add3A_535 : vector<16xf32>
      %add3A_559 = arith.addf %mul3A_554, %mul3A_558 : vector<16xf32>
      %select_n3A_560 = arith.select %or3A_549, %squeeze3A_542, %select_n3A_536 : f32
      %select_n3A_561 = arith.select %or3A_549, %squeeze3A_544, %select_n3A_537 : f32
      %get3A_562 = arith.constant 128 : index
      %get3A_563 = tpu.vector_load %arg28[%get3A_562] {strides = array<i32>} : memref<256xf32, #tpu.memory_space<vmem>>, vector<16xf32>,
      %get3A_564 = vector.shape_cast %get3A_563 : vector<16xf32> to vector<16xf32>
      %slice3A_565 = vector.extract_strided_slice %get3A_564 {offsets = [0], sizes = [1], strides = [1]} : vector<16xf32> to vector<1xf32>
      %squeeze3A_566 = vector.extract %slice3A_565[0] : f32 from vector<1xf32>
      %slice3A_567 = vector.extract_strided_slice %get3A_564 {offsets = [1], sizes = [1], strides = [1]} : vector<16xf32> to vector<1xf32>
      %squeeze3A_568 = vector.extract %slice3A_567[0] : f32 from vector<1xf32>
      %gt3A_569 = arith.cmpf ogt, %squeeze3A_566, %select_n3A_560 : f32
      %eq3A_570 = arith.cmpf oeq, %squeeze3A_566, %select_n3A_560 : f32
      %lt3A_571 = arith.cmpf olt, %squeeze3A_568, %select_n3A_561 : f32
      %and3A_572 = arith.andi %eq3A_570, %lt3A_571 : i1
      %or3A_573 = arith.ori %gt3A_569, %and3A_572 : i1
      %jit3A_574 = arith.constant 1.000000e+00 : f32
      %jit3A_575 = arith.constant 0.000000e+00 : f32
      %select_n3A_576 = arith.select %or3A_573, %jit3A_574, %jit3A_575 : f32
      %broadcast_in_dim3A_577 = vector.broadcast %select_n3A_576 : f32 to vector<16xf32>
      %mul3A_578 = arith.mulf %broadcast_in_dim3A_577, %get3A_564 : vector<16xf32>
      %sub3A_579 = arith.constant 1.000000e+00 : f32
      %sub3A_580 = vector.broadcast %sub3A_579 : f32 to vector<16xf32>
      %sub3A_581 = arith.subf %sub3A_580, %broadcast_in_dim3A_577 : vector<16xf32>
      %mul3A_582 = arith.mulf %sub3A_581, %add3A_559 : vector<16xf32>
      %add3A_583 = arith.addf %mul3A_578, %mul3A_582 : vector<16xf32>
      %select_n3A_584 = arith.select %or3A_573, %squeeze3A_566, %select_n3A_560 : f32
      %select_n3A_585 = arith.select %or3A_573, %squeeze3A_568, %select_n3A_561 : f32
      %get3A_586 = arith.constant 144 : index
      %get3A_587 = tpu.vector_load %arg28[%get3A_586] {strides = array<i32>} : memref<256xf32, #tpu.memory_space<vmem>>, vector<16xf32>,
      %get3A_588 = vector.shape_cast %get3A_587 : vector<16xf32> to vector<16xf32>
      %slice3A_589 = vector.extract_strided_slice %get3A_588 {offsets = [0], sizes = [1], strides = [1]} : vector<16xf32> to vector<1xf32>
      %squeeze3A_590 = vector.extract %slice3A_589[0] : f32 from vector<1xf32>
      %slice3A_591 = vector.extract_strided_slice %get3A_588 {offsets = [1], sizes = [1], strides = [1]} : vector<16xf32> to vector<1xf32>
      %squeeze3A_592 = vector.extract %slice3A_591[0] : f32 from vector<1xf32>
      %gt3A_593 = arith.cmpf ogt, %squeeze3A_590, %select_n3A_584 : f32
      %eq3A_594 = arith.cmpf oeq, %squeeze3A_590, %select_n3A_584 : f32
      %lt3A_595 = arith.cmpf olt, %squeeze3A_592, %select_n3A_585 : f32
      %and3A_596 = arith.andi %eq3A_594, %lt3A_595 : i1
      %or3A_597 = arith.ori %gt3A_593, %and3A_596 : i1
      %jit3A_598 = arith.constant 1.000000e+00 : f32
      %jit3A_599 = arith.constant 0.000000e+00 : f32
      %select_n3A_600 = arith.select %or3A_597, %jit3A_598, %jit3A_599 : f32
      %broadcast_in_dim3A_601 = vector.broadcast %select_n3A_600 : f32 to vector<16xf32>
      %mul3A_602 = arith.mulf %broadcast_in_dim3A_601, %get3A_588 : vector<16xf32>
      %sub3A_603 = arith.constant 1.000000e+00 : f32
      %sub3A_604 = vector.broadcast %sub3A_603 : f32 to vector<16xf32>
      %sub3A_605 = arith.subf %sub3A_604, %broadcast_in_dim3A_601 : vector<16xf32>
      %mul3A_606 = arith.mulf %sub3A_605, %add3A_583 : vector<16xf32>
      %add3A_607 = arith.addf %mul3A_602, %mul3A_606 : vector<16xf32>
      %select_n3A_608 = arith.select %or3A_597, %squeeze3A_590, %select_n3A_584 : f32
      %select_n3A_609 = arith.select %or3A_597, %squeeze3A_592, %select_n3A_585 : f32
      %get3A_610 = arith.constant 160 : index
      %get3A_611 = tpu.vector_load %arg28[%get3A_610] {strides = array<i32>} : memref<256xf32, #tpu.memory_space<vmem>>, vector<16xf32>,
      %get3A_612 = vector.shape_cast %get3A_611 : vector<16xf32> to vector<16xf32>
      %slice3A_613 = vector.extract_strided_slice %get3A_612 {offsets = [0], sizes = [1], strides = [1]} : vector<16xf32> to vector<1xf32>
      %squeeze3A_614 = vector.extract %slice3A_613[0] : f32 from vector<1xf32>
      %slice3A_615 = vector.extract_strided_slice %get3A_612 {offsets = [1], sizes = [1], strides = [1]} : vector<16xf32> to vector<1xf32>
      %squeeze3A_616 = vector.extract %slice3A_615[0] : f32 from vector<1xf32>
      %gt3A_617 = arith.cmpf ogt, %squeeze3A_614, %select_n3A_608 : f32
      %eq3A_618 = arith.cmpf oeq, %squeeze3A_614, %select_n3A_608 : f32
      %lt3A_619 = arith.cmpf olt, %squeeze3A_616, %select_n3A_609 : f32
      %and3A_620 = arith.andi %eq3A_618, %lt3A_619 : i1
      %or3A_621 = arith.ori %gt3A_617, %and3A_620 : i1
      %jit3A_622 = arith.constant 1.000000e+00 : f32
      %jit3A_623 = arith.constant 0.000000e+00 : f32
      %select_n3A_624 = arith.select %or3A_621, %jit3A_622, %jit3A_623 : f32
      %broadcast_in_dim3A_625 = vector.broadcast %select_n3A_624 : f32 to vector<16xf32>
      %mul3A_626 = arith.mulf %broadcast_in_dim3A_625, %get3A_612 : vector<16xf32>
      %sub3A_627 = arith.constant 1.000000e+00 : f32
      %sub3A_628 = vector.broadcast %sub3A_627 : f32 to vector<16xf32>
      %sub3A_629 = arith.subf %sub3A_628, %broadcast_in_dim3A_625 : vector<16xf32>
      %mul3A_630 = arith.mulf %sub3A_629, %add3A_607 : vector<16xf32>
      %add3A_631 = arith.addf %mul3A_626, %mul3A_630 : vector<16xf32>
      %select_n3A_632 = arith.select %or3A_621, %squeeze3A_614, %select_n3A_608 : f32
      %select_n3A_633 = arith.select %or3A_621, %squeeze3A_616, %select_n3A_609 : f32
      %get3A_634 = arith.constant 176 : index
      %get3A_635 = tpu.vector_load %arg28[%get3A_634] {strides = array<i32>} : memref<256xf32, #tpu.memory_space<vmem>>, vector<16xf32>,
      %get3A_636 = vector.shape_cast %get3A_635 : vector<16xf32> to vector<16xf32>
      %slice3A_637 = vector.extract_strided_slice %get3A_636 {offsets = [0], sizes = [1], strides = [1]} : vector<16xf32> to vector<1xf32>
      %squeeze3A_638 = vector.extract %slice3A_637[0] : f32 from vector<1xf32>
      %slice3A_639 = vector.extract_strided_slice %get3A_636 {offsets = [1], sizes = [1], strides = [1]} : vector<16xf32> to vector<1xf32>
      %squeeze3A_640 = vector.extract %slice3A_639[0] : f32 from vector<1xf32>
      %gt3A_641 = arith.cmpf ogt, %squeeze3A_638, %select_n3A_632 : f32
      %eq3A_642 = arith.cmpf oeq, %squeeze3A_638, %select_n3A_632 : f32
      %lt3A_643 = arith.cmpf olt, %squeeze3A_640, %select_n3A_633 : f32
      %and3A_644 = arith.andi %eq3A_642, %lt3A_643 : i1
      %or3A_645 = arith.ori %gt3A_641, %and3A_644 : i1
      %jit3A_646 = arith.constant 1.000000e+00 : f32
      %jit3A_647 = arith.constant 0.000000e+00 : f32
      %select_n3A_648 = arith.select %or3A_645, %jit3A_646, %jit3A_647 : f32
      %broadcast_in_dim3A_649 = vector.broadcast %select_n3A_648 : f32 to vector<16xf32>
      %mul3A_650 = arith.mulf %broadcast_in_dim3A_649, %get3A_636 : vector<16xf32>
      %sub3A_651 = arith.constant 1.000000e+00 : f32
      %sub3A_652 = vector.broadcast %sub3A_651 : f32 to vector<16xf32>
      %sub3A_653 = arith.subf %sub3A_652, %broadcast_in_dim3A_649 : vector<16xf32>
      %mul3A_654 = arith.mulf %sub3A_653, %add3A_631 : vector<16xf32>
      %add3A_655 = arith.addf %mul3A_650, %mul3A_654 : vector<16xf32>
      %select_n3A_656 = arith.select %or3A_645, %squeeze3A_638, %select_n3A_632 : f32
      %select_n3A_657 = arith.select %or3A_645, %squeeze3A_640, %select_n3A_633 : f32
      %get3A_658 = arith.constant 192 : index
      %get3A_659 = tpu.vector_load %arg28[%get3A_658] {strides = array<i32>} : memref<256xf32, #tpu.memory_space<vmem>>, vector<16xf32>,
      %get3A_660 = vector.shape_cast %get3A_659 : vector<16xf32> to vector<16xf32>
      %slice3A_661 = vector.extract_strided_slice %get3A_660 {offsets = [0], sizes = [1], strides = [1]} : vector<16xf32> to vector<1xf32>
      %squeeze3A_662 = vector.extract %slice3A_661[0] : f32 from vector<1xf32>
      %slice3A_663 = vector.extract_strided_slice %get3A_660 {offsets = [1], sizes = [1], strides = [1]} : vector<16xf32> to vector<1xf32>
      %squeeze3A_664 = vector.extract %slice3A_663[0] : f32 from vector<1xf32>
      %gt3A_665 = arith.cmpf ogt, %squeeze3A_662, %select_n3A_656 : f32
      %eq3A_666 = arith.cmpf oeq, %squeeze3A_662, %select_n3A_656 : f32
      %lt3A_667 = arith.cmpf olt, %squeeze3A_664, %select_n3A_657 : f32
      %and3A_668 = arith.andi %eq3A_666, %lt3A_667 : i1
      %or3A_669 = arith.ori %gt3A_665, %and3A_668 : i1
      %jit3A_670 = arith.constant 1.000000e+00 : f32
      %jit3A_671 = arith.constant 0.000000e+00 : f32
      %select_n3A_672 = arith.select %or3A_669, %jit3A_670, %jit3A_671 : f32
      %broadcast_in_dim3A_673 = vector.broadcast %select_n3A_672 : f32 to vector<16xf32>
      %mul3A_674 = arith.mulf %broadcast_in_dim3A_673, %get3A_660 : vector<16xf32>
      %sub3A_675 = arith.constant 1.000000e+00 : f32
      %sub3A_676 = vector.broadcast %sub3A_675 : f32 to vector<16xf32>
      %sub3A_677 = arith.subf %sub3A_676, %broadcast_in_dim3A_673 : vector<16xf32>
      %mul3A_678 = arith.mulf %sub3A_677, %add3A_655 : vector<16xf32>
      %add3A_679 = arith.addf %mul3A_674, %mul3A_678 : vector<16xf32>
      %select_n3A_680 = arith.select %or3A_669, %squeeze3A_662, %select_n3A_656 : f32
      %select_n3A_681 = arith.select %or3A_669, %squeeze3A_664, %select_n3A_657 : f32
      %get3A_682 = arith.constant 208 : index
      %get3A_683 = tpu.vector_load %arg28[%get3A_682] {strides = array<i32>} : memref<256xf32, #tpu.memory_space<vmem>>, vector<16xf32>,
      %get3A_684 = vector.shape_cast %get3A_683 : vector<16xf32> to vector<16xf32>
      %slice3A_685 = vector.extract_strided_slice %get3A_684 {offsets = [0], sizes = [1], strides = [1]} : vector<16xf32> to vector<1xf32>
      %squeeze3A_686 = vector.extract %slice3A_685[0] : f32 from vector<1xf32>
      %slice3A_687 = vector.extract_strided_slice %get3A_684 {offsets = [1], sizes = [1], strides = [1]} : vector<16xf32> to vector<1xf32>
      %squeeze3A_688 = vector.extract %slice3A_687[0] : f32 from vector<1xf32>
      %gt3A_689 = arith.cmpf ogt, %squeeze3A_686, %select_n3A_680 : f32
      %eq3A_690 = arith.cmpf oeq, %squeeze3A_686, %select_n3A_680 : f32
      %lt3A_691 = arith.cmpf olt, %squeeze3A_688, %select_n3A_681 : f32
      %and3A_692 = arith.andi %eq3A_690, %lt3A_691 : i1
      %or3A_693 = arith.ori %gt3A_689, %and3A_692 : i1
      %jit3A_694 = arith.constant 1.000000e+00 : f32
      %jit3A_695 = arith.constant 0.000000e+00 : f32
      %select_n3A_696 = arith.select %or3A_693, %jit3A_694, %jit3A_695 : f32
      %broadcast_in_dim3A_697 = vector.broadcast %select_n3A_696 : f32 to vector<16xf32>
      %mul3A_698 = arith.mulf %broadcast_in_dim3A_697, %get3A_684 : vector<16xf32>
      %sub3A_699 = arith.constant 1.000000e+00 : f32
      %sub3A_700 = vector.broadcast %sub3A_699 : f32 to vector<16xf32>
      %sub3A_701 = arith.subf %sub3A_700, %broadcast_in_dim3A_697 : vector<16xf32>
      %mul3A_702 = arith.mulf %sub3A_701, %add3A_679 : vector<16xf32>
      %add3A_703 = arith.addf %mul3A_698, %mul3A_702 : vector<16xf32>
      %select_n3A_704 = arith.select %or3A_693, %squeeze3A_686, %select_n3A_680 : f32
      %select_n3A_705 = arith.select %or3A_693, %squeeze3A_688, %select_n3A_681 : f32
      %get3A_706 = arith.constant 224 : index
      %get3A_707 = tpu.vector_load %arg28[%get3A_706] {strides = array<i32>} : memref<256xf32, #tpu.memory_space<vmem>>, vector<16xf32>,
      %get3A_708 = vector.shape_cast %get3A_707 : vector<16xf32> to vector<16xf32>
      %slice3A_709 = vector.extract_strided_slice %get3A_708 {offsets = [0], sizes = [1], strides = [1]} : vector<16xf32> to vector<1xf32>
      %squeeze3A_710 = vector.extract %slice3A_709[0] : f32 from vector<1xf32>
      %slice3A_711 = vector.extract_strided_slice %get3A_708 {offsets = [1], sizes = [1], strides = [1]} : vector<16xf32> to vector<1xf32>
      %squeeze3A_712 = vector.extract %slice3A_711[0] : f32 from vector<1xf32>
      %gt3A_713 = arith.cmpf ogt, %squeeze3A_710, %select_n3A_704 : f32
      %eq3A_714 = arith.cmpf oeq, %squeeze3A_710, %select_n3A_704 : f32
      %lt3A_715 = arith.cmpf olt, %squeeze3A_712, %select_n3A_705 : f32
      %and3A_716 = arith.andi %eq3A_714, %lt3A_715 : i1
      %or3A_717 = arith.ori %gt3A_713, %and3A_716 : i1
      %jit3A_718 = arith.constant 1.000000e+00 : f32
      %jit3A_719 = arith.constant 0.000000e+00 : f32
      %select_n3A_720 = arith.select %or3A_717, %jit3A_718, %jit3A_719 : f32
      %broadcast_in_dim3A_721 = vector.broadcast %select_n3A_720 : f32 to vector<16xf32>
      %mul3A_722 = arith.mulf %broadcast_in_dim3A_721, %get3A_708 : vector<16xf32>
      %sub3A_723 = arith.constant 1.000000e+00 : f32
      %sub3A_724 = vector.broadcast %sub3A_723 : f32 to vector<16xf32>
      %sub3A_725 = arith.subf %sub3A_724, %broadcast_in_dim3A_721 : vector<16xf32>
      %mul3A_726 = arith.mulf %sub3A_725, %add3A_703 : vector<16xf32>
      %add3A_727 = arith.addf %mul3A_722, %mul3A_726 : vector<16xf32>
      %select_n3A_728 = arith.select %or3A_717, %squeeze3A_710, %select_n3A_704 : f32
      %select_n3A_729 = arith.select %or3A_717, %squeeze3A_712, %select_n3A_705 : f32
      %get3A_730 = arith.constant 240 : index
      %get3A_731 = tpu.vector_load %arg28[%get3A_730] {strides = array<i32>} : memref<256xf32, #tpu.memory_space<vmem>>, vector<16xf32>,
      %get3A_732 = vector.shape_cast %get3A_731 : vector<16xf32> to vector<16xf32>
      %slice3A_733 = vector.extract_strided_slice %get3A_732 {offsets = [0], sizes = [1], strides = [1]} : vector<16xf32> to vector<1xf32>
      %squeeze3A_734 = vector.extract %slice3A_733[0] : f32 from vector<1xf32>
      %slice3A_735 = vector.extract_strided_slice %get3A_732 {offsets = [1], sizes = [1], strides = [1]} : vector<16xf32> to vector<1xf32>
      %squeeze3A_736 = vector.extract %slice3A_735[0] : f32 from vector<1xf32>
      %gt3A_737 = arith.cmpf ogt, %squeeze3A_734, %select_n3A_728 : f32
      %eq3A_738 = arith.cmpf oeq, %squeeze3A_734, %select_n3A_728 : f32
      %lt3A_739 = arith.cmpf olt, %squeeze3A_736, %select_n3A_729 : f32
      %and3A_740 = arith.andi %eq3A_738, %lt3A_739 : i1
      %or3A_741 = arith.ori %gt3A_737, %and3A_740 : i1
      %jit3A_742 = arith.constant 1.000000e+00 : f32
      %jit3A_743 = arith.constant 0.000000e+00 : f32
      %select_n3A_744 = arith.select %or3A_741, %jit3A_742, %jit3A_743 : f32
      %broadcast_in_dim3A_745 = vector.broadcast %select_n3A_744 : f32 to vector<16xf32>
      %mul3A_746 = arith.mulf %broadcast_in_dim3A_745, %get3A_732 : vector<16xf32>
      %sub3A_747 = arith.constant 1.000000e+00 : f32
      %sub3A_748 = vector.broadcast %sub3A_747 : f32 to vector<16xf32>
      %sub3A_749 = arith.subf %sub3A_748, %broadcast_in_dim3A_745 : vector<16xf32>
      %mul3A_750 = arith.mulf %sub3A_749, %add3A_727 : vector<16xf32>
      %add3A_751 = arith.addf %mul3A_746, %mul3A_750 : vector<16xf32>
      %select_n3A_752 = arith.select %or3A_741, %squeeze3A_734, %select_n3A_728 : f32
      %select_n3A_753 = arith.select %or3A_741, %squeeze3A_736, %select_n3A_729 : f32
      %slice3A_754 = vector.extract_strided_slice %add3A_751 {offsets = [0], sizes = [1], strides = [1]} : vector<16xf32> to vector<1xf32>
      %squeeze3A_755 = vector.extract %slice3A_754[0] : f32 from vector<1xf32>
      %gt3A_756 = arith.constant -5.000000e+29 : f32
      %gt3A_757 = arith.cmpf ogt, %squeeze3A_755, %gt3A_756 : f32
      %not3A = arith.constant true
      %not3A_758 = arith.xori %gt3A_757, %not3A : i1
      %convert_element_type3A_759 = arith.extui %not3A_758 : i1 to i32
      %cond3A_760 = arith.constant 0 : i32
      %cond3A_761 = arith.cmpi ne, %convert_element_type3A_759, %cond3A_760 : i32
      scf.if %cond3A_761 {
        %broadcast_in_dim3A_853 = arith.constant -1.000000e+30 : f32
        %broadcast_in_dim3A_854 = vector.broadcast %broadcast_in_dim3A_853 : f32 to vector<16xf32>
        %broadcast_in_dim3A_855 = arith.constant 0 : i32
        %broadcast_in_dim3A_856 = vector.broadcast %broadcast_in_dim3A_855 : i32 to vector<16xi32>
        %scan3A_857 = arith.constant 0 : i32
        %scan3A_858 = arith.constant 20 : i32
        %scan3A_859 = arith.addi %scan3A_857, %scan3A_858 : i32
        %scan3A_860 = arith.constant 1 : i32
        %scan3A_861:2 = scf.for %scan3A_1438 = %scan3A_857 to %scan3A_859 step %scan3A_860 iter_args(%scan3A_1439 = %broadcast_in_dim3A_854, %scan3A_1440 = %broadcast_in_dim3A_856) -> (vector<16xf32>, vector<16xi32>)  : i32 {
          %mul3A_1441 = arith.constant 16 : i32
          %mul3A_1442 = arith.muli %scan3A_1438, %mul3A_1441 : i32
          %get3A_1443 = arith.index_cast %mul3A_1442 : i32 to index
          %get3A_1444 = tpu.vector_load %arg22[%get3A_1443] {strides = array<i32>} : memref<336xf32, #tpu.memory_space<vmem>>, vector<16xf32>,
          %get3A_1445 = vector.shape_cast %get3A_1444 : vector<16xf32> to vector<16xf32>
          %mul3A_1446 = arith.constant 16 : i32
          %mul3A_1447 = arith.muli %scan3A_1438, %mul3A_1446 : i32
          %add3A_1448 = arith.addi %mul3A_0, %mul3A_1447 : i32
          %add3A_1449 = vector.broadcast %add3A_1448 : i32 to vector<16xi32>
          %add3A_1450 = arith.addi %add3A_1449, %iota3A : vector<16xi32>
          %gt3A_1451 = arith.cmpf ogt, %get3A_1445, %scan3A_1439 : vector<16xf32>
          %select_n3A_1452 = arith.select %gt3A_1451, %get3A_1445, %scan3A_1439 : vector<16xi1>, vector<16xf32>
          %select_n3A_1453 = arith.select %gt3A_1451, %add3A_1450, %scan3A_1440 : vector<16xi1>, vector<16xi32>
          scf.yield %select_n3A_1452, %select_n3A_1453 : vector<16xf32>, vector<16xi32>
        }
        %scan3A_862 = arith.constant 20 : i32
        %xor3A_863 = arith.constant 8 : i32
        %xor3A_864 = vector.broadcast %xor3A_863 : i32 to vector<16xi32>
        %xor3A_865 = arith.xori %iota3A, %xor3A_864 : vector<16xi32>
        %broadcast_in_dim3A_866 = vector.shape_cast %xor3A_865 : vector<16xi32> to vector<16x1xi32>
        %gather3A_867 = vector.shape_cast %broadcast_in_dim3A_866 : vector<16x1xi32> to vector<16xi32>
        %gather3A_868 = tpu.dynamic_gather %scan3A_861#0[%gather3A_867] in [0] : vector<16xf32>, vector<16xi32> -> vector<16xf32>
        %broadcast_in_dim3A_869 = vector.shape_cast %xor3A_865 : vector<16xi32> to vector<16x1xi32>
        %gather3A_870 = vector.shape_cast %broadcast_in_dim3A_869 : vector<16x1xi32> to vector<16xi32>
        %gather3A_871 = tpu.dynamic_gather %scan3A_861#1[%gather3A_870] in [0] : vector<16xi32>, vector<16xi32> -> vector<16xi32>
        %gt3A_872 = arith.cmpf ogt, %gather3A_868, %scan3A_861#0 : vector<16xf32>
        %eq3A_873 = arith.cmpf oeq, %gather3A_868, %scan3A_861#0 : vector<16xf32>
        %lt3A_874 = arith.cmpi slt, %gather3A_871, %scan3A_861#1 : vector<16xi32>
        %and3A_875 = arith.andi %eq3A_873, %lt3A_874 : vector<16xi1>
        %or3A_876 = arith.ori %gt3A_872, %and3A_875 : vector<16xi1>
        %select_n3A_877 = arith.select %or3A_876, %gather3A_868, %scan3A_861#0 : vector<16xi1>, vector<16xf32>
        %select_n3A_878 = arith.select %or3A_876, %gather3A_871, %scan3A_861#1 : vector<16xi1>, vector<16xi32>
        %xor3A_879 = arith.constant 4 : i32
        %xor3A_880 = vector.broadcast %xor3A_879 : i32 to vector<16xi32>
        %xor3A_881 = arith.xori %iota3A, %xor3A_880 : vector<16xi32>
        %broadcast_in_dim3A_882 = vector.shape_cast %xor3A_881 : vector<16xi32> to vector<16x1xi32>
        %gather3A_883 = vector.shape_cast %broadcast_in_dim3A_882 : vector<16x1xi32> to vector<16xi32>
        %gather3A_884 = tpu.dynamic_gather %select_n3A_877[%gather3A_883] in [0] : vector<16xf32>, vector<16xi32> -> vector<16xf32>
        %broadcast_in_dim3A_885 = vector.shape_cast %xor3A_881 : vector<16xi32> to vector<16x1xi32>
        %gather3A_886 = vector.shape_cast %broadcast_in_dim3A_885 : vector<16x1xi32> to vector<16xi32>
        %gather3A_887 = tpu.dynamic_gather %select_n3A_878[%gather3A_886] in [0] : vector<16xi32>, vector<16xi32> -> vector<16xi32>
        %gt3A_888 = arith.cmpf ogt, %gather3A_884, %select_n3A_877 : vector<16xf32>
        %eq3A_889 = arith.cmpf oeq, %gather3A_884, %select_n3A_877 : vector<16xf32>
        %lt3A_890 = arith.cmpi slt, %gather3A_887, %select_n3A_878 : vector<16xi32>
        %and3A_891 = arith.andi %eq3A_889, %lt3A_890 : vector<16xi1>
        %or3A_892 = arith.ori %gt3A_888, %and3A_891 : vector<16xi1>
        %select_n3A_893 = arith.select %or3A_892, %gather3A_884, %select_n3A_877 : vector<16xi1>, vector<16xf32>
        %select_n3A_894 = arith.select %or3A_892, %gather3A_887, %select_n3A_878 : vector<16xi1>, vector<16xi32>
        %xor3A_895 = arith.constant 2 : i32
        %xor3A_896 = vector.broadcast %xor3A_895 : i32 to vector<16xi32>
        %xor3A_897 = arith.xori %iota3A, %xor3A_896 : vector<16xi32>
        %broadcast_in_dim3A_898 = vector.shape_cast %xor3A_897 : vector<16xi32> to vector<16x1xi32>
        %gather3A_899 = vector.shape_cast %broadcast_in_dim3A_898 : vector<16x1xi32> to vector<16xi32>
        %gather3A_900 = tpu.dynamic_gather %select_n3A_893[%gather3A_899] in [0] : vector<16xf32>, vector<16xi32> -> vector<16xf32>
        %broadcast_in_dim3A_901 = vector.shape_cast %xor3A_897 : vector<16xi32> to vector<16x1xi32>
        %gather3A_902 = vector.shape_cast %broadcast_in_dim3A_901 : vector<16x1xi32> to vector<16xi32>
        %gather3A_903 = tpu.dynamic_gather %select_n3A_894[%gather3A_902] in [0] : vector<16xi32>, vector<16xi32> -> vector<16xi32>
        %gt3A_904 = arith.cmpf ogt, %gather3A_900, %select_n3A_893 : vector<16xf32>
        %eq3A_905 = arith.cmpf oeq, %gather3A_900, %select_n3A_893 : vector<16xf32>
        %lt3A_906 = arith.cmpi slt, %gather3A_903, %select_n3A_894 : vector<16xi32>
        %and3A_907 = arith.andi %eq3A_905, %lt3A_906 : vector<16xi1>
        %or3A_908 = arith.ori %gt3A_904, %and3A_907 : vector<16xi1>
        %select_n3A_909 = arith.select %or3A_908, %gather3A_900, %select_n3A_893 : vector<16xi1>, vector<16xf32>
        %select_n3A_910 = arith.select %or3A_908, %gather3A_903, %select_n3A_894 : vector<16xi1>, vector<16xi32>
        %xor3A_911 = arith.constant 1 : i32
        %xor3A_912 = vector.broadcast %xor3A_911 : i32 to vector<16xi32>
        %xor3A_913 = arith.xori %iota3A, %xor3A_912 : vector<16xi32>
        %broadcast_in_dim3A_914 = vector.shape_cast %xor3A_913 : vector<16xi32> to vector<16x1xi32>
        %gather3A_915 = vector.shape_cast %broadcast_in_dim3A_914 : vector<16x1xi32> to vector<16xi32>
        %gather3A_916 = tpu.dynamic_gather %select_n3A_909[%gather3A_915] in [0] : vector<16xf32>, vector<16xi32> -> vector<16xf32>
        %broadcast_in_dim3A_917 = vector.shape_cast %xor3A_913 : vector<16xi32> to vector<16x1xi32>
        %gather3A_918 = vector.shape_cast %broadcast_in_dim3A_917 : vector<16x1xi32> to vector<16xi32>
        %gather3A_919 = tpu.dynamic_gather %select_n3A_910[%gather3A_918] in [0] : vector<16xi32>, vector<16xi32> -> vector<16xi32>
        %gt3A_920 = arith.cmpf ogt, %gather3A_916, %select_n3A_909 : vector<16xf32>
        %eq3A_921 = arith.cmpf oeq, %gather3A_916, %select_n3A_909 : vector<16xf32>
        %lt3A_922 = arith.cmpi slt, %gather3A_919, %select_n3A_910 : vector<16xi32>
        %and3A_923 = arith.andi %eq3A_921, %lt3A_922 : vector<16xi1>
        %or3A_924 = arith.ori %gt3A_920, %and3A_923 : vector<16xi1>
        %select_n3A_925 = arith.select %or3A_924, %gather3A_916, %select_n3A_909 : vector<16xi1>, vector<16xf32>
        %select_n3A_926 = arith.select %or3A_924, %gather3A_919, %select_n3A_910 : vector<16xi1>, vector<16xi32>
        %slice3A_927 = vector.extract_strided_slice %select_n3A_925 {offsets = [0], sizes = [1], strides = [1]} : vector<16xf32> to vector<1xf32>
        %squeeze3A_928 = vector.extract %slice3A_927[0] : f32 from vector<1xf32>
        %slice3A_929 = vector.extract_strided_slice %select_n3A_926 {offsets = [0], sizes = [1], strides = [1]} : vector<16xi32> to vector<1xi32>
        %squeeze3A_930 = vector.extract %slice3A_929[0] : i32 from vector<1xi32>
        %sub3A_931 = arith.subi %squeeze3A_930, %mul3A_0 : i32
        %jit3A_932 = arith.constant 0 : i32
        %jit3A_933 = arith.constant 319 : i32
        %max3A_934 = arith.maxsi %jit3A_932, %sub3A_931 : i32
        %min3A_935 = arith.minsi %jit3A_933, %max3A_934 : i32
        %convert_element_type3A_936 = arith.sitofp %squeeze3A_930 : i32 to f32
        %get3A_937 = arith.index_cast %min3A_935 : i32 to index
        %get3A_938 = tpu.vector_load %arg11[%get3A_937] {strides = array<i32>} : memref<336xf32, #tpu.memory_space<vmem>>, vector<16xf32>,
        %get3A_939 = vector.shape_cast %get3A_938 : vector<16xf32> to vector<16xf32>
        %slice3A_940 = vector.extract_strided_slice %get3A_939 {offsets = [0], sizes = [1], strides = [1]} : vector<16xf32> to vector<1xf32>
        %squeeze3A_941 = vector.extract %slice3A_940[0] : f32 from vector<1xf32>
        %get3A_942 = arith.index_cast %min3A_935 : i32 to index
        %get3A_943 = tpu.vector_load %arg12[%get3A_942] {strides = array<i32>} : memref<336xf32, #tpu.memory_space<vmem>>, vector<16xf32>,
        %get3A_944 = vector.shape_cast %get3A_943 : vector<16xf32> to vector<16xf32>
        %slice3A_945 = vector.extract_strided_slice %get3A_944 {offsets = [0], sizes = [1], strides = [1]} : vector<16xf32> to vector<1xf32>
        %squeeze3A_946 = vector.extract %slice3A_945[0] : f32 from vector<1xf32>
        %get3A_947 = arith.index_cast %min3A_935 : i32 to index
        %get3A_948 = tpu.vector_load %arg13[%get3A_947] {strides = array<i32>} : memref<336xf32, #tpu.memory_space<vmem>>, vector<16xf32>,
        %get3A_949 = vector.shape_cast %get3A_948 : vector<16xf32> to vector<16xf32>
        %slice3A_950 = vector.extract_strided_slice %get3A_949 {offsets = [0], sizes = [1], strides = [1]} : vector<16xf32> to vector<1xf32>
        %squeeze3A_951 = vector.extract %slice3A_950[0] : f32 from vector<1xf32>
        %get3A_952 = arith.index_cast %min3A_935 : i32 to index
        %get3A_953 = tpu.vector_load %arg14[%get3A_952] {strides = array<i32>} : memref<336xf32, #tpu.memory_space<vmem>>, vector<16xf32>,
        %get3A_954 = vector.shape_cast %get3A_953 : vector<16xf32> to vector<16xf32>
        %slice3A_955 = vector.extract_strided_slice %get3A_954 {offsets = [0], sizes = [1], strides = [1]} : vector<16xf32> to vector<1xf32>
        %squeeze3A_956 = vector.extract %slice3A_955[0] : f32 from vector<1xf32>
        %get3A_957 = arith.index_cast %min3A_935 : i32 to index
        %get3A_958 = tpu.vector_load %arg15[%get3A_957] {strides = array<i32>} : memref<336xf32, #tpu.memory_space<vmem>>, vector<16xf32>,
        %get3A_959 = vector.shape_cast %get3A_958 : vector<16xf32> to vector<16xf32>
        %slice3A_960 = vector.extract_strided_slice %get3A_959 {offsets = [0], sizes = [1], strides = [1]} : vector<16xf32> to vector<1xf32>
        %squeeze3A_961 = vector.extract %slice3A_960[0] : f32 from vector<1xf32>
        %get3A_962 = arith.index_cast %min3A_935 : i32 to index
        %get3A_963 = tpu.vector_load %arg16[%get3A_962] {strides = array<i32>} : memref<336xi32, #tpu.memory_space<vmem>>, vector<16xi32>,
        %get3A_964 = vector.shape_cast %get3A_963 : vector<16xi32> to vector<16xi32>
        %slice3A_965 = vector.extract_strided_slice %get3A_964 {offsets = [0], sizes = [1], strides = [1]} : vector<16xi32> to vector<1xi32>
        %squeeze3A_966 = vector.extract %slice3A_965[0] : i32 from vector<1xi32>
        %convert_element_type3A_967 = arith.sitofp %squeeze3A_966 : i32 to f32
        %broadcast_in_dim3A_968 = arith.constant 0.000000e+00 : f32
        %broadcast_in_dim3A_969 = vector.broadcast %broadcast_in_dim3A_968 : f32 to vector<16xf32>
        %eq3A_970 = arith.constant 0 : i32
        %eq3A_971 = vector.broadcast %eq3A_970 : i32 to vector<16xi32>
        %eq3A_972 = arith.cmpi eq, %iota3A, %eq3A_971 : vector<16xi32>
        %broadcast_in_dim3A_973 = vector.broadcast %squeeze3A_928 : f32 to vector<16xf32>
        %select_n3A_974 = arith.select %eq3A_972, %broadcast_in_dim3A_973, %broadcast_in_dim3A_969 : vector<16xi1>, vector<16xf32>
        %eq3A_975 = arith.constant 1 : i32
        %eq3A_976 = vector.broadcast %eq3A_975 : i32 to vector<16xi32>
        %eq3A_977 = arith.cmpi eq, %iota3A, %eq3A_976 : vector<16xi32>
        %broadcast_in_dim3A_978 = vector.broadcast %convert_element_type3A_936 : f32 to vector<16xf32>
        %select_n3A_979 = arith.select %eq3A_977, %broadcast_in_dim3A_978, %select_n3A_974 : vector<16xi1>, vector<16xf32>
        %eq3A_980 = arith.constant 2 : i32
        %eq3A_981 = vector.broadcast %eq3A_980 : i32 to vector<16xi32>
        %eq3A_982 = arith.cmpi eq, %iota3A, %eq3A_981 : vector<16xi32>
        %jit3A_983 = arith.constant 0.000000e+00 : f32
        %broadcast_in_dim3A_984 = vector.broadcast %jit3A_983 : f32 to vector<16xf32>
        %select_n3A_985 = arith.select %eq3A_982, %broadcast_in_dim3A_984, %select_n3A_979 : vector<16xi1>, vector<16xf32>
        %eq3A_986 = arith.constant 3 : i32
        %eq3A_987 = vector.broadcast %eq3A_986 : i32 to vector<16xi32>
        %eq3A_988 = arith.cmpi eq, %iota3A, %eq3A_987 : vector<16xi32>
        %jit3A_989 = arith.constant 0.000000e+00 : f32
        %broadcast_in_dim3A_990 = vector.broadcast %jit3A_989 : f32 to vector<16xf32>
        %select_n3A_991 = arith.select %eq3A_988, %broadcast_in_dim3A_990, %select_n3A_985 : vector<16xi1>, vector<16xf32>
        %eq3A_992 = arith.constant 4 : i32
        %eq3A_993 = vector.broadcast %eq3A_992 : i32 to vector<16xi32>
        %eq3A_994 = arith.cmpi eq, %iota3A, %eq3A_993 : vector<16xi32>
        %jit3A_995 = arith.constant 0.000000e+00 : f32
        %broadcast_in_dim3A_996 = vector.broadcast %jit3A_995 : f32 to vector<16xf32>
        %select_n3A_997 = arith.select %eq3A_994, %broadcast_in_dim3A_996, %select_n3A_991 : vector<16xi1>, vector<16xf32>
        %eq3A_998 = arith.constant 5 : i32
        %eq3A_999 = vector.broadcast %eq3A_998 : i32 to vector<16xi32>
        %eq3A_1000 = arith.cmpi eq, %iota3A, %eq3A_999 : vector<16xi32>
        %jit3A_1001 = arith.constant 0.000000e+00 : f32
        %broadcast_in_dim3A_1002 = vector.broadcast %jit3A_1001 : f32 to vector<16xf32>
        %select_n3A_1003 = arith.select %eq3A_1000, %broadcast_in_dim3A_1002, %select_n3A_997 : vector<16xi1>, vector<16xf32>
        %eq3A_1004 = arith.constant 6 : i32
        %eq3A_1005 = vector.broadcast %eq3A_1004 : i32 to vector<16xi32>
        %eq3A_1006 = arith.cmpi eq, %iota3A, %eq3A_1005 : vector<16xi32>
        %broadcast_in_dim3A_1007 = vector.broadcast %squeeze3A_941 : f32 to vector<16xf32>
        %select_n3A_1008 = arith.select %eq3A_1006, %broadcast_in_dim3A_1007, %select_n3A_1003 : vector<16xi1>, vector<16xf32>
        %eq3A_1009 = arith.constant 7 : i32
        %eq3A_1010 = vector.broadcast %eq3A_1009 : i32 to vector<16xi32>
        %eq3A_1011 = arith.cmpi eq, %iota3A, %eq3A_1010 : vector<16xi32>
        %broadcast_in_dim3A_1012 = vector.broadcast %squeeze3A_946 : f32 to vector<16xf32>
        %select_n3A_1013 = arith.select %eq3A_1011, %broadcast_in_dim3A_1012, %select_n3A_1008 : vector<16xi1>, vector<16xf32>
        %eq3A_1014 = arith.constant 8 : i32
        %eq3A_1015 = vector.broadcast %eq3A_1014 : i32 to vector<16xi32>
        %eq3A_1016 = arith.cmpi eq, %iota3A, %eq3A_1015 : vector<16xi32>
        %broadcast_in_dim3A_1017 = vector.broadcast %squeeze3A_951 : f32 to vector<16xf32>
        %select_n3A_1018 = arith.select %eq3A_1016, %broadcast_in_dim3A_1017, %select_n3A_1013 : vector<16xi1>, vector<16xf32>
        %eq3A_1019 = arith.constant 9 : i32
        %eq3A_1020 = vector.broadcast %eq3A_1019 : i32 to vector<16xi32>
        %eq3A_1021 = arith.cmpi eq, %iota3A, %eq3A_1020 : vector<16xi32>
        %broadcast_in_dim3A_1022 = vector.broadcast %squeeze3A_956 : f32 to vector<16xf32>
        %select_n3A_1023 = arith.select %eq3A_1021, %broadcast_in_dim3A_1022, %select_n3A_1018 : vector<16xi1>, vector<16xf32>
        %eq3A_1024 = arith.constant 10 : i32
        %eq3A_1025 = vector.broadcast %eq3A_1024 : i32 to vector<16xi32>
        %eq3A_1026 = arith.cmpi eq, %iota3A, %eq3A_1025 : vector<16xi32>
        %broadcast_in_dim3A_1027 = vector.broadcast %squeeze3A_961 : f32 to vector<16xf32>
        %select_n3A_1028 = arith.select %eq3A_1026, %broadcast_in_dim3A_1027, %select_n3A_1023 : vector<16xi1>, vector<16xf32>
        %eq3A_1029 = arith.constant 11 : i32
        %eq3A_1030 = vector.broadcast %eq3A_1029 : i32 to vector<16xi32>
        %eq3A_1031 = arith.cmpi eq, %iota3A, %eq3A_1030 : vector<16xi32>
        %broadcast_in_dim3A_1032 = vector.broadcast %convert_element_type3A_967 : f32 to vector<16xf32>
        %select_n3A_1033 = arith.select %eq3A_1031, %broadcast_in_dim3A_1032, %select_n3A_1028 : vector<16xi1>, vector<16xf32>
        %swap3A_1034 = arith.constant 0 : index
        %swap3A_1035 = tpu.vector_load %arg26[%swap3A_1034] {strides = array<i32>} : memref<16xf32, #tpu.memory_space<vmem>>, vector<16xf32>,
        %swap3A_1036 = vector.shape_cast %swap3A_1035 : vector<16xf32> to vector<16xf32>
        %swap3A_1037 = vector.shape_cast %select_n3A_1033 : vector<16xf32> to vector<16xf32>
        tpu.vector_store %arg26[%swap3A_1034], %swap3A_1037 {strides = array<i32>} : memref<16xf32, #tpu.memory_space<vmem>>, vector<16xf32>,
        %mul3A_1038 = arith.constant 16 : i32
        %mul3A_1039 = arith.muli %arg1, %mul3A_1038 : i32
        %add3A_1040 = arith.constant 512 : i32
        %add3A_1041 = arith.addi %add3A_1040, %mul3A_1039 : i32
        "tpu.region"() ({
          %run_scoped3A = tpu.sem_alloc : memref<!tpu.dma_semaphore, #tpu.memory_space<semaphore_mem>>
          %dma_start3A = tpu.memref_slice %arg29[%add3A_1041] : memref<768xf32, #tpu.memory_space<vmem_shared>> -> memref<16xf32, #tpu.memory_space<vmem_shared>>
          %dma_start3A_1438 = tpu.memref_slice %arg29[%add3A_1041] : memref<768xf32, #tpu.memory_space<vmem_shared>> -> memref<16xf32, #tpu.memory_space<vmem_shared>>
          tpu.enqueue_dma source(%arg26 : memref<16xf32, #tpu.memory_space<vmem>>) target(%dma_start3A_1438 : memref<16xf32, #tpu.memory_space<vmem_shared>>) target_semaphore(%run_scoped3A : memref<!tpu.dma_semaphore, #tpu.memory_space<semaphore_mem>>)
          %dma_wait3A = tpu.memref_slice %arg29[%add3A_1041] : memref<768xf32, #tpu.memory_space<vmem_shared>> -> memref<16xf32, #tpu.memory_space<vmem_shared>>
          %dma_wait3A_1439 = tpu.memref_slice %arg29[%add3A_1041] : memref<768xf32, #tpu.memory_space<vmem_shared>> -> memref<16xf32, #tpu.memory_space<vmem_shared>>
          tpu.wait_dma2 semaphore(%run_scoped3A : memref<!tpu.dma_semaphore, #tpu.memory_space<semaphore_mem>>) src(%arg26 : memref<16xf32, #tpu.memory_space<vmem>>) dst(%dma_wait3A_1439 : memref<16xf32, #tpu.memory_space<vmem_shared>>)
          tpu.yield
        }) : () -> ()
        %barrier3A_1042 = arith.constant 0 : index
        tpu.barrier barrier_id(%barrier3A_1042)
        "tpu.region"() ({
          %run_scoped3A = tpu.sem_alloc : memref<!tpu.dma_semaphore, #tpu.memory_space<semaphore_mem>>
          %dma_start3A = arith.constant 512 : i32
          %dma_start3A_1438 = tpu.memref_slice %arg29[%dma_start3A] : memref<768xf32, #tpu.memory_space<vmem_shared>> -> memref<256xf32, #tpu.memory_space<vmem_shared>>
          %dma_start3A_1439 = arith.constant 512 : i32
          %dma_start3A_1440 = tpu.memref_slice %arg29[%dma_start3A_1439] : memref<768xf32, #tpu.memory_space<vmem_shared>> -> memref<256xf32, #tpu.memory_space<vmem_shared>>
          tpu.enqueue_dma source(%dma_start3A_1440 : memref<256xf32, #tpu.memory_space<vmem_shared>>) target(%arg28 : memref<256xf32, #tpu.memory_space<vmem>>) target_semaphore(%run_scoped3A : memref<!tpu.dma_semaphore, #tpu.memory_space<semaphore_mem>>)
          %dma_wait3A = arith.constant 512 : i32
          %dma_wait3A_1441 = tpu.memref_slice %arg29[%dma_wait3A] : memref<768xf32, #tpu.memory_space<vmem_shared>> -> memref<256xf32, #tpu.memory_space<vmem_shared>>
          %dma_wait3A_1442 = arith.constant 512 : i32
          %dma_wait3A_1443 = tpu.memref_slice %arg29[%dma_wait3A_1442] : memref<768xf32, #tpu.memory_space<vmem_shared>> -> memref<256xf32, #tpu.memory_space<vmem_shared>>
          tpu.wait_dma2 semaphore(%run_scoped3A : memref<!tpu.dma_semaphore, #tpu.memory_space<semaphore_mem>>) src(%dma_wait3A_1443 : memref<256xf32, #tpu.memory_space<vmem_shared>>) dst(%arg28 : memref<256xf32, #tpu.memory_space<vmem>>)
          tpu.yield
        }) : () -> ()
        %broadcast_in_dim3A_1043 = arith.constant 0.000000e+00 : f32
        %broadcast_in_dim3A_1044 = vector.broadcast %broadcast_in_dim3A_1043 : f32 to vector<16xf32>
        %get3A_1045 = arith.constant 0 : index
        %get3A_1046 = tpu.vector_load %arg28[%get3A_1045] {strides = array<i32>} : memref<256xf32, #tpu.memory_space<vmem>>, vector<16xf32>,
        %get3A_1047 = vector.shape_cast %get3A_1046 : vector<16xf32> to vector<16xf32>
        %slice3A_1048 = vector.extract_strided_slice %get3A_1047 {offsets = [0], sizes = [1], strides = [1]} : vector<16xf32> to vector<1xf32>
        %squeeze3A_1049 = vector.extract %slice3A_1048[0] : f32 from vector<1xf32>
        %slice3A_1050 = vector.extract_strided_slice %get3A_1047 {offsets = [1], sizes = [1], strides = [1]} : vector<16xf32> to vector<1xf32>
        %squeeze3A_1051 = vector.extract %slice3A_1050[0] : f32 from vector<1xf32>
        %gt3A_1052 = arith.constant -3.000000e+38 : f32
        %gt3A_1053 = arith.cmpf ogt, %squeeze3A_1049, %gt3A_1052 : f32
        %eq3A_1054 = arith.constant -3.000000e+38 : f32
        %eq3A_1055 = arith.cmpf oeq, %squeeze3A_1049, %eq3A_1054 : f32
        %lt3A_1056 = arith.constant 3.000000e+38 : f32
        %lt3A_1057 = arith.cmpf olt, %squeeze3A_1051, %lt3A_1056 : f32
        %and3A_1058 = arith.andi %eq3A_1055, %lt3A_1057 : i1
        %or3A_1059 = arith.ori %gt3A_1053, %and3A_1058 : i1
        %jit3A_1060 = arith.constant 1.000000e+00 : f32
        %jit3A_1061 = arith.constant 0.000000e+00 : f32
        %select_n3A_1062 = arith.select %or3A_1059, %jit3A_1060, %jit3A_1061 : f32
        %broadcast_in_dim3A_1063 = vector.broadcast %select_n3A_1062 : f32 to vector<16xf32>
        %mul3A_1064 = arith.mulf %broadcast_in_dim3A_1063, %get3A_1047 : vector<16xf32>
        %sub3A_1065 = arith.constant 1.000000e+00 : f32
        %sub3A_1066 = vector.broadcast %sub3A_1065 : f32 to vector<16xf32>
        %sub3A_1067 = arith.subf %sub3A_1066, %broadcast_in_dim3A_1063 : vector<16xf32>
        %mul3A_1068 = arith.mulf %sub3A_1067, %broadcast_in_dim3A_1044 : vector<16xf32>
        %add3A_1069 = arith.addf %mul3A_1064, %mul3A_1068 : vector<16xf32>
        %jit3A_1070 = arith.constant -3.000000e+38 : f32
        %select_n3A_1071 = arith.select %or3A_1059, %squeeze3A_1049, %jit3A_1070 : f32
        %jit3A_1072 = arith.constant 3.000000e+38 : f32
        %select_n3A_1073 = arith.select %or3A_1059, %squeeze3A_1051, %jit3A_1072 : f32
        %get3A_1074 = arith.constant 16 : index
        %get3A_1075 = tpu.vector_load %arg28[%get3A_1074] {strides = array<i32>} : memref<256xf32, #tpu.memory_space<vmem>>, vector<16xf32>,
        %get3A_1076 = vector.shape_cast %get3A_1075 : vector<16xf32> to vector<16xf32>
        %slice3A_1077 = vector.extract_strided_slice %get3A_1076 {offsets = [0], sizes = [1], strides = [1]} : vector<16xf32> to vector<1xf32>
        %squeeze3A_1078 = vector.extract %slice3A_1077[0] : f32 from vector<1xf32>
        %slice3A_1079 = vector.extract_strided_slice %get3A_1076 {offsets = [1], sizes = [1], strides = [1]} : vector<16xf32> to vector<1xf32>
        %squeeze3A_1080 = vector.extract %slice3A_1079[0] : f32 from vector<1xf32>
        %gt3A_1081 = arith.cmpf ogt, %squeeze3A_1078, %select_n3A_1071 : f32
        %eq3A_1082 = arith.cmpf oeq, %squeeze3A_1078, %select_n3A_1071 : f32
        %lt3A_1083 = arith.cmpf olt, %squeeze3A_1080, %select_n3A_1073 : f32
        %and3A_1084 = arith.andi %eq3A_1082, %lt3A_1083 : i1
        %or3A_1085 = arith.ori %gt3A_1081, %and3A_1084 : i1
        %jit3A_1086 = arith.constant 1.000000e+00 : f32
        %jit3A_1087 = arith.constant 0.000000e+00 : f32
        %select_n3A_1088 = arith.select %or3A_1085, %jit3A_1086, %jit3A_1087 : f32
        %broadcast_in_dim3A_1089 = vector.broadcast %select_n3A_1088 : f32 to vector<16xf32>
        %mul3A_1090 = arith.mulf %broadcast_in_dim3A_1089, %get3A_1076 : vector<16xf32>
        %sub3A_1091 = arith.constant 1.000000e+00 : f32
        %sub3A_1092 = vector.broadcast %sub3A_1091 : f32 to vector<16xf32>
        %sub3A_1093 = arith.subf %sub3A_1092, %broadcast_in_dim3A_1089 : vector<16xf32>
        %mul3A_1094 = arith.mulf %sub3A_1093, %add3A_1069 : vector<16xf32>
        %add3A_1095 = arith.addf %mul3A_1090, %mul3A_1094 : vector<16xf32>
        %select_n3A_1096 = arith.select %or3A_1085, %squeeze3A_1078, %select_n3A_1071 : f32
        %select_n3A_1097 = arith.select %or3A_1085, %squeeze3A_1080, %select_n3A_1073 : f32
        %get3A_1098 = arith.constant 32 : index
        %get3A_1099 = tpu.vector_load %arg28[%get3A_1098] {strides = array<i32>} : memref<256xf32, #tpu.memory_space<vmem>>, vector<16xf32>,
        %get3A_1100 = vector.shape_cast %get3A_1099 : vector<16xf32> to vector<16xf32>
        %slice3A_1101 = vector.extract_strided_slice %get3A_1100 {offsets = [0], sizes = [1], strides = [1]} : vector<16xf32> to vector<1xf32>
        %squeeze3A_1102 = vector.extract %slice3A_1101[0] : f32 from vector<1xf32>
        %slice3A_1103 = vector.extract_strided_slice %get3A_1100 {offsets = [1], sizes = [1], strides = [1]} : vector<16xf32> to vector<1xf32>
        %squeeze3A_1104 = vector.extract %slice3A_1103[0] : f32 from vector<1xf32>
        %gt3A_1105 = arith.cmpf ogt, %squeeze3A_1102, %select_n3A_1096 : f32
        %eq3A_1106 = arith.cmpf oeq, %squeeze3A_1102, %select_n3A_1096 : f32
        %lt3A_1107 = arith.cmpf olt, %squeeze3A_1104, %select_n3A_1097 : f32
        %and3A_1108 = arith.andi %eq3A_1106, %lt3A_1107 : i1
        %or3A_1109 = arith.ori %gt3A_1105, %and3A_1108 : i1
        %jit3A_1110 = arith.constant 1.000000e+00 : f32
        %jit3A_1111 = arith.constant 0.000000e+00 : f32
        %select_n3A_1112 = arith.select %or3A_1109, %jit3A_1110, %jit3A_1111 : f32
        %broadcast_in_dim3A_1113 = vector.broadcast %select_n3A_1112 : f32 to vector<16xf32>
        %mul3A_1114 = arith.mulf %broadcast_in_dim3A_1113, %get3A_1100 : vector<16xf32>
        %sub3A_1115 = arith.constant 1.000000e+00 : f32
        %sub3A_1116 = vector.broadcast %sub3A_1115 : f32 to vector<16xf32>
        %sub3A_1117 = arith.subf %sub3A_1116, %broadcast_in_dim3A_1113 : vector<16xf32>
        %mul3A_1118 = arith.mulf %sub3A_1117, %add3A_1095 : vector<16xf32>
        %add3A_1119 = arith.addf %mul3A_1114, %mul3A_1118 : vector<16xf32>
        %select_n3A_1120 = arith.select %or3A_1109, %squeeze3A_1102, %select_n3A_1096 : f32
        %select_n3A_1121 = arith.select %or3A_1109, %squeeze3A_1104, %select_n3A_1097 : f32
        %get3A_1122 = arith.constant 48 : index
        %get3A_1123 = tpu.vector_load %arg28[%get3A_1122] {strides = array<i32>} : memref<256xf32, #tpu.memory_space<vmem>>, vector<16xf32>,
        %get3A_1124 = vector.shape_cast %get3A_1123 : vector<16xf32> to vector<16xf32>
        %slice3A_1125 = vector.extract_strided_slice %get3A_1124 {offsets = [0], sizes = [1], strides = [1]} : vector<16xf32> to vector<1xf32>
        %squeeze3A_1126 = vector.extract %slice3A_1125[0] : f32 from vector<1xf32>
        %slice3A_1127 = vector.extract_strided_slice %get3A_1124 {offsets = [1], sizes = [1], strides = [1]} : vector<16xf32> to vector<1xf32>
        %squeeze3A_1128 = vector.extract %slice3A_1127[0] : f32 from vector<1xf32>
        %gt3A_1129 = arith.cmpf ogt, %squeeze3A_1126, %select_n3A_1120 : f32
        %eq3A_1130 = arith.cmpf oeq, %squeeze3A_1126, %select_n3A_1120 : f32
        %lt3A_1131 = arith.cmpf olt, %squeeze3A_1128, %select_n3A_1121 : f32
        %and3A_1132 = arith.andi %eq3A_1130, %lt3A_1131 : i1
        %or3A_1133 = arith.ori %gt3A_1129, %and3A_1132 : i1
        %jit3A_1134 = arith.constant 1.000000e+00 : f32
        %jit3A_1135 = arith.constant 0.000000e+00 : f32
        %select_n3A_1136 = arith.select %or3A_1133, %jit3A_1134, %jit3A_1135 : f32
        %broadcast_in_dim3A_1137 = vector.broadcast %select_n3A_1136 : f32 to vector<16xf32>
        %mul3A_1138 = arith.mulf %broadcast_in_dim3A_1137, %get3A_1124 : vector<16xf32>
        %sub3A_1139 = arith.constant 1.000000e+00 : f32
        %sub3A_1140 = vector.broadcast %sub3A_1139 : f32 to vector<16xf32>
        %sub3A_1141 = arith.subf %sub3A_1140, %broadcast_in_dim3A_1137 : vector<16xf32>
        %mul3A_1142 = arith.mulf %sub3A_1141, %add3A_1119 : vector<16xf32>
        %add3A_1143 = arith.addf %mul3A_1138, %mul3A_1142 : vector<16xf32>
        %select_n3A_1144 = arith.select %or3A_1133, %squeeze3A_1126, %select_n3A_1120 : f32
        %select_n3A_1145 = arith.select %or3A_1133, %squeeze3A_1128, %select_n3A_1121 : f32
        %get3A_1146 = arith.constant 64 : index
        %get3A_1147 = tpu.vector_load %arg28[%get3A_1146] {strides = array<i32>} : memref<256xf32, #tpu.memory_space<vmem>>, vector<16xf32>,
        %get3A_1148 = vector.shape_cast %get3A_1147 : vector<16xf32> to vector<16xf32>
        %slice3A_1149 = vector.extract_strided_slice %get3A_1148 {offsets = [0], sizes = [1], strides = [1]} : vector<16xf32> to vector<1xf32>
        %squeeze3A_1150 = vector.extract %slice3A_1149[0] : f32 from vector<1xf32>
        %slice3A_1151 = vector.extract_strided_slice %get3A_1148 {offsets = [1], sizes = [1], strides = [1]} : vector<16xf32> to vector<1xf32>
        %squeeze3A_1152 = vector.extract %slice3A_1151[0] : f32 from vector<1xf32>
        %gt3A_1153 = arith.cmpf ogt, %squeeze3A_1150, %select_n3A_1144 : f32
        %eq3A_1154 = arith.cmpf oeq, %squeeze3A_1150, %select_n3A_1144 : f32
        %lt3A_1155 = arith.cmpf olt, %squeeze3A_1152, %select_n3A_1145 : f32
        %and3A_1156 = arith.andi %eq3A_1154, %lt3A_1155 : i1
        %or3A_1157 = arith.ori %gt3A_1153, %and3A_1156 : i1
        %jit3A_1158 = arith.constant 1.000000e+00 : f32
        %jit3A_1159 = arith.constant 0.000000e+00 : f32
        %select_n3A_1160 = arith.select %or3A_1157, %jit3A_1158, %jit3A_1159 : f32
        %broadcast_in_dim3A_1161 = vector.broadcast %select_n3A_1160 : f32 to vector<16xf32>
        %mul3A_1162 = arith.mulf %broadcast_in_dim3A_1161, %get3A_1148 : vector<16xf32>
        %sub3A_1163 = arith.constant 1.000000e+00 : f32
        %sub3A_1164 = vector.broadcast %sub3A_1163 : f32 to vector<16xf32>
        %sub3A_1165 = arith.subf %sub3A_1164, %broadcast_in_dim3A_1161 : vector<16xf32>
        %mul3A_1166 = arith.mulf %sub3A_1165, %add3A_1143 : vector<16xf32>
        %add3A_1167 = arith.addf %mul3A_1162, %mul3A_1166 : vector<16xf32>
        %select_n3A_1168 = arith.select %or3A_1157, %squeeze3A_1150, %select_n3A_1144 : f32
        %select_n3A_1169 = arith.select %or3A_1157, %squeeze3A_1152, %select_n3A_1145 : f32
        %get3A_1170 = arith.constant 80 : index
        %get3A_1171 = tpu.vector_load %arg28[%get3A_1170] {strides = array<i32>} : memref<256xf32, #tpu.memory_space<vmem>>, vector<16xf32>,
        %get3A_1172 = vector.shape_cast %get3A_1171 : vector<16xf32> to vector<16xf32>
        %slice3A_1173 = vector.extract_strided_slice %get3A_1172 {offsets = [0], sizes = [1], strides = [1]} : vector<16xf32> to vector<1xf32>
        %squeeze3A_1174 = vector.extract %slice3A_1173[0] : f32 from vector<1xf32>
        %slice3A_1175 = vector.extract_strided_slice %get3A_1172 {offsets = [1], sizes = [1], strides = [1]} : vector<16xf32> to vector<1xf32>
        %squeeze3A_1176 = vector.extract %slice3A_1175[0] : f32 from vector<1xf32>
        %gt3A_1177 = arith.cmpf ogt, %squeeze3A_1174, %select_n3A_1168 : f32
        %eq3A_1178 = arith.cmpf oeq, %squeeze3A_1174, %select_n3A_1168 : f32
        %lt3A_1179 = arith.cmpf olt, %squeeze3A_1176, %select_n3A_1169 : f32
        %and3A_1180 = arith.andi %eq3A_1178, %lt3A_1179 : i1
        %or3A_1181 = arith.ori %gt3A_1177, %and3A_1180 : i1
        %jit3A_1182 = arith.constant 1.000000e+00 : f32
        %jit3A_1183 = arith.constant 0.000000e+00 : f32
        %select_n3A_1184 = arith.select %or3A_1181, %jit3A_1182, %jit3A_1183 : f32
        %broadcast_in_dim3A_1185 = vector.broadcast %select_n3A_1184 : f32 to vector<16xf32>
        %mul3A_1186 = arith.mulf %broadcast_in_dim3A_1185, %get3A_1172 : vector<16xf32>
        %sub3A_1187 = arith.constant 1.000000e+00 : f32
        %sub3A_1188 = vector.broadcast %sub3A_1187 : f32 to vector<16xf32>
        %sub3A_1189 = arith.subf %sub3A_1188, %broadcast_in_dim3A_1185 : vector<16xf32>
        %mul3A_1190 = arith.mulf %sub3A_1189, %add3A_1167 : vector<16xf32>
        %add3A_1191 = arith.addf %mul3A_1186, %mul3A_1190 : vector<16xf32>
        %select_n3A_1192 = arith.select %or3A_1181, %squeeze3A_1174, %select_n3A_1168 : f32
        %select_n3A_1193 = arith.select %or3A_1181, %squeeze3A_1176, %select_n3A_1169 : f32
        %get3A_1194 = arith.constant 96 : index
        %get3A_1195 = tpu.vector_load %arg28[%get3A_1194] {strides = array<i32>} : memref<256xf32, #tpu.memory_space<vmem>>, vector<16xf32>,
        %get3A_1196 = vector.shape_cast %get3A_1195 : vector<16xf32> to vector<16xf32>
        %slice3A_1197 = vector.extract_strided_slice %get3A_1196 {offsets = [0], sizes = [1], strides = [1]} : vector<16xf32> to vector<1xf32>
        %squeeze3A_1198 = vector.extract %slice3A_1197[0] : f32 from vector<1xf32>
        %slice3A_1199 = vector.extract_strided_slice %get3A_1196 {offsets = [1], sizes = [1], strides = [1]} : vector<16xf32> to vector<1xf32>
        %squeeze3A_1200 = vector.extract %slice3A_1199[0] : f32 from vector<1xf32>
        %gt3A_1201 = arith.cmpf ogt, %squeeze3A_1198, %select_n3A_1192 : f32
        %eq3A_1202 = arith.cmpf oeq, %squeeze3A_1198, %select_n3A_1192 : f32
        %lt3A_1203 = arith.cmpf olt, %squeeze3A_1200, %select_n3A_1193 : f32
        %and3A_1204 = arith.andi %eq3A_1202, %lt3A_1203 : i1
        %or3A_1205 = arith.ori %gt3A_1201, %and3A_1204 : i1
        %jit3A_1206 = arith.constant 1.000000e+00 : f32
        %jit3A_1207 = arith.constant 0.000000e+00 : f32
        %select_n3A_1208 = arith.select %or3A_1205, %jit3A_1206, %jit3A_1207 : f32
        %broadcast_in_dim3A_1209 = vector.broadcast %select_n3A_1208 : f32 to vector<16xf32>
        %mul3A_1210 = arith.mulf %broadcast_in_dim3A_1209, %get3A_1196 : vector<16xf32>
        %sub3A_1211 = arith.constant 1.000000e+00 : f32
        %sub3A_1212 = vector.broadcast %sub3A_1211 : f32 to vector<16xf32>
        %sub3A_1213 = arith.subf %sub3A_1212, %broadcast_in_dim3A_1209 : vector<16xf32>
        %mul3A_1214 = arith.mulf %sub3A_1213, %add3A_1191 : vector<16xf32>
        %add3A_1215 = arith.addf %mul3A_1210, %mul3A_1214 : vector<16xf32>
        %select_n3A_1216 = arith.select %or3A_1205, %squeeze3A_1198, %select_n3A_1192 : f32
        %select_n3A_1217 = arith.select %or3A_1205, %squeeze3A_1200, %select_n3A_1193 : f32
        %get3A_1218 = arith.constant 112 : index
        %get3A_1219 = tpu.vector_load %arg28[%get3A_1218] {strides = array<i32>} : memref<256xf32, #tpu.memory_space<vmem>>, vector<16xf32>,
        %get3A_1220 = vector.shape_cast %get3A_1219 : vector<16xf32> to vector<16xf32>
        %slice3A_1221 = vector.extract_strided_slice %get3A_1220 {offsets = [0], sizes = [1], strides = [1]} : vector<16xf32> to vector<1xf32>
        %squeeze3A_1222 = vector.extract %slice3A_1221[0] : f32 from vector<1xf32>
        %slice3A_1223 = vector.extract_strided_slice %get3A_1220 {offsets = [1], sizes = [1], strides = [1]} : vector<16xf32> to vector<1xf32>
        %squeeze3A_1224 = vector.extract %slice3A_1223[0] : f32 from vector<1xf32>
        %gt3A_1225 = arith.cmpf ogt, %squeeze3A_1222, %select_n3A_1216 : f32
        %eq3A_1226 = arith.cmpf oeq, %squeeze3A_1222, %select_n3A_1216 : f32
        %lt3A_1227 = arith.cmpf olt, %squeeze3A_1224, %select_n3A_1217 : f32
        %and3A_1228 = arith.andi %eq3A_1226, %lt3A_1227 : i1
        %or3A_1229 = arith.ori %gt3A_1225, %and3A_1228 : i1
        %jit3A_1230 = arith.constant 1.000000e+00 : f32
        %jit3A_1231 = arith.constant 0.000000e+00 : f32
        %select_n3A_1232 = arith.select %or3A_1229, %jit3A_1230, %jit3A_1231 : f32
        %broadcast_in_dim3A_1233 = vector.broadcast %select_n3A_1232 : f32 to vector<16xf32>
        %mul3A_1234 = arith.mulf %broadcast_in_dim3A_1233, %get3A_1220 : vector<16xf32>
        %sub3A_1235 = arith.constant 1.000000e+00 : f32
        %sub3A_1236 = vector.broadcast %sub3A_1235 : f32 to vector<16xf32>
        %sub3A_1237 = arith.subf %sub3A_1236, %broadcast_in_dim3A_1233 : vector<16xf32>
        %mul3A_1238 = arith.mulf %sub3A_1237, %add3A_1215 : vector<16xf32>
        %add3A_1239 = arith.addf %mul3A_1234, %mul3A_1238 : vector<16xf32>
        %select_n3A_1240 = arith.select %or3A_1229, %squeeze3A_1222, %select_n3A_1216 : f32
        %select_n3A_1241 = arith.select %or3A_1229, %squeeze3A_1224, %select_n3A_1217 : f32
        %get3A_1242 = arith.constant 128 : index
        %get3A_1243 = tpu.vector_load %arg28[%get3A_1242] {strides = array<i32>} : memref<256xf32, #tpu.memory_space<vmem>>, vector<16xf32>,
        %get3A_1244 = vector.shape_cast %get3A_1243 : vector<16xf32> to vector<16xf32>
        %slice3A_1245 = vector.extract_strided_slice %get3A_1244 {offsets = [0], sizes = [1], strides = [1]} : vector<16xf32> to vector<1xf32>
        %squeeze3A_1246 = vector.extract %slice3A_1245[0] : f32 from vector<1xf32>
        %slice3A_1247 = vector.extract_strided_slice %get3A_1244 {offsets = [1], sizes = [1], strides = [1]} : vector<16xf32> to vector<1xf32>
        %squeeze3A_1248 = vector.extract %slice3A_1247[0] : f32 from vector<1xf32>
        %gt3A_1249 = arith.cmpf ogt, %squeeze3A_1246, %select_n3A_1240 : f32
        %eq3A_1250 = arith.cmpf oeq, %squeeze3A_1246, %select_n3A_1240 : f32
        %lt3A_1251 = arith.cmpf olt, %squeeze3A_1248, %select_n3A_1241 : f32
        %and3A_1252 = arith.andi %eq3A_1250, %lt3A_1251 : i1
        %or3A_1253 = arith.ori %gt3A_1249, %and3A_1252 : i1
        %jit3A_1254 = arith.constant 1.000000e+00 : f32
        %jit3A_1255 = arith.constant 0.000000e+00 : f32
        %select_n3A_1256 = arith.select %or3A_1253, %jit3A_1254, %jit3A_1255 : f32
        %broadcast_in_dim3A_1257 = vector.broadcast %select_n3A_1256 : f32 to vector<16xf32>
        %mul3A_1258 = arith.mulf %broadcast_in_dim3A_1257, %get3A_1244 : vector<16xf32>
        %sub3A_1259 = arith.constant 1.000000e+00 : f32
        %sub3A_1260 = vector.broadcast %sub3A_1259 : f32 to vector<16xf32>
        %sub3A_1261 = arith.subf %sub3A_1260, %broadcast_in_dim3A_1257 : vector<16xf32>
        %mul3A_1262 = arith.mulf %sub3A_1261, %add3A_1239 : vector<16xf32>
        %add3A_1263 = arith.addf %mul3A_1258, %mul3A_1262 : vector<16xf32>
        %select_n3A_1264 = arith.select %or3A_1253, %squeeze3A_1246, %select_n3A_1240 : f32
        %select_n3A_1265 = arith.select %or3A_1253, %squeeze3A_1248, %select_n3A_1241 : f32
        %get3A_1266 = arith.constant 144 : index
        %get3A_1267 = tpu.vector_load %arg28[%get3A_1266] {strides = array<i32>} : memref<256xf32, #tpu.memory_space<vmem>>, vector<16xf32>,
        %get3A_1268 = vector.shape_cast %get3A_1267 : vector<16xf32> to vector<16xf32>
        %slice3A_1269 = vector.extract_strided_slice %get3A_1268 {offsets = [0], sizes = [1], strides = [1]} : vector<16xf32> to vector<1xf32>
        %squeeze3A_1270 = vector.extract %slice3A_1269[0] : f32 from vector<1xf32>
        %slice3A_1271 = vector.extract_strided_slice %get3A_1268 {offsets = [1], sizes = [1], strides = [1]} : vector<16xf32> to vector<1xf32>
        %squeeze3A_1272 = vector.extract %slice3A_1271[0] : f32 from vector<1xf32>
        %gt3A_1273 = arith.cmpf ogt, %squeeze3A_1270, %select_n3A_1264 : f32
        %eq3A_1274 = arith.cmpf oeq, %squeeze3A_1270, %select_n3A_1264 : f32
        %lt3A_1275 = arith.cmpf olt, %squeeze3A_1272, %select_n3A_1265 : f32
        %and3A_1276 = arith.andi %eq3A_1274, %lt3A_1275 : i1
        %or3A_1277 = arith.ori %gt3A_1273, %and3A_1276 : i1
        %jit3A_1278 = arith.constant 1.000000e+00 : f32
        %jit3A_1279 = arith.constant 0.000000e+00 : f32
        %select_n3A_1280 = arith.select %or3A_1277, %jit3A_1278, %jit3A_1279 : f32
        %broadcast_in_dim3A_1281 = vector.broadcast %select_n3A_1280 : f32 to vector<16xf32>
        %mul3A_1282 = arith.mulf %broadcast_in_dim3A_1281, %get3A_1268 : vector<16xf32>
        %sub3A_1283 = arith.constant 1.000000e+00 : f32
        %sub3A_1284 = vector.broadcast %sub3A_1283 : f32 to vector<16xf32>
        %sub3A_1285 = arith.subf %sub3A_1284, %broadcast_in_dim3A_1281 : vector<16xf32>
        %mul3A_1286 = arith.mulf %sub3A_1285, %add3A_1263 : vector<16xf32>
        %add3A_1287 = arith.addf %mul3A_1282, %mul3A_1286 : vector<16xf32>
        %select_n3A_1288 = arith.select %or3A_1277, %squeeze3A_1270, %select_n3A_1264 : f32
        %select_n3A_1289 = arith.select %or3A_1277, %squeeze3A_1272, %select_n3A_1265 : f32
        %get3A_1290 = arith.constant 160 : index
        %get3A_1291 = tpu.vector_load %arg28[%get3A_1290] {strides = array<i32>} : memref<256xf32, #tpu.memory_space<vmem>>, vector<16xf32>,
        %get3A_1292 = vector.shape_cast %get3A_1291 : vector<16xf32> to vector<16xf32>
        %slice3A_1293 = vector.extract_strided_slice %get3A_1292 {offsets = [0], sizes = [1], strides = [1]} : vector<16xf32> to vector<1xf32>
        %squeeze3A_1294 = vector.extract %slice3A_1293[0] : f32 from vector<1xf32>
        %slice3A_1295 = vector.extract_strided_slice %get3A_1292 {offsets = [1], sizes = [1], strides = [1]} : vector<16xf32> to vector<1xf32>
        %squeeze3A_1296 = vector.extract %slice3A_1295[0] : f32 from vector<1xf32>
        %gt3A_1297 = arith.cmpf ogt, %squeeze3A_1294, %select_n3A_1288 : f32
        %eq3A_1298 = arith.cmpf oeq, %squeeze3A_1294, %select_n3A_1288 : f32
        %lt3A_1299 = arith.cmpf olt, %squeeze3A_1296, %select_n3A_1289 : f32
        %and3A_1300 = arith.andi %eq3A_1298, %lt3A_1299 : i1
        %or3A_1301 = arith.ori %gt3A_1297, %and3A_1300 : i1
        %jit3A_1302 = arith.constant 1.000000e+00 : f32
        %jit3A_1303 = arith.constant 0.000000e+00 : f32
        %select_n3A_1304 = arith.select %or3A_1301, %jit3A_1302, %jit3A_1303 : f32
        %broadcast_in_dim3A_1305 = vector.broadcast %select_n3A_1304 : f32 to vector<16xf32>
        %mul3A_1306 = arith.mulf %broadcast_in_dim3A_1305, %get3A_1292 : vector<16xf32>
        %sub3A_1307 = arith.constant 1.000000e+00 : f32
        %sub3A_1308 = vector.broadcast %sub3A_1307 : f32 to vector<16xf32>
        %sub3A_1309 = arith.subf %sub3A_1308, %broadcast_in_dim3A_1305 : vector<16xf32>
        %mul3A_1310 = arith.mulf %sub3A_1309, %add3A_1287 : vector<16xf32>
        %add3A_1311 = arith.addf %mul3A_1306, %mul3A_1310 : vector<16xf32>
        %select_n3A_1312 = arith.select %or3A_1301, %squeeze3A_1294, %select_n3A_1288 : f32
        %select_n3A_1313 = arith.select %or3A_1301, %squeeze3A_1296, %select_n3A_1289 : f32
        %get3A_1314 = arith.constant 176 : index
        %get3A_1315 = tpu.vector_load %arg28[%get3A_1314] {strides = array<i32>} : memref<256xf32, #tpu.memory_space<vmem>>, vector<16xf32>,
        %get3A_1316 = vector.shape_cast %get3A_1315 : vector<16xf32> to vector<16xf32>
        %slice3A_1317 = vector.extract_strided_slice %get3A_1316 {offsets = [0], sizes = [1], strides = [1]} : vector<16xf32> to vector<1xf32>
        %squeeze3A_1318 = vector.extract %slice3A_1317[0] : f32 from vector<1xf32>
        %slice3A_1319 = vector.extract_strided_slice %get3A_1316 {offsets = [1], sizes = [1], strides = [1]} : vector<16xf32> to vector<1xf32>
        %squeeze3A_1320 = vector.extract %slice3A_1319[0] : f32 from vector<1xf32>
        %gt3A_1321 = arith.cmpf ogt, %squeeze3A_1318, %select_n3A_1312 : f32
        %eq3A_1322 = arith.cmpf oeq, %squeeze3A_1318, %select_n3A_1312 : f32
        %lt3A_1323 = arith.cmpf olt, %squeeze3A_1320, %select_n3A_1313 : f32
        %and3A_1324 = arith.andi %eq3A_1322, %lt3A_1323 : i1
        %or3A_1325 = arith.ori %gt3A_1321, %and3A_1324 : i1
        %jit3A_1326 = arith.constant 1.000000e+00 : f32
        %jit3A_1327 = arith.constant 0.000000e+00 : f32
        %select_n3A_1328 = arith.select %or3A_1325, %jit3A_1326, %jit3A_1327 : f32
        %broadcast_in_dim3A_1329 = vector.broadcast %select_n3A_1328 : f32 to vector<16xf32>
        %mul3A_1330 = arith.mulf %broadcast_in_dim3A_1329, %get3A_1316 : vector<16xf32>
        %sub3A_1331 = arith.constant 1.000000e+00 : f32
        %sub3A_1332 = vector.broadcast %sub3A_1331 : f32 to vector<16xf32>
        %sub3A_1333 = arith.subf %sub3A_1332, %broadcast_in_dim3A_1329 : vector<16xf32>
        %mul3A_1334 = arith.mulf %sub3A_1333, %add3A_1311 : vector<16xf32>
        %add3A_1335 = arith.addf %mul3A_1330, %mul3A_1334 : vector<16xf32>
        %select_n3A_1336 = arith.select %or3A_1325, %squeeze3A_1318, %select_n3A_1312 : f32
        %select_n3A_1337 = arith.select %or3A_1325, %squeeze3A_1320, %select_n3A_1313 : f32
        %get3A_1338 = arith.constant 192 : index
        %get3A_1339 = tpu.vector_load %arg28[%get3A_1338] {strides = array<i32>} : memref<256xf32, #tpu.memory_space<vmem>>, vector<16xf32>,
        %get3A_1340 = vector.shape_cast %get3A_1339 : vector<16xf32> to vector<16xf32>
        %slice3A_1341 = vector.extract_strided_slice %get3A_1340 {offsets = [0], sizes = [1], strides = [1]} : vector<16xf32> to vector<1xf32>
        %squeeze3A_1342 = vector.extract %slice3A_1341[0] : f32 from vector<1xf32>
        %slice3A_1343 = vector.extract_strided_slice %get3A_1340 {offsets = [1], sizes = [1], strides = [1]} : vector<16xf32> to vector<1xf32>
        %squeeze3A_1344 = vector.extract %slice3A_1343[0] : f32 from vector<1xf32>
        %gt3A_1345 = arith.cmpf ogt, %squeeze3A_1342, %select_n3A_1336 : f32
        %eq3A_1346 = arith.cmpf oeq, %squeeze3A_1342, %select_n3A_1336 : f32
        %lt3A_1347 = arith.cmpf olt, %squeeze3A_1344, %select_n3A_1337 : f32
        %and3A_1348 = arith.andi %eq3A_1346, %lt3A_1347 : i1
        %or3A_1349 = arith.ori %gt3A_1345, %and3A_1348 : i1
        %jit3A_1350 = arith.constant 1.000000e+00 : f32
        %jit3A_1351 = arith.constant 0.000000e+00 : f32
        %select_n3A_1352 = arith.select %or3A_1349, %jit3A_1350, %jit3A_1351 : f32
        %broadcast_in_dim3A_1353 = vector.broadcast %select_n3A_1352 : f32 to vector<16xf32>
        %mul3A_1354 = arith.mulf %broadcast_in_dim3A_1353, %get3A_1340 : vector<16xf32>
        %sub3A_1355 = arith.constant 1.000000e+00 : f32
        %sub3A_1356 = vector.broadcast %sub3A_1355 : f32 to vector<16xf32>
        %sub3A_1357 = arith.subf %sub3A_1356, %broadcast_in_dim3A_1353 : vector<16xf32>
        %mul3A_1358 = arith.mulf %sub3A_1357, %add3A_1335 : vector<16xf32>
        %add3A_1359 = arith.addf %mul3A_1354, %mul3A_1358 : vector<16xf32>
        %select_n3A_1360 = arith.select %or3A_1349, %squeeze3A_1342, %select_n3A_1336 : f32
        %select_n3A_1361 = arith.select %or3A_1349, %squeeze3A_1344, %select_n3A_1337 : f32
        %get3A_1362 = arith.constant 208 : index
        %get3A_1363 = tpu.vector_load %arg28[%get3A_1362] {strides = array<i32>} : memref<256xf32, #tpu.memory_space<vmem>>, vector<16xf32>,
        %get3A_1364 = vector.shape_cast %get3A_1363 : vector<16xf32> to vector<16xf32>
        %slice3A_1365 = vector.extract_strided_slice %get3A_1364 {offsets = [0], sizes = [1], strides = [1]} : vector<16xf32> to vector<1xf32>
        %squeeze3A_1366 = vector.extract %slice3A_1365[0] : f32 from vector<1xf32>
        %slice3A_1367 = vector.extract_strided_slice %get3A_1364 {offsets = [1], sizes = [1], strides = [1]} : vector<16xf32> to vector<1xf32>
        %squeeze3A_1368 = vector.extract %slice3A_1367[0] : f32 from vector<1xf32>
        %gt3A_1369 = arith.cmpf ogt, %squeeze3A_1366, %select_n3A_1360 : f32
        %eq3A_1370 = arith.cmpf oeq, %squeeze3A_1366, %select_n3A_1360 : f32
        %lt3A_1371 = arith.cmpf olt, %squeeze3A_1368, %select_n3A_1361 : f32
        %and3A_1372 = arith.andi %eq3A_1370, %lt3A_1371 : i1
        %or3A_1373 = arith.ori %gt3A_1369, %and3A_1372 : i1
        %jit3A_1374 = arith.constant 1.000000e+00 : f32
        %jit3A_1375 = arith.constant 0.000000e+00 : f32
        %select_n3A_1376 = arith.select %or3A_1373, %jit3A_1374, %jit3A_1375 : f32
        %broadcast_in_dim3A_1377 = vector.broadcast %select_n3A_1376 : f32 to vector<16xf32>
        %mul3A_1378 = arith.mulf %broadcast_in_dim3A_1377, %get3A_1364 : vector<16xf32>
        %sub3A_1379 = arith.constant 1.000000e+00 : f32
        %sub3A_1380 = vector.broadcast %sub3A_1379 : f32 to vector<16xf32>
        %sub3A_1381 = arith.subf %sub3A_1380, %broadcast_in_dim3A_1377 : vector<16xf32>
        %mul3A_1382 = arith.mulf %sub3A_1381, %add3A_1359 : vector<16xf32>
        %add3A_1383 = arith.addf %mul3A_1378, %mul3A_1382 : vector<16xf32>
        %select_n3A_1384 = arith.select %or3A_1373, %squeeze3A_1366, %select_n3A_1360 : f32
        %select_n3A_1385 = arith.select %or3A_1373, %squeeze3A_1368, %select_n3A_1361 : f32
        %get3A_1386 = arith.constant 224 : index
        %get3A_1387 = tpu.vector_load %arg28[%get3A_1386] {strides = array<i32>} : memref<256xf32, #tpu.memory_space<vmem>>, vector<16xf32>,
        %get3A_1388 = vector.shape_cast %get3A_1387 : vector<16xf32> to vector<16xf32>
        %slice3A_1389 = vector.extract_strided_slice %get3A_1388 {offsets = [0], sizes = [1], strides = [1]} : vector<16xf32> to vector<1xf32>
        %squeeze3A_1390 = vector.extract %slice3A_1389[0] : f32 from vector<1xf32>
        %slice3A_1391 = vector.extract_strided_slice %get3A_1388 {offsets = [1], sizes = [1], strides = [1]} : vector<16xf32> to vector<1xf32>
        %squeeze3A_1392 = vector.extract %slice3A_1391[0] : f32 from vector<1xf32>
        %gt3A_1393 = arith.cmpf ogt, %squeeze3A_1390, %select_n3A_1384 : f32
        %eq3A_1394 = arith.cmpf oeq, %squeeze3A_1390, %select_n3A_1384 : f32
        %lt3A_1395 = arith.cmpf olt, %squeeze3A_1392, %select_n3A_1385 : f32
        %and3A_1396 = arith.andi %eq3A_1394, %lt3A_1395 : i1
        %or3A_1397 = arith.ori %gt3A_1393, %and3A_1396 : i1
        %jit3A_1398 = arith.constant 1.000000e+00 : f32
        %jit3A_1399 = arith.constant 0.000000e+00 : f32
        %select_n3A_1400 = arith.select %or3A_1397, %jit3A_1398, %jit3A_1399 : f32
        %broadcast_in_dim3A_1401 = vector.broadcast %select_n3A_1400 : f32 to vector<16xf32>
        %mul3A_1402 = arith.mulf %broadcast_in_dim3A_1401, %get3A_1388 : vector<16xf32>
        %sub3A_1403 = arith.constant 1.000000e+00 : f32
        %sub3A_1404 = vector.broadcast %sub3A_1403 : f32 to vector<16xf32>
        %sub3A_1405 = arith.subf %sub3A_1404, %broadcast_in_dim3A_1401 : vector<16xf32>
        %mul3A_1406 = arith.mulf %sub3A_1405, %add3A_1383 : vector<16xf32>
        %add3A_1407 = arith.addf %mul3A_1402, %mul3A_1406 : vector<16xf32>
        %select_n3A_1408 = arith.select %or3A_1397, %squeeze3A_1390, %select_n3A_1384 : f32
        %select_n3A_1409 = arith.select %or3A_1397, %squeeze3A_1392, %select_n3A_1385 : f32
        %get3A_1410 = arith.constant 240 : index
        %get3A_1411 = tpu.vector_load %arg28[%get3A_1410] {strides = array<i32>} : memref<256xf32, #tpu.memory_space<vmem>>, vector<16xf32>,
        %get3A_1412 = vector.shape_cast %get3A_1411 : vector<16xf32> to vector<16xf32>
        %slice3A_1413 = vector.extract_strided_slice %get3A_1412 {offsets = [0], sizes = [1], strides = [1]} : vector<16xf32> to vector<1xf32>
        %squeeze3A_1414 = vector.extract %slice3A_1413[0] : f32 from vector<1xf32>
        %slice3A_1415 = vector.extract_strided_slice %get3A_1412 {offsets = [1], sizes = [1], strides = [1]} : vector<16xf32> to vector<1xf32>
        %squeeze3A_1416 = vector.extract %slice3A_1415[0] : f32 from vector<1xf32>
        %gt3A_1417 = arith.cmpf ogt, %squeeze3A_1414, %select_n3A_1408 : f32
        %eq3A_1418 = arith.cmpf oeq, %squeeze3A_1414, %select_n3A_1408 : f32
        %lt3A_1419 = arith.cmpf olt, %squeeze3A_1416, %select_n3A_1409 : f32
        %and3A_1420 = arith.andi %eq3A_1418, %lt3A_1419 : i1
        %or3A_1421 = arith.ori %gt3A_1417, %and3A_1420 : i1
        %jit3A_1422 = arith.constant 1.000000e+00 : f32
        %jit3A_1423 = arith.constant 0.000000e+00 : f32
        %select_n3A_1424 = arith.select %or3A_1421, %jit3A_1422, %jit3A_1423 : f32
        %broadcast_in_dim3A_1425 = vector.broadcast %select_n3A_1424 : f32 to vector<16xf32>
        %mul3A_1426 = arith.mulf %broadcast_in_dim3A_1425, %get3A_1412 : vector<16xf32>
        %sub3A_1427 = arith.constant 1.000000e+00 : f32
        %sub3A_1428 = vector.broadcast %sub3A_1427 : f32 to vector<16xf32>
        %sub3A_1429 = arith.subf %sub3A_1428, %broadcast_in_dim3A_1425 : vector<16xf32>
        %mul3A_1430 = arith.mulf %sub3A_1429, %add3A_1407 : vector<16xf32>
        %add3A_1431 = arith.addf %mul3A_1426, %mul3A_1430 : vector<16xf32>
        %select_n3A_1432 = arith.select %or3A_1421, %squeeze3A_1414, %select_n3A_1408 : f32
        %select_n3A_1433 = arith.select %or3A_1421, %squeeze3A_1416, %select_n3A_1409 : f32
        %swap3A_1434 = arith.constant 0 : index
        %swap3A_1435 = tpu.vector_load %arg27[%swap3A_1434] {strides = array<i32>} : memref<16xf32, #tpu.memory_space<vmem>>, vector<16xf32>,
        %swap3A_1436 = vector.shape_cast %swap3A_1435 : vector<16xf32> to vector<16xf32>
        %swap3A_1437 = vector.shape_cast %add3A_1431 : vector<16xf32> to vector<16xf32>
        tpu.vector_store %arg27[%swap3A_1434], %swap3A_1437 {strides = array<i32>} : memref<16xf32, #tpu.memory_space<vmem>>, vector<16xf32>,
      } else {
      }
      %jit3A_762 = arith.constant 1.000000e+00 : f32
      %jit3A_763 = arith.constant 0.000000e+00 : f32
      %select_n3A_764 = arith.select %gt3A_757, %jit3A_762, %jit3A_763 : f32
      %broadcast_in_dim3A_765 = vector.broadcast %select_n3A_764 : f32 to vector<16xf32>
      %mul3A_766 = arith.mulf %broadcast_in_dim3A_765, %add3A_751 : vector<16xf32>
      %sub3A_767 = arith.constant 1.000000e+00 : f32
      %sub3A_768 = vector.broadcast %sub3A_767 : f32 to vector<16xf32>
      %sub3A_769 = arith.subf %sub3A_768, %broadcast_in_dim3A_765 : vector<16xf32>
      %get3A_770 = arith.constant 0 : index
      %get3A_771 = tpu.vector_load %arg27[%get3A_770] {strides = array<i32>} : memref<16xf32, #tpu.memory_space<vmem>>, vector<16xf32>,
      %get3A_772 = vector.shape_cast %get3A_771 : vector<16xf32> to vector<16xf32>
      %mul3A_773 = arith.mulf %sub3A_769, %get3A_772 : vector<16xf32>
      %add3A_774 = arith.addf %mul3A_766, %mul3A_773 : vector<16xf32>
      %slice3A_775 = vector.extract_strided_slice %add3A_774 {offsets = [1], sizes = [1], strides = [1]} : vector<16xf32> to vector<1xf32>
      %squeeze3A_776 = vector.extract %slice3A_775[0] : f32 from vector<1xf32>
      %convert_element_type3A_777 = arith.fptosi %squeeze3A_776 : f32 to i32
      %slice3A_778 = vector.extract_strided_slice %add3A_774 {offsets = [11], sizes = [1], strides = [1]} : vector<16xf32> to vector<1xf32>
      %squeeze3A_779 = vector.extract %slice3A_778[0] : f32 from vector<1xf32>
      %convert_element_type3A_780 = arith.fptosi %squeeze3A_779 : f32 to i32
      %eq3A_781 = arith.constant 1 : i32
      %eq3A_782 = arith.cmpi eq, %convert_element_type3A_780, %eq3A_781 : i32
      %convert_element_type3A_783 = arith.extui %gt3A_757 : i1 to i32
      %jit3A_784 = arith.constant 0 : i32
      %select_n3A_785 = arith.select %eq3A_782, %convert_element_type3A_783, %jit3A_784 : i32
      %add3A_786 = arith.addi %scan3A_361, %select_n3A_785 : i32
      %jit3A_787 = arith.constant 0 : i32
      %select_n3A_788 = arith.select %eq3A_782, %jit3A_787, %convert_element_type3A_783 : i32
      %add3A_789 = arith.addi %scan3A_362, %select_n3A_788 : i32
      %sub3A_790 = arith.subi %convert_element_type3A_777, %mul3A_0 : i32
      %jit3A_791 = arith.constant 0 : i32
      %jit3A_792 = arith.constant 319 : i32
      %max3A_793 = arith.maxsi %jit3A_791, %sub3A_790 : i32
      %min3A_794 = arith.minsi %jit3A_792, %max3A_793 : i32
      %ge3A = arith.cmpi sge, %convert_element_type3A_777, %mul3A_0 : i32
      %add3A_795 = arith.constant 320 : i32
      %add3A_796 = arith.addi %mul3A_0, %add3A_795 : i32
      %lt3A_797 = arith.cmpi slt, %convert_element_type3A_777, %add3A_796 : i32
      %and3A_798 = arith.andi %ge3A, %lt3A_797 : i1
      %get3A_799 = arith.index_cast %min3A_794 : i32 to index
      %get3A_800 = tpu.vector_load %arg22[%get3A_799] {strides = array<i32>} : memref<336xf32, #tpu.memory_space<vmem>>, vector<16xf32>,
      %get3A_801 = vector.shape_cast %get3A_800 : vector<16xf32> to vector<16xf32>
      %slice3A_802 = vector.extract_strided_slice %get3A_801 {offsets = [0], sizes = [1], strides = [1]} : vector<16xf32> to vector<1xf32>
      %squeeze3A_803 = vector.extract %slice3A_802[0] : f32 from vector<1xf32>
      %jit3A_804 = arith.constant -1.000000e+30 : f32
      %select_n3A_805 = arith.select %and3A_798, %jit3A_804, %squeeze3A_803 : f32
      %eq3A_806 = arith.constant 0 : i32
      %eq3A_807 = vector.broadcast %eq3A_806 : i32 to vector<16xi32>
      %eq3A_808 = arith.cmpi eq, %iota3A, %eq3A_807 : vector<16xi32>
      %broadcast_in_dim3A_809 = vector.broadcast %select_n3A_805 : f32 to vector<16xf32>
      %select_n3A_810 = arith.select %eq3A_808, %broadcast_in_dim3A_809, %get3A_801 : vector<16xi1>, vector<16xf32>
      %swap3A_811 = arith.index_cast %min3A_794 : i32 to index
      %swap3A_812 = tpu.vector_load %arg22[%swap3A_811] {strides = array<i32>} : memref<336xf32, #tpu.memory_space<vmem>>, vector<16xf32>,
      %swap3A_813 = vector.shape_cast %swap3A_812 : vector<16xf32> to vector<16xf32>
      %swap3A_814 = vector.shape_cast %select_n3A_810 : vector<16xf32> to vector<16xf32>
      tpu.vector_store %arg22[%swap3A_811], %swap3A_814 {strides = array<i32>} : memref<336xf32, #tpu.memory_space<vmem>>, vector<16xf32>,
      %convert_element_type3A_815 = arith.extui %and3A : i1 to i32
      %cond3A_816 = arith.constant 0 : i32
      %cond3A_817 = arith.cmpi ne, %convert_element_type3A_815, %cond3A_816 : i32
      scf.if %cond3A_817 {
        %eq3A_853 = arith.constant 0 : i32
        %eq3A_854 = vector.broadcast %eq3A_853 : i32 to vector<16xi32>
        %eq3A_855 = arith.cmpi eq, %iota3A, %eq3A_854 : vector<16xi32>
        %slice3A_856 = vector.extract_strided_slice %add3A_774 {offsets = [6], sizes = [1], strides = [1]} : vector<16xf32> to vector<1xf32>
        %squeeze3A_857 = vector.extract %slice3A_856[0] : f32 from vector<1xf32>
        %eq3A_858 = arith.constant 1 : i32
        %eq3A_859 = vector.broadcast %eq3A_858 : i32 to vector<16xi32>
        %eq3A_860 = arith.cmpi eq, %iota3A, %eq3A_859 : vector<16xi32>
        %slice3A_861 = vector.extract_strided_slice %add3A_774 {offsets = [7], sizes = [1], strides = [1]} : vector<16xf32> to vector<1xf32>
        %squeeze3A_862 = vector.extract %slice3A_861[0] : f32 from vector<1xf32>
        %eq3A_863 = arith.constant 2 : i32
        %eq3A_864 = vector.broadcast %eq3A_863 : i32 to vector<16xi32>
        %eq3A_865 = arith.cmpi eq, %iota3A, %eq3A_864 : vector<16xi32>
        %slice3A_866 = vector.extract_strided_slice %add3A_774 {offsets = [8], sizes = [1], strides = [1]} : vector<16xf32> to vector<1xf32>
        %squeeze3A_867 = vector.extract %slice3A_866[0] : f32 from vector<1xf32>
        %eq3A_868 = arith.constant 3 : i32
        %eq3A_869 = vector.broadcast %eq3A_868 : i32 to vector<16xi32>
        %eq3A_870 = arith.cmpi eq, %iota3A, %eq3A_869 : vector<16xi32>
        %slice3A_871 = vector.extract_strided_slice %add3A_774 {offsets = [9], sizes = [1], strides = [1]} : vector<16xf32> to vector<1xf32>
        %squeeze3A_872 = vector.extract %slice3A_871[0] : f32 from vector<1xf32>
        %slice3A_873 = vector.extract_strided_slice %add3A_774 {offsets = [10], sizes = [1], strides = [1]} : vector<16xf32> to vector<1xf32>
        %squeeze3A_874 = vector.extract %slice3A_873[0] : f32 from vector<1xf32>
        %broadcast_in_dim3A_875 = vector.broadcast %squeeze3A_872 : f32 to vector<16xf32>
        %broadcast_in_dim3A_876 = vector.broadcast %squeeze3A_874 : f32 to vector<16xf32>
        %select_n3A_877 = arith.select %eq3A_870, %broadcast_in_dim3A_875, %broadcast_in_dim3A_876 : vector<16xi1>, vector<16xf32>
        %broadcast_in_dim3A_878 = vector.broadcast %squeeze3A_867 : f32 to vector<16xf32>
        %select_n3A_879 = arith.select %eq3A_865, %broadcast_in_dim3A_878, %select_n3A_877 : vector<16xi1>, vector<16xf32>
        %broadcast_in_dim3A_880 = vector.broadcast %squeeze3A_862 : f32 to vector<16xf32>
        %select_n3A_881 = arith.select %eq3A_860, %broadcast_in_dim3A_880, %select_n3A_879 : vector<16xi1>, vector<16xf32>
        %broadcast_in_dim3A_882 = vector.broadcast %squeeze3A_857 : f32 to vector<16xf32>
        %select_n3A_883 = arith.select %eq3A_855, %broadcast_in_dim3A_882, %select_n3A_881 : vector<16xi1>, vector<16xf32>
        %mul3A_884 = arith.constant 5 : i32
        %mul3A_885 = arith.muli %scan3A_360, %mul3A_884 : i32
        %get3A_886 = arith.index_cast %mul3A_885 : i32 to index
        %get3A_887 = tpu.vector_load %arg23[%get3A_886] {strides = array<i32>} : memref<176xf32, #tpu.memory_space<vmem>>, vector<16xf32>,
        %get3A_888 = vector.shape_cast %get3A_887 : vector<16xf32> to vector<16xf32>
        %lt3A_889 = arith.constant 5 : i32
        %lt3A_890 = vector.broadcast %lt3A_889 : i32 to vector<16xi32>
        %lt3A_891 = arith.cmpi slt, %iota3A, %lt3A_890 : vector<16xi32>
        %select_n3A_892 = arith.select %lt3A_891, %select_n3A_883, %get3A_888 : vector<16xi1>, vector<16xf32>
        %swap3A_893 = arith.index_cast %mul3A_885 : i32 to index
        %swap3A_894 = tpu.vector_load %arg23[%swap3A_893] {strides = array<i32>} : memref<176xf32, #tpu.memory_space<vmem>>, vector<16xf32>,
        %swap3A_895 = vector.shape_cast %swap3A_894 : vector<16xf32> to vector<16xf32>
        %swap3A_896 = vector.shape_cast %select_n3A_892 : vector<16xf32> to vector<16xf32>
        tpu.vector_store %arg23[%swap3A_893], %swap3A_896 {strides = array<i32>} : memref<176xf32, #tpu.memory_space<vmem>>, vector<16xf32>,
        %get3A_897 = arith.index_cast %scan3A_360 : i32 to index
        %get3A_898 = tpu.vector_load %arg24[%get3A_897] {strides = array<i32>} : memref<48xi32, #tpu.memory_space<vmem>>, vector<16xi32>,
        %get3A_899 = vector.shape_cast %get3A_898 : vector<16xi32> to vector<16xi32>
        %eq3A_900 = arith.constant 0 : i32
        %eq3A_901 = vector.broadcast %eq3A_900 : i32 to vector<16xi32>
        %eq3A_902 = arith.cmpi eq, %iota3A, %eq3A_901 : vector<16xi32>
        %broadcast_in_dim3A_903 = vector.broadcast %convert_element_type3A_780 : i32 to vector<16xi32>
        %select_n3A_904 = arith.select %eq3A_902, %broadcast_in_dim3A_903, %get3A_899 : vector<16xi1>, vector<16xi32>
        %swap3A_905 = arith.index_cast %scan3A_360 : i32 to index
        %swap3A_906 = tpu.vector_load %arg24[%swap3A_905] {strides = array<i32>} : memref<48xi32, #tpu.memory_space<vmem>>, vector<16xi32>,
        %swap3A_907 = vector.shape_cast %swap3A_906 : vector<16xi32> to vector<16xi32>
        %swap3A_908 = vector.shape_cast %select_n3A_904 : vector<16xi32> to vector<16xi32>
        tpu.vector_store %arg24[%swap3A_905], %swap3A_908 {strides = array<i32>} : memref<48xi32, #tpu.memory_space<vmem>>, vector<16xi32>,
        %get3A_909 = arith.index_cast %scan3A_360 : i32 to index
        %get3A_910 = tpu.vector_load %arg25[%get3A_909] {strides = array<i32>} : memref<48xi32, #tpu.memory_space<vmem>>, vector<16xi32>,
        %get3A_911 = vector.shape_cast %get3A_910 : vector<16xi32> to vector<16xi32>
        %eq3A_912 = arith.constant 0 : i32
        %eq3A_913 = vector.broadcast %eq3A_912 : i32 to vector<16xi32>
        %eq3A_914 = arith.cmpi eq, %iota3A, %eq3A_913 : vector<16xi32>
        %broadcast_in_dim3A_915 = vector.broadcast %convert_element_type3A_783 : i32 to vector<16xi32>
        %select_n3A_916 = arith.select %eq3A_914, %broadcast_in_dim3A_915, %get3A_911 : vector<16xi1>, vector<16xi32>
        %swap3A_917 = arith.index_cast %scan3A_360 : i32 to index
        %swap3A_918 = tpu.vector_load %arg25[%swap3A_917] {strides = array<i32>} : memref<48xi32, #tpu.memory_space<vmem>>, vector<16xi32>,
        %swap3A_919 = vector.shape_cast %swap3A_918 : vector<16xi32> to vector<16xi32>
        %swap3A_920 = vector.shape_cast %select_n3A_916 : vector<16xi32> to vector<16xi32>
        tpu.vector_store %arg25[%swap3A_917], %swap3A_920 {strides = array<i32>} : memref<48xi32, #tpu.memory_space<vmem>>, vector<16xi32>,
      } else {
      }
      %eq3A_818 = arith.constant 0 : i32
      %eq3A_819 = vector.broadcast %eq3A_818 : i32 to vector<16xi32>
      %eq3A_820 = arith.cmpi eq, %iota3A, %eq3A_819 : vector<16xi32>
      %jit3A_821 = arith.constant -1.000000e+30 : f32
      %jit3A_822 = arith.constant 0.000000e+00 : f32
      %broadcast_in_dim3A_823 = vector.broadcast %jit3A_821 : f32 to vector<16xf32>
      %broadcast_in_dim3A_824 = vector.broadcast %jit3A_822 : f32 to vector<16xf32>
      %select_n3A_825 = arith.select %eq3A_820, %broadcast_in_dim3A_823, %broadcast_in_dim3A_824 : vector<16xi1>, vector<16xf32>
      %swap3A_826 = arith.constant 0 : index
      %swap3A_827 = tpu.vector_load %arg26[%swap3A_826] {strides = array<i32>} : memref<16xf32, #tpu.memory_space<vmem>>, vector<16xf32>,
      %swap3A_828 = vector.shape_cast %swap3A_827 : vector<16xf32> to vector<16xf32>
      %swap3A_829 = vector.shape_cast %select_n3A_825 : vector<16xf32> to vector<16xf32>
      tpu.vector_store %arg26[%swap3A_826], %swap3A_829 {strides = array<i32>} : memref<16xf32, #tpu.memory_space<vmem>>, vector<16xf32>,
      %convert_element_type3A_830 = arith.extui %gt3A_757 : i1 to i32
      %cond3A_831 = arith.constant 0 : i32
      %cond3A_832 = arith.cmpi ne, %convert_element_type3A_830, %cond3A_831 : i32
      scf.if %cond3A_832 {
        %slice3A_853 = vector.extract_strided_slice %add3A_774 {offsets = [2], sizes = [1], strides = [1]} : vector<16xf32> to vector<1xf32>
        %squeeze3A_854 = vector.extract %slice3A_853[0] : f32 from vector<1xf32>
        %slice3A_855 = vector.extract_strided_slice %add3A_774 {offsets = [3], sizes = [1], strides = [1]} : vector<16xf32> to vector<1xf32>
        %squeeze3A_856 = vector.extract %slice3A_855[0] : f32 from vector<1xf32>
        %slice3A_857 = vector.extract_strided_slice %add3A_774 {offsets = [4], sizes = [1], strides = [1]} : vector<16xf32> to vector<1xf32>
        %squeeze3A_858 = vector.extract %slice3A_857[0] : f32 from vector<1xf32>
        %slice3A_859 = vector.extract_strided_slice %add3A_774 {offsets = [5], sizes = [1], strides = [1]} : vector<16xf32> to vector<1xf32>
        %squeeze3A_860 = vector.extract %slice3A_859[0] : f32 from vector<1xf32>
        %sub3A_861 = arith.subf %squeeze3A_858, %squeeze3A_854 : f32
        %sub3A_862 = arith.subf %squeeze3A_860, %squeeze3A_856 : f32
        %mul3A_863 = arith.mulf %sub3A_861, %sub3A_862 : f32
        %sub3A_864 = arith.constant 1 : i32
        %sub3A_865 = arith.subi %convert_element_type3A_780, %sub3A_864 : i32
        %abs3A = math.absi %sub3A_865 : i32
        %min3A_866 = arith.constant 1 : i32
        %min3A_867 = arith.minsi %abs3A, %min3A_866 : i32
        %sub3A_868 = arith.constant 1 : i32
        %sub3A_869 = arith.subi %sub3A_868, %min3A_867 : i32
        %eq3A_870 = arith.constant 1 : i32
        %eq3A_871 = arith.cmpi eq, %sub3A_869, %eq3A_870 : i32
        %eq3A_872 = arith.constant 15 : i32
        %eq3A_873 = arith.cmpi eq, %add3A_786, %eq3A_872 : i32
        %eq3A_874 = arith.constant 15 : i32
        %eq3A_875 = arith.cmpi eq, %add3A_789, %eq3A_874 : i32
        %select_n3A_876 = arith.select %eq3A_871, %eq3A_873, %eq3A_875 : i1
        %convert_element_type3A_877 = arith.extui %select_n3A_876 : i1 to i32
        %cond3A_878 = arith.constant 0 : i32
        %cond3A_879 = arith.cmpi ne, %convert_element_type3A_877, %cond3A_878 : i32
        scf.if %cond3A_879 {
          %broadcast_in_dim3A_1081 = vector.broadcast %sub3A_869 : i32 to vector<16xi32>
          %scan3A_1082 = arith.constant 0 : i32
          %scan3A_1083 = arith.constant 0 : i32
          %scan3A_1084 = arith.constant 20 : i32
          %scan3A_1085 = arith.addi %scan3A_1083, %scan3A_1084 : i32
          %scan3A_1086 = arith.constant 1 : i32
          %scan3A_1087 = scf.for %scan3A_1089 = %scan3A_1083 to %scan3A_1085 step %scan3A_1086 iter_args(%scan3A_1090 = %scan3A_1082) -> (i32)  : i32 {
            %mul3A_1091 = arith.constant 16 : i32
            %mul3A_1092 = arith.muli %scan3A_1089, %mul3A_1091 : i32
            %get3A_1093 = arith.index_cast %mul3A_1092 : i32 to index
            %get3A_1094 = tpu.vector_load %arg16[%get3A_1093] {strides = array<i32>} : memref<336xi32, #tpu.memory_space<vmem>>, vector<16xi32>,
            %get3A_1095 = vector.shape_cast %get3A_1094 : vector<16xi32> to vector<16xi32>
            %sub3A_1096 = arith.constant 1 : i32
            %sub3A_1097 = vector.broadcast %sub3A_1096 : i32 to vector<16xi32>
            %sub3A_1098 = arith.subi %get3A_1095, %sub3A_1097 : vector<16xi32>
            %abs3A_1099 = math.absi %sub3A_1098 : vector<16xi32>
            %min3A_1100 = arith.constant 1 : i32
            %min3A_1101 = vector.broadcast %min3A_1100 : i32 to vector<16xi32>
            %min3A_1102 = arith.minsi %abs3A_1099, %min3A_1101 : vector<16xi32>
            %sub3A_1103 = arith.constant 1 : i32
            %sub3A_1104 = vector.broadcast %sub3A_1103 : i32 to vector<16xi32>
            %sub3A_1105 = arith.subi %sub3A_1104, %min3A_1102 : vector<16xi32>
            %eq3A_1106 = arith.cmpi eq, %sub3A_1105, %broadcast_in_dim3A_1081 : vector<16xi32>
            %get3A_1107 = arith.index_cast %mul3A_1092 : i32 to index
            %get3A_1108 = tpu.vector_load %arg21[%get3A_1107] {strides = array<i32>} : memref<336xf32, #tpu.memory_space<vmem>>, vector<16xf32>,
            %get3A_1109 = vector.shape_cast %get3A_1108 : vector<16xf32> to vector<16xf32>
            %jit3A_1110 = arith.constant -1.000000e+30 : f32
            %broadcast_in_dim3A_1111 = vector.broadcast %jit3A_1110 : f32 to vector<16xf32>
            %select_n3A_1112 = arith.select %eq3A_1106, %broadcast_in_dim3A_1111, %get3A_1109 : vector<16xi1>, vector<16xf32>
            %swap3A_1113 = arith.index_cast %mul3A_1092 : i32 to index
            %swap3A_1114 = tpu.vector_load %arg21[%swap3A_1113] {strides = array<i32>} : memref<336xf32, #tpu.memory_space<vmem>>, vector<16xf32>,
            %swap3A_1115 = vector.shape_cast %swap3A_1114 : vector<16xf32> to vector<16xf32>
            %swap3A_1116 = vector.shape_cast %select_n3A_1112 : vector<16xf32> to vector<16xf32>
            tpu.vector_store %arg21[%swap3A_1113], %swap3A_1116 {strides = array<i32>} : memref<336xf32, #tpu.memory_space<vmem>>, vector<16xf32>,
            %scan3A_1117 = arith.constant 0 : i32
            scf.yield %scan3A_1117 : i32
          }
          %scan3A_1088 = arith.constant 20 : i32
        } else {
        }
        %broadcast_in_dim3A_880 = arith.constant -1.000000e+30 : f32
        %broadcast_in_dim3A_881 = vector.broadcast %broadcast_in_dim3A_880 : f32 to vector<16xf32>
        %broadcast_in_dim3A_882 = arith.constant 0 : i32
        %broadcast_in_dim3A_883 = vector.broadcast %broadcast_in_dim3A_882 : i32 to vector<16xi32>
        %scan3A_884 = arith.constant 0 : i32
        %scan3A_885 = arith.constant 5 : i32
        %scan3A_886 = arith.addi %scan3A_884, %scan3A_885 : i32
        %scan3A_887 = arith.constant 1 : i32
        %scan3A_888:2 = scf.for %scan3A_1081 = %scan3A_884 to %scan3A_886 step %scan3A_887 iter_args(%scan3A_1082 = %broadcast_in_dim3A_881, %scan3A_1083 = %broadcast_in_dim3A_883) -> (vector<16xf32>, vector<16xi32>)  : i32 {
          %mul3A_1084 = arith.constant 64 : i32
          %mul3A_1085 = arith.muli %scan3A_1081, %mul3A_1084 : i32
          %add3A_1086 = arith.constant 0 : i32
          %add3A_1087 = arith.addi %mul3A_1085, %add3A_1086 : i32
          %mul3A_1088 = arith.constant 64 : i32
          %mul3A_1089 = arith.muli %scan3A_1081, %mul3A_1088 : i32
          %add3A_1090 = arith.addi %mul3A_0, %mul3A_1089 : i32
          %add3A_1091 = arith.constant 0 : i32
          %add3A_1092 = arith.addi %add3A_1090, %add3A_1091 : i32
          %add3A_1093 = vector.broadcast %add3A_1092 : i32 to vector<16xi32>
          %add3A_1094 = arith.addi %add3A_1093, %iota3A : vector<16xi32>
          %get3A_1095 = arith.index_cast %add3A_1087 : i32 to index
          %get3A_1096 = tpu.vector_load %arg17[%get3A_1095] {strides = array<i32>} : memref<336xf32, #tpu.memory_space<vmem>>, vector<16xf32>,
          %get3A_1097 = vector.shape_cast %get3A_1096 : vector<16xf32> to vector<16xf32>
          %get3A_1098 = arith.index_cast %add3A_1087 : i32 to index
          %get3A_1099 = tpu.vector_load %arg18[%get3A_1098] {strides = array<i32>} : memref<336xf32, #tpu.memory_space<vmem>>, vector<16xf32>,
          %get3A_1100 = vector.shape_cast %get3A_1099 : vector<16xf32> to vector<16xf32>
          %get3A_1101 = arith.index_cast %add3A_1087 : i32 to index
          %get3A_1102 = tpu.vector_load %arg19[%get3A_1101] {strides = array<i32>} : memref<336xf32, #tpu.memory_space<vmem>>, vector<16xf32>,
          %get3A_1103 = vector.shape_cast %get3A_1102 : vector<16xf32> to vector<16xf32>
          %get3A_1104 = arith.index_cast %add3A_1087 : i32 to index
          %get3A_1105 = tpu.vector_load %arg20[%get3A_1104] {strides = array<i32>} : memref<336xf32, #tpu.memory_space<vmem>>, vector<16xf32>,
          %get3A_1106 = vector.shape_cast %get3A_1105 : vector<16xf32> to vector<16xf32>
          %max3A_1107 = vector.broadcast %squeeze3A_854 : f32 to vector<16xf32>
          %max3A_1108 = arith.maximumf %max3A_1107, %get3A_1097 : vector<16xf32>
          %max3A_1109 = vector.broadcast %squeeze3A_856 : f32 to vector<16xf32>
          %max3A_1110 = arith.maximumf %max3A_1109, %get3A_1100 : vector<16xf32>
          %min3A_1111 = vector.broadcast %squeeze3A_858 : f32 to vector<16xf32>
          %min3A_1112 = arith.minimumf %min3A_1111, %get3A_1103 : vector<16xf32>
          %min3A_1113 = vector.broadcast %squeeze3A_860 : f32 to vector<16xf32>
          %min3A_1114 = arith.minimumf %min3A_1113, %get3A_1106 : vector<16xf32>
          %sub3A_1115 = arith.subf %min3A_1112, %max3A_1108 : vector<16xf32>
          %max3A_1116 = arith.constant 0.000000e+00 : f32
          %max3A_1117 = vector.broadcast %max3A_1116 : f32 to vector<16xf32>
          %max3A_1118 = arith.maximumf %sub3A_1115, %max3A_1117 : vector<16xf32>
          %sub3A_1119 = arith.subf %min3A_1114, %max3A_1110 : vector<16xf32>
          %max3A_1120 = arith.constant 0.000000e+00 : f32
          %max3A_1121 = vector.broadcast %max3A_1120 : f32 to vector<16xf32>
          %max3A_1122 = arith.maximumf %sub3A_1119, %max3A_1121 : vector<16xf32>
          %mul3A_1123 = arith.mulf %max3A_1118, %max3A_1122 : vector<16xf32>
          %sub3A_1124 = arith.subf %get3A_1103, %get3A_1097 : vector<16xf32>
          %sub3A_1125 = arith.subf %get3A_1106, %get3A_1100 : vector<16xf32>
          %mul3A_1126 = arith.mulf %sub3A_1124, %sub3A_1125 : vector<16xf32>
          %add3A_1127 = vector.broadcast %mul3A_863 : f32 to vector<16xf32>
          %add3A_1128 = arith.addf %add3A_1127, %mul3A_1126 : vector<16xf32>
          %sub3A_1129 = arith.subf %add3A_1128, %mul3A_1123 : vector<16xf32>
          %max3A_1130 = arith.constant 9.99999993E-9 : f32
          %max3A_1131 = vector.broadcast %max3A_1130 : f32 to vector<16xf32>
          %max3A_1132 = arith.maximumf %sub3A_1129, %max3A_1131 : vector<16xf32>
          %div3A = arith.divf %mul3A_1123, %max3A_1132 : vector<16xf32>
          %gt3A_1133 = arith.constant 5.000000e-01 : f32
          %gt3A_1134 = vector.broadcast %gt3A_1133 : f32 to vector<16xf32>
          %gt3A_1135 = arith.cmpf ogt, %div3A, %gt3A_1134 : vector<16xf32>
          %get3A_1136 = arith.index_cast %add3A_1087 : i32 to index
          %get3A_1137 = tpu.vector_load %arg21[%get3A_1136] {strides = array<i32>} : memref<336xf32, #tpu.memory_space<vmem>>, vector<16xf32>,
          %get3A_1138 = vector.shape_cast %get3A_1137 : vector<16xf32> to vector<16xf32>
          %jit3A_1139 = arith.constant -1.000000e+30 : f32
          %broadcast_in_dim3A_1140 = vector.broadcast %jit3A_1139 : f32 to vector<16xf32>
          %select_n3A_1141 = arith.select %gt3A_1135, %broadcast_in_dim3A_1140, %get3A_1138 : vector<16xi1>, vector<16xf32>
          %swap3A_1142 = arith.index_cast %add3A_1087 : i32 to index
          %swap3A_1143 = tpu.vector_load %arg21[%swap3A_1142] {strides = array<i32>} : memref<336xf32, #tpu.memory_space<vmem>>, vector<16xf32>,
          %swap3A_1144 = vector.shape_cast %swap3A_1143 : vector<16xf32> to vector<16xf32>
          %swap3A_1145 = vector.shape_cast %select_n3A_1141 : vector<16xf32> to vector<16xf32>
          tpu.vector_store %arg21[%swap3A_1142], %swap3A_1145 {strides = array<i32>} : memref<336xf32, #tpu.memory_space<vmem>>, vector<16xf32>,
          %gt3A_1146 = arith.cmpf ogt, %select_n3A_1141, %scan3A_1082 : vector<16xf32>
          %select_n3A_1147 = arith.select %gt3A_1146, %select_n3A_1141, %scan3A_1082 : vector<16xi1>, vector<16xf32>
          %select_n3A_1148 = arith.select %gt3A_1146, %add3A_1094, %scan3A_1083 : vector<16xi1>, vector<16xi32>
          %mul3A_1149 = arith.constant 64 : i32
          %mul3A_1150 = arith.muli %scan3A_1081, %mul3A_1149 : i32
          %add3A_1151 = arith.constant 16 : i32
          %add3A_1152 = arith.addi %mul3A_1150, %add3A_1151 : i32
          %mul3A_1153 = arith.constant 64 : i32
          %mul3A_1154 = arith.muli %scan3A_1081, %mul3A_1153 : i32
          %add3A_1155 = arith.addi %mul3A_0, %mul3A_1154 : i32
          %add3A_1156 = arith.constant 16 : i32
          %add3A_1157 = arith.addi %add3A_1155, %add3A_1156 : i32
          %add3A_1158 = vector.broadcast %add3A_1157 : i32 to vector<16xi32>
          %add3A_1159 = arith.addi %add3A_1158, %iota3A : vector<16xi32>
          %get3A_1160 = arith.index_cast %add3A_1152 : i32 to index
          %get3A_1161 = tpu.vector_load %arg17[%get3A_1160] {strides = array<i32>} : memref<336xf32, #tpu.memory_space<vmem>>, vector<16xf32>,
          %get3A_1162 = vector.shape_cast %get3A_1161 : vector<16xf32> to vector<16xf32>
          %get3A_1163 = arith.index_cast %add3A_1152 : i32 to index
          %get3A_1164 = tpu.vector_load %arg18[%get3A_1163] {strides = array<i32>} : memref<336xf32, #tpu.memory_space<vmem>>, vector<16xf32>,
          %get3A_1165 = vector.shape_cast %get3A_1164 : vector<16xf32> to vector<16xf32>
          %get3A_1166 = arith.index_cast %add3A_1152 : i32 to index
          %get3A_1167 = tpu.vector_load %arg19[%get3A_1166] {strides = array<i32>} : memref<336xf32, #tpu.memory_space<vmem>>, vector<16xf32>,
          %get3A_1168 = vector.shape_cast %get3A_1167 : vector<16xf32> to vector<16xf32>
          %get3A_1169 = arith.index_cast %add3A_1152 : i32 to index
          %get3A_1170 = tpu.vector_load %arg20[%get3A_1169] {strides = array<i32>} : memref<336xf32, #tpu.memory_space<vmem>>, vector<16xf32>,
          %get3A_1171 = vector.shape_cast %get3A_1170 : vector<16xf32> to vector<16xf32>
          %max3A_1172 = vector.broadcast %squeeze3A_854 : f32 to vector<16xf32>
          %max3A_1173 = arith.maximumf %max3A_1172, %get3A_1162 : vector<16xf32>
          %max3A_1174 = vector.broadcast %squeeze3A_856 : f32 to vector<16xf32>
          %max3A_1175 = arith.maximumf %max3A_1174, %get3A_1165 : vector<16xf32>
          %min3A_1176 = vector.broadcast %squeeze3A_858 : f32 to vector<16xf32>
          %min3A_1177 = arith.minimumf %min3A_1176, %get3A_1168 : vector<16xf32>
          %min3A_1178 = vector.broadcast %squeeze3A_860 : f32 to vector<16xf32>
          %min3A_1179 = arith.minimumf %min3A_1178, %get3A_1171 : vector<16xf32>
          %sub3A_1180 = arith.subf %min3A_1177, %max3A_1173 : vector<16xf32>
          %max3A_1181 = arith.constant 0.000000e+00 : f32
          %max3A_1182 = vector.broadcast %max3A_1181 : f32 to vector<16xf32>
          %max3A_1183 = arith.maximumf %sub3A_1180, %max3A_1182 : vector<16xf32>
          %sub3A_1184 = arith.subf %min3A_1179, %max3A_1175 : vector<16xf32>
          %max3A_1185 = arith.constant 0.000000e+00 : f32
          %max3A_1186 = vector.broadcast %max3A_1185 : f32 to vector<16xf32>
          %max3A_1187 = arith.maximumf %sub3A_1184, %max3A_1186 : vector<16xf32>
          %mul3A_1188 = arith.mulf %max3A_1183, %max3A_1187 : vector<16xf32>
          %sub3A_1189 = arith.subf %get3A_1168, %get3A_1162 : vector<16xf32>
          %sub3A_1190 = arith.subf %get3A_1171, %get3A_1165 : vector<16xf32>
          %mul3A_1191 = arith.mulf %sub3A_1189, %sub3A_1190 : vector<16xf32>
          %add3A_1192 = vector.broadcast %mul3A_863 : f32 to vector<16xf32>
          %add3A_1193 = arith.addf %add3A_1192, %mul3A_1191 : vector<16xf32>
          %sub3A_1194 = arith.subf %add3A_1193, %mul3A_1188 : vector<16xf32>
          %max3A_1195 = arith.constant 9.99999993E-9 : f32
          %max3A_1196 = vector.broadcast %max3A_1195 : f32 to vector<16xf32>
          %max3A_1197 = arith.maximumf %sub3A_1194, %max3A_1196 : vector<16xf32>
          %div3A_1198 = arith.divf %mul3A_1188, %max3A_1197 : vector<16xf32>
          %gt3A_1199 = arith.constant 5.000000e-01 : f32
          %gt3A_1200 = vector.broadcast %gt3A_1199 : f32 to vector<16xf32>
          %gt3A_1201 = arith.cmpf ogt, %div3A_1198, %gt3A_1200 : vector<16xf32>
          %get3A_1202 = arith.index_cast %add3A_1152 : i32 to index
          %get3A_1203 = tpu.vector_load %arg21[%get3A_1202] {strides = array<i32>} : memref<336xf32, #tpu.memory_space<vmem>>, vector<16xf32>,
          %get3A_1204 = vector.shape_cast %get3A_1203 : vector<16xf32> to vector<16xf32>
          %jit3A_1205 = arith.constant -1.000000e+30 : f32
          %broadcast_in_dim3A_1206 = vector.broadcast %jit3A_1205 : f32 to vector<16xf32>
          %select_n3A_1207 = arith.select %gt3A_1201, %broadcast_in_dim3A_1206, %get3A_1204 : vector<16xi1>, vector<16xf32>
          %swap3A_1208 = arith.index_cast %add3A_1152 : i32 to index
          %swap3A_1209 = tpu.vector_load %arg21[%swap3A_1208] {strides = array<i32>} : memref<336xf32, #tpu.memory_space<vmem>>, vector<16xf32>,
          %swap3A_1210 = vector.shape_cast %swap3A_1209 : vector<16xf32> to vector<16xf32>
          %swap3A_1211 = vector.shape_cast %select_n3A_1207 : vector<16xf32> to vector<16xf32>
          tpu.vector_store %arg21[%swap3A_1208], %swap3A_1211 {strides = array<i32>} : memref<336xf32, #tpu.memory_space<vmem>>, vector<16xf32>,
          %gt3A_1212 = arith.cmpf ogt, %select_n3A_1207, %select_n3A_1147 : vector<16xf32>
          %select_n3A_1213 = arith.select %gt3A_1212, %select_n3A_1207, %select_n3A_1147 : vector<16xi1>, vector<16xf32>
          %select_n3A_1214 = arith.select %gt3A_1212, %add3A_1159, %select_n3A_1148 : vector<16xi1>, vector<16xi32>
          %mul3A_1215 = arith.constant 64 : i32
          %mul3A_1216 = arith.muli %scan3A_1081, %mul3A_1215 : i32
          %add3A_1217 = arith.constant 32 : i32
          %add3A_1218 = arith.addi %mul3A_1216, %add3A_1217 : i32
          %mul3A_1219 = arith.constant 64 : i32
          %mul3A_1220 = arith.muli %scan3A_1081, %mul3A_1219 : i32
          %add3A_1221 = arith.addi %mul3A_0, %mul3A_1220 : i32
          %add3A_1222 = arith.constant 32 : i32
          %add3A_1223 = arith.addi %add3A_1221, %add3A_1222 : i32
          %add3A_1224 = vector.broadcast %add3A_1223 : i32 to vector<16xi32>
          %add3A_1225 = arith.addi %add3A_1224, %iota3A : vector<16xi32>
          %get3A_1226 = arith.index_cast %add3A_1218 : i32 to index
          %get3A_1227 = tpu.vector_load %arg17[%get3A_1226] {strides = array<i32>} : memref<336xf32, #tpu.memory_space<vmem>>, vector<16xf32>,
          %get3A_1228 = vector.shape_cast %get3A_1227 : vector<16xf32> to vector<16xf32>
          %get3A_1229 = arith.index_cast %add3A_1218 : i32 to index
          %get3A_1230 = tpu.vector_load %arg18[%get3A_1229] {strides = array<i32>} : memref<336xf32, #tpu.memory_space<vmem>>, vector<16xf32>,
          %get3A_1231 = vector.shape_cast %get3A_1230 : vector<16xf32> to vector<16xf32>
          %get3A_1232 = arith.index_cast %add3A_1218 : i32 to index
          %get3A_1233 = tpu.vector_load %arg19[%get3A_1232] {strides = array<i32>} : memref<336xf32, #tpu.memory_space<vmem>>, vector<16xf32>,
          %get3A_1234 = vector.shape_cast %get3A_1233 : vector<16xf32> to vector<16xf32>
          %get3A_1235 = arith.index_cast %add3A_1218 : i32 to index
          %get3A_1236 = tpu.vector_load %arg20[%get3A_1235] {strides = array<i32>} : memref<336xf32, #tpu.memory_space<vmem>>, vector<16xf32>,
          %get3A_1237 = vector.shape_cast %get3A_1236 : vector<16xf32> to vector<16xf32>
          %max3A_1238 = vector.broadcast %squeeze3A_854 : f32 to vector<16xf32>
          %max3A_1239 = arith.maximumf %max3A_1238, %get3A_1228 : vector<16xf32>
          %max3A_1240 = vector.broadcast %squeeze3A_856 : f32 to vector<16xf32>
          %max3A_1241 = arith.maximumf %max3A_1240, %get3A_1231 : vector<16xf32>
          %min3A_1242 = vector.broadcast %squeeze3A_858 : f32 to vector<16xf32>
          %min3A_1243 = arith.minimumf %min3A_1242, %get3A_1234 : vector<16xf32>
          %min3A_1244 = vector.broadcast %squeeze3A_860 : f32 to vector<16xf32>
          %min3A_1245 = arith.minimumf %min3A_1244, %get3A_1237 : vector<16xf32>
          %sub3A_1246 = arith.subf %min3A_1243, %max3A_1239 : vector<16xf32>
          %max3A_1247 = arith.constant 0.000000e+00 : f32
          %max3A_1248 = vector.broadcast %max3A_1247 : f32 to vector<16xf32>
          %max3A_1249 = arith.maximumf %sub3A_1246, %max3A_1248 : vector<16xf32>
          %sub3A_1250 = arith.subf %min3A_1245, %max3A_1241 : vector<16xf32>
          %max3A_1251 = arith.constant 0.000000e+00 : f32
          %max3A_1252 = vector.broadcast %max3A_1251 : f32 to vector<16xf32>
          %max3A_1253 = arith.maximumf %sub3A_1250, %max3A_1252 : vector<16xf32>
          %mul3A_1254 = arith.mulf %max3A_1249, %max3A_1253 : vector<16xf32>
          %sub3A_1255 = arith.subf %get3A_1234, %get3A_1228 : vector<16xf32>
          %sub3A_1256 = arith.subf %get3A_1237, %get3A_1231 : vector<16xf32>
          %mul3A_1257 = arith.mulf %sub3A_1255, %sub3A_1256 : vector<16xf32>
          %add3A_1258 = vector.broadcast %mul3A_863 : f32 to vector<16xf32>
          %add3A_1259 = arith.addf %add3A_1258, %mul3A_1257 : vector<16xf32>
          %sub3A_1260 = arith.subf %add3A_1259, %mul3A_1254 : vector<16xf32>
          %max3A_1261 = arith.constant 9.99999993E-9 : f32
          %max3A_1262 = vector.broadcast %max3A_1261 : f32 to vector<16xf32>
          %max3A_1263 = arith.maximumf %sub3A_1260, %max3A_1262 : vector<16xf32>
          %div3A_1264 = arith.divf %mul3A_1254, %max3A_1263 : vector<16xf32>
          %gt3A_1265 = arith.constant 5.000000e-01 : f32
          %gt3A_1266 = vector.broadcast %gt3A_1265 : f32 to vector<16xf32>
          %gt3A_1267 = arith.cmpf ogt, %div3A_1264, %gt3A_1266 : vector<16xf32>
          %get3A_1268 = arith.index_cast %add3A_1218 : i32 to index
          %get3A_1269 = tpu.vector_load %arg21[%get3A_1268] {strides = array<i32>} : memref<336xf32, #tpu.memory_space<vmem>>, vector<16xf32>,
          %get3A_1270 = vector.shape_cast %get3A_1269 : vector<16xf32> to vector<16xf32>
          %jit3A_1271 = arith.constant -1.000000e+30 : f32
          %broadcast_in_dim3A_1272 = vector.broadcast %jit3A_1271 : f32 to vector<16xf32>
          %select_n3A_1273 = arith.select %gt3A_1267, %broadcast_in_dim3A_1272, %get3A_1270 : vector<16xi1>, vector<16xf32>
          %swap3A_1274 = arith.index_cast %add3A_1218 : i32 to index
          %swap3A_1275 = tpu.vector_load %arg21[%swap3A_1274] {strides = array<i32>} : memref<336xf32, #tpu.memory_space<vmem>>, vector<16xf32>,
          %swap3A_1276 = vector.shape_cast %swap3A_1275 : vector<16xf32> to vector<16xf32>
          %swap3A_1277 = vector.shape_cast %select_n3A_1273 : vector<16xf32> to vector<16xf32>
          tpu.vector_store %arg21[%swap3A_1274], %swap3A_1277 {strides = array<i32>} : memref<336xf32, #tpu.memory_space<vmem>>, vector<16xf32>,
          %gt3A_1278 = arith.cmpf ogt, %select_n3A_1273, %select_n3A_1213 : vector<16xf32>
          %select_n3A_1279 = arith.select %gt3A_1278, %select_n3A_1273, %select_n3A_1213 : vector<16xi1>, vector<16xf32>
          %select_n3A_1280 = arith.select %gt3A_1278, %add3A_1225, %select_n3A_1214 : vector<16xi1>, vector<16xi32>
          %mul3A_1281 = arith.constant 64 : i32
          %mul3A_1282 = arith.muli %scan3A_1081, %mul3A_1281 : i32
          %add3A_1283 = arith.constant 48 : i32
          %add3A_1284 = arith.addi %mul3A_1282, %add3A_1283 : i32
          %mul3A_1285 = arith.constant 64 : i32
          %mul3A_1286 = arith.muli %scan3A_1081, %mul3A_1285 : i32
          %add3A_1287 = arith.addi %mul3A_0, %mul3A_1286 : i32
          %add3A_1288 = arith.constant 48 : i32
          %add3A_1289 = arith.addi %add3A_1287, %add3A_1288 : i32
          %add3A_1290 = vector.broadcast %add3A_1289 : i32 to vector<16xi32>
          %add3A_1291 = arith.addi %add3A_1290, %iota3A : vector<16xi32>
          %get3A_1292 = arith.index_cast %add3A_1284 : i32 to index
          %get3A_1293 = tpu.vector_load %arg17[%get3A_1292] {strides = array<i32>} : memref<336xf32, #tpu.memory_space<vmem>>, vector<16xf32>,
          %get3A_1294 = vector.shape_cast %get3A_1293 : vector<16xf32> to vector<16xf32>
          %get3A_1295 = arith.index_cast %add3A_1284 : i32 to index
          %get3A_1296 = tpu.vector_load %arg18[%get3A_1295] {strides = array<i32>} : memref<336xf32, #tpu.memory_space<vmem>>, vector<16xf32>,
          %get3A_1297 = vector.shape_cast %get3A_1296 : vector<16xf32> to vector<16xf32>
          %get3A_1298 = arith.index_cast %add3A_1284 : i32 to index
          %get3A_1299 = tpu.vector_load %arg19[%get3A_1298] {strides = array<i32>} : memref<336xf32, #tpu.memory_space<vmem>>, vector<16xf32>,
          %get3A_1300 = vector.shape_cast %get3A_1299 : vector<16xf32> to vector<16xf32>
          %get3A_1301 = arith.index_cast %add3A_1284 : i32 to index
          %get3A_1302 = tpu.vector_load %arg20[%get3A_1301] {strides = array<i32>} : memref<336xf32, #tpu.memory_space<vmem>>, vector<16xf32>,
          %get3A_1303 = vector.shape_cast %get3A_1302 : vector<16xf32> to vector<16xf32>
          %max3A_1304 = vector.broadcast %squeeze3A_854 : f32 to vector<16xf32>
          %max3A_1305 = arith.maximumf %max3A_1304, %get3A_1294 : vector<16xf32>
          %max3A_1306 = vector.broadcast %squeeze3A_856 : f32 to vector<16xf32>
          %max3A_1307 = arith.maximumf %max3A_1306, %get3A_1297 : vector<16xf32>
          %min3A_1308 = vector.broadcast %squeeze3A_858 : f32 to vector<16xf32>
          %min3A_1309 = arith.minimumf %min3A_1308, %get3A_1300 : vector<16xf32>
          %min3A_1310 = vector.broadcast %squeeze3A_860 : f32 to vector<16xf32>
          %min3A_1311 = arith.minimumf %min3A_1310, %get3A_1303 : vector<16xf32>
          %sub3A_1312 = arith.subf %min3A_1309, %max3A_1305 : vector<16xf32>
          %max3A_1313 = arith.constant 0.000000e+00 : f32
          %max3A_1314 = vector.broadcast %max3A_1313 : f32 to vector<16xf32>
          %max3A_1315 = arith.maximumf %sub3A_1312, %max3A_1314 : vector<16xf32>
          %sub3A_1316 = arith.subf %min3A_1311, %max3A_1307 : vector<16xf32>
          %max3A_1317 = arith.constant 0.000000e+00 : f32
          %max3A_1318 = vector.broadcast %max3A_1317 : f32 to vector<16xf32>
          %max3A_1319 = arith.maximumf %sub3A_1316, %max3A_1318 : vector<16xf32>
          %mul3A_1320 = arith.mulf %max3A_1315, %max3A_1319 : vector<16xf32>
          %sub3A_1321 = arith.subf %get3A_1300, %get3A_1294 : vector<16xf32>
          %sub3A_1322 = arith.subf %get3A_1303, %get3A_1297 : vector<16xf32>
          %mul3A_1323 = arith.mulf %sub3A_1321, %sub3A_1322 : vector<16xf32>
          %add3A_1324 = vector.broadcast %mul3A_863 : f32 to vector<16xf32>
          %add3A_1325 = arith.addf %add3A_1324, %mul3A_1323 : vector<16xf32>
          %sub3A_1326 = arith.subf %add3A_1325, %mul3A_1320 : vector<16xf32>
          %max3A_1327 = arith.constant 9.99999993E-9 : f32
          %max3A_1328 = vector.broadcast %max3A_1327 : f32 to vector<16xf32>
          %max3A_1329 = arith.maximumf %sub3A_1326, %max3A_1328 : vector<16xf32>
          %div3A_1330 = arith.divf %mul3A_1320, %max3A_1329 : vector<16xf32>
          %gt3A_1331 = arith.constant 5.000000e-01 : f32
          %gt3A_1332 = vector.broadcast %gt3A_1331 : f32 to vector<16xf32>
          %gt3A_1333 = arith.cmpf ogt, %div3A_1330, %gt3A_1332 : vector<16xf32>
          %get3A_1334 = arith.index_cast %add3A_1284 : i32 to index
          %get3A_1335 = tpu.vector_load %arg21[%get3A_1334] {strides = array<i32>} : memref<336xf32, #tpu.memory_space<vmem>>, vector<16xf32>,
          %get3A_1336 = vector.shape_cast %get3A_1335 : vector<16xf32> to vector<16xf32>
          %jit3A_1337 = arith.constant -1.000000e+30 : f32
          %broadcast_in_dim3A_1338 = vector.broadcast %jit3A_1337 : f32 to vector<16xf32>
          %select_n3A_1339 = arith.select %gt3A_1333, %broadcast_in_dim3A_1338, %get3A_1336 : vector<16xi1>, vector<16xf32>
          %swap3A_1340 = arith.index_cast %add3A_1284 : i32 to index
          %swap3A_1341 = tpu.vector_load %arg21[%swap3A_1340] {strides = array<i32>} : memref<336xf32, #tpu.memory_space<vmem>>, vector<16xf32>,
          %swap3A_1342 = vector.shape_cast %swap3A_1341 : vector<16xf32> to vector<16xf32>
          %swap3A_1343 = vector.shape_cast %select_n3A_1339 : vector<16xf32> to vector<16xf32>
          tpu.vector_store %arg21[%swap3A_1340], %swap3A_1343 {strides = array<i32>} : memref<336xf32, #tpu.memory_space<vmem>>, vector<16xf32>,
          %gt3A_1344 = arith.cmpf ogt, %select_n3A_1339, %select_n3A_1279 : vector<16xf32>
          %select_n3A_1345 = arith.select %gt3A_1344, %select_n3A_1339, %select_n3A_1279 : vector<16xi1>, vector<16xf32>
          %select_n3A_1346 = arith.select %gt3A_1344, %add3A_1291, %select_n3A_1280 : vector<16xi1>, vector<16xi32>
          scf.yield %select_n3A_1345, %select_n3A_1346 : vector<16xf32>, vector<16xi32>
        }
        %scan3A_889 = arith.constant 5 : i32
        %xor3A_890 = arith.constant 8 : i32
        %xor3A_891 = vector.broadcast %xor3A_890 : i32 to vector<16xi32>
        %xor3A_892 = arith.xori %iota3A, %xor3A_891 : vector<16xi32>
        %broadcast_in_dim3A_893 = vector.shape_cast %xor3A_892 : vector<16xi32> to vector<16x1xi32>
        %gather3A_894 = vector.shape_cast %broadcast_in_dim3A_893 : vector<16x1xi32> to vector<16xi32>
        %gather3A_895 = tpu.dynamic_gather %scan3A_888#0[%gather3A_894] in [0] : vector<16xf32>, vector<16xi32> -> vector<16xf32>
        %broadcast_in_dim3A_896 = vector.shape_cast %xor3A_892 : vector<16xi32> to vector<16x1xi32>
        %gather3A_897 = vector.shape_cast %broadcast_in_dim3A_896 : vector<16x1xi32> to vector<16xi32>
        %gather3A_898 = tpu.dynamic_gather %scan3A_888#1[%gather3A_897] in [0] : vector<16xi32>, vector<16xi32> -> vector<16xi32>
        %gt3A_899 = arith.cmpf ogt, %gather3A_895, %scan3A_888#0 : vector<16xf32>
        %eq3A_900 = arith.cmpf oeq, %gather3A_895, %scan3A_888#0 : vector<16xf32>
        %lt3A_901 = arith.cmpi slt, %gather3A_898, %scan3A_888#1 : vector<16xi32>
        %and3A_902 = arith.andi %eq3A_900, %lt3A_901 : vector<16xi1>
        %or3A_903 = arith.ori %gt3A_899, %and3A_902 : vector<16xi1>
        %select_n3A_904 = arith.select %or3A_903, %gather3A_895, %scan3A_888#0 : vector<16xi1>, vector<16xf32>
        %select_n3A_905 = arith.select %or3A_903, %gather3A_898, %scan3A_888#1 : vector<16xi1>, vector<16xi32>
        %xor3A_906 = arith.constant 4 : i32
        %xor3A_907 = vector.broadcast %xor3A_906 : i32 to vector<16xi32>
        %xor3A_908 = arith.xori %iota3A, %xor3A_907 : vector<16xi32>
        %broadcast_in_dim3A_909 = vector.shape_cast %xor3A_908 : vector<16xi32> to vector<16x1xi32>
        %gather3A_910 = vector.shape_cast %broadcast_in_dim3A_909 : vector<16x1xi32> to vector<16xi32>
        %gather3A_911 = tpu.dynamic_gather %select_n3A_904[%gather3A_910] in [0] : vector<16xf32>, vector<16xi32> -> vector<16xf32>
        %broadcast_in_dim3A_912 = vector.shape_cast %xor3A_908 : vector<16xi32> to vector<16x1xi32>
        %gather3A_913 = vector.shape_cast %broadcast_in_dim3A_912 : vector<16x1xi32> to vector<16xi32>
        %gather3A_914 = tpu.dynamic_gather %select_n3A_905[%gather3A_913] in [0] : vector<16xi32>, vector<16xi32> -> vector<16xi32>
        %gt3A_915 = arith.cmpf ogt, %gather3A_911, %select_n3A_904 : vector<16xf32>
        %eq3A_916 = arith.cmpf oeq, %gather3A_911, %select_n3A_904 : vector<16xf32>
        %lt3A_917 = arith.cmpi slt, %gather3A_914, %select_n3A_905 : vector<16xi32>
        %and3A_918 = arith.andi %eq3A_916, %lt3A_917 : vector<16xi1>
        %or3A_919 = arith.ori %gt3A_915, %and3A_918 : vector<16xi1>
        %select_n3A_920 = arith.select %or3A_919, %gather3A_911, %select_n3A_904 : vector<16xi1>, vector<16xf32>
        %select_n3A_921 = arith.select %or3A_919, %gather3A_914, %select_n3A_905 : vector<16xi1>, vector<16xi32>
        %xor3A_922 = arith.constant 2 : i32
        %xor3A_923 = vector.broadcast %xor3A_922 : i32 to vector<16xi32>
        %xor3A_924 = arith.xori %iota3A, %xor3A_923 : vector<16xi32>
        %broadcast_in_dim3A_925 = vector.shape_cast %xor3A_924 : vector<16xi32> to vector<16x1xi32>
        %gather3A_926 = vector.shape_cast %broadcast_in_dim3A_925 : vector<16x1xi32> to vector<16xi32>
        %gather3A_927 = tpu.dynamic_gather %select_n3A_920[%gather3A_926] in [0] : vector<16xf32>, vector<16xi32> -> vector<16xf32>
        %broadcast_in_dim3A_928 = vector.shape_cast %xor3A_924 : vector<16xi32> to vector<16x1xi32>
        %gather3A_929 = vector.shape_cast %broadcast_in_dim3A_928 : vector<16x1xi32> to vector<16xi32>
        %gather3A_930 = tpu.dynamic_gather %select_n3A_921[%gather3A_929] in [0] : vector<16xi32>, vector<16xi32> -> vector<16xi32>
        %gt3A_931 = arith.cmpf ogt, %gather3A_927, %select_n3A_920 : vector<16xf32>
        %eq3A_932 = arith.cmpf oeq, %gather3A_927, %select_n3A_920 : vector<16xf32>
        %lt3A_933 = arith.cmpi slt, %gather3A_930, %select_n3A_921 : vector<16xi32>
        %and3A_934 = arith.andi %eq3A_932, %lt3A_933 : vector<16xi1>
        %or3A_935 = arith.ori %gt3A_931, %and3A_934 : vector<16xi1>
        %select_n3A_936 = arith.select %or3A_935, %gather3A_927, %select_n3A_920 : vector<16xi1>, vector<16xf32>
        %select_n3A_937 = arith.select %or3A_935, %gather3A_930, %select_n3A_921 : vector<16xi1>, vector<16xi32>
        %xor3A_938 = arith.constant 1 : i32
        %xor3A_939 = vector.broadcast %xor3A_938 : i32 to vector<16xi32>
        %xor3A_940 = arith.xori %iota3A, %xor3A_939 : vector<16xi32>
        %broadcast_in_dim3A_941 = vector.shape_cast %xor3A_940 : vector<16xi32> to vector<16x1xi32>
        %gather3A_942 = vector.shape_cast %broadcast_in_dim3A_941 : vector<16x1xi32> to vector<16xi32>
        %gather3A_943 = tpu.dynamic_gather %select_n3A_936[%gather3A_942] in [0] : vector<16xf32>, vector<16xi32> -> vector<16xf32>
        %broadcast_in_dim3A_944 = vector.shape_cast %xor3A_940 : vector<16xi32> to vector<16x1xi32>
        %gather3A_945 = vector.shape_cast %broadcast_in_dim3A_944 : vector<16x1xi32> to vector<16xi32>
        %gather3A_946 = tpu.dynamic_gather %select_n3A_937[%gather3A_945] in [0] : vector<16xi32>, vector<16xi32> -> vector<16xi32>
        %gt3A_947 = arith.cmpf ogt, %gather3A_943, %select_n3A_936 : vector<16xf32>
        %eq3A_948 = arith.cmpf oeq, %gather3A_943, %select_n3A_936 : vector<16xf32>
        %lt3A_949 = arith.cmpi slt, %gather3A_946, %select_n3A_937 : vector<16xi32>
        %and3A_950 = arith.andi %eq3A_948, %lt3A_949 : vector<16xi1>
        %or3A_951 = arith.ori %gt3A_947, %and3A_950 : vector<16xi1>
        %select_n3A_952 = arith.select %or3A_951, %gather3A_943, %select_n3A_936 : vector<16xi1>, vector<16xf32>
        %select_n3A_953 = arith.select %or3A_951, %gather3A_946, %select_n3A_937 : vector<16xi1>, vector<16xi32>
        %slice3A_954 = vector.extract_strided_slice %select_n3A_952 {offsets = [0], sizes = [1], strides = [1]} : vector<16xf32> to vector<1xf32>
        %squeeze3A_955 = vector.extract %slice3A_954[0] : f32 from vector<1xf32>
        %slice3A_956 = vector.extract_strided_slice %select_n3A_953 {offsets = [0], sizes = [1], strides = [1]} : vector<16xi32> to vector<1xi32>
        %squeeze3A_957 = vector.extract %slice3A_956[0] : i32 from vector<1xi32>
        %sub3A_958 = arith.subi %squeeze3A_957, %mul3A_0 : i32
        %jit3A_959 = arith.constant 0 : i32
        %jit3A_960 = arith.constant 319 : i32
        %max3A_961 = arith.maxsi %jit3A_959, %sub3A_958 : i32
        %min3A_962 = arith.minsi %jit3A_960, %max3A_961 : i32
        %get3A_963 = arith.index_cast %min3A_962 : i32 to index
        %get3A_964 = tpu.vector_load %arg17[%get3A_963] {strides = array<i32>} : memref<336xf32, #tpu.memory_space<vmem>>, vector<16xf32>,
        %get3A_965 = vector.shape_cast %get3A_964 : vector<16xf32> to vector<16xf32>
        %slice3A_966 = vector.extract_strided_slice %get3A_965 {offsets = [0], sizes = [1], strides = [1]} : vector<16xf32> to vector<1xf32>
        %squeeze3A_967 = vector.extract %slice3A_966[0] : f32 from vector<1xf32>
        %get3A_968 = arith.index_cast %min3A_962 : i32 to index
        %get3A_969 = tpu.vector_load %arg18[%get3A_968] {strides = array<i32>} : memref<336xf32, #tpu.memory_space<vmem>>, vector<16xf32>,
        %get3A_970 = vector.shape_cast %get3A_969 : vector<16xf32> to vector<16xf32>
        %slice3A_971 = vector.extract_strided_slice %get3A_970 {offsets = [0], sizes = [1], strides = [1]} : vector<16xf32> to vector<1xf32>
        %squeeze3A_972 = vector.extract %slice3A_971[0] : f32 from vector<1xf32>
        %get3A_973 = arith.index_cast %min3A_962 : i32 to index
        %get3A_974 = tpu.vector_load %arg19[%get3A_973] {strides = array<i32>} : memref<336xf32, #tpu.memory_space<vmem>>, vector<16xf32>,
        %get3A_975 = vector.shape_cast %get3A_974 : vector<16xf32> to vector<16xf32>
        %slice3A_976 = vector.extract_strided_slice %get3A_975 {offsets = [0], sizes = [1], strides = [1]} : vector<16xf32> to vector<1xf32>
        %squeeze3A_977 = vector.extract %slice3A_976[0] : f32 from vector<1xf32>
        %get3A_978 = arith.index_cast %min3A_962 : i32 to index
        %get3A_979 = tpu.vector_load %arg20[%get3A_978] {strides = array<i32>} : memref<336xf32, #tpu.memory_space<vmem>>, vector<16xf32>,
        %get3A_980 = vector.shape_cast %get3A_979 : vector<16xf32> to vector<16xf32>
        %slice3A_981 = vector.extract_strided_slice %get3A_980 {offsets = [0], sizes = [1], strides = [1]} : vector<16xf32> to vector<1xf32>
        %squeeze3A_982 = vector.extract %slice3A_981[0] : f32 from vector<1xf32>
        %convert_element_type3A_983 = arith.sitofp %squeeze3A_957 : i32 to f32
        %get3A_984 = arith.index_cast %min3A_962 : i32 to index
        %get3A_985 = tpu.vector_load %arg11[%get3A_984] {strides = array<i32>} : memref<336xf32, #tpu.memory_space<vmem>>, vector<16xf32>,
        %get3A_986 = vector.shape_cast %get3A_985 : vector<16xf32> to vector<16xf32>
        %slice3A_987 = vector.extract_strided_slice %get3A_986 {offsets = [0], sizes = [1], strides = [1]} : vector<16xf32> to vector<1xf32>
        %squeeze3A_988 = vector.extract %slice3A_987[0] : f32 from vector<1xf32>
        %get3A_989 = arith.index_cast %min3A_962 : i32 to index
        %get3A_990 = tpu.vector_load %arg12[%get3A_989] {strides = array<i32>} : memref<336xf32, #tpu.memory_space<vmem>>, vector<16xf32>,
        %get3A_991 = vector.shape_cast %get3A_990 : vector<16xf32> to vector<16xf32>
        %slice3A_992 = vector.extract_strided_slice %get3A_991 {offsets = [0], sizes = [1], strides = [1]} : vector<16xf32> to vector<1xf32>
        %squeeze3A_993 = vector.extract %slice3A_992[0] : f32 from vector<1xf32>
        %get3A_994 = arith.index_cast %min3A_962 : i32 to index
        %get3A_995 = tpu.vector_load %arg13[%get3A_994] {strides = array<i32>} : memref<336xf32, #tpu.memory_space<vmem>>, vector<16xf32>,
        %get3A_996 = vector.shape_cast %get3A_995 : vector<16xf32> to vector<16xf32>
        %slice3A_997 = vector.extract_strided_slice %get3A_996 {offsets = [0], sizes = [1], strides = [1]} : vector<16xf32> to vector<1xf32>
        %squeeze3A_998 = vector.extract %slice3A_997[0] : f32 from vector<1xf32>
        %get3A_999 = arith.index_cast %min3A_962 : i32 to index
        %get3A_1000 = tpu.vector_load %arg14[%get3A_999] {strides = array<i32>} : memref<336xf32, #tpu.memory_space<vmem>>, vector<16xf32>,
        %get3A_1001 = vector.shape_cast %get3A_1000 : vector<16xf32> to vector<16xf32>
        %slice3A_1002 = vector.extract_strided_slice %get3A_1001 {offsets = [0], sizes = [1], strides = [1]} : vector<16xf32> to vector<1xf32>
        %squeeze3A_1003 = vector.extract %slice3A_1002[0] : f32 from vector<1xf32>
        %get3A_1004 = arith.index_cast %min3A_962 : i32 to index
        %get3A_1005 = tpu.vector_load %arg15[%get3A_1004] {strides = array<i32>} : memref<336xf32, #tpu.memory_space<vmem>>, vector<16xf32>,
        %get3A_1006 = vector.shape_cast %get3A_1005 : vector<16xf32> to vector<16xf32>
        %slice3A_1007 = vector.extract_strided_slice %get3A_1006 {offsets = [0], sizes = [1], strides = [1]} : vector<16xf32> to vector<1xf32>
        %squeeze3A_1008 = vector.extract %slice3A_1007[0] : f32 from vector<1xf32>
        %get3A_1009 = arith.index_cast %min3A_962 : i32 to index
        %get3A_1010 = tpu.vector_load %arg16[%get3A_1009] {strides = array<i32>} : memref<336xi32, #tpu.memory_space<vmem>>, vector<16xi32>,
        %get3A_1011 = vector.shape_cast %get3A_1010 : vector<16xi32> to vector<16xi32>
        %slice3A_1012 = vector.extract_strided_slice %get3A_1011 {offsets = [0], sizes = [1], strides = [1]} : vector<16xi32> to vector<1xi32>
        %squeeze3A_1013 = vector.extract %slice3A_1012[0] : i32 from vector<1xi32>
        %convert_element_type3A_1014 = arith.sitofp %squeeze3A_1013 : i32 to f32
        %broadcast_in_dim3A_1015 = arith.constant 0.000000e+00 : f32
        %broadcast_in_dim3A_1016 = vector.broadcast %broadcast_in_dim3A_1015 : f32 to vector<16xf32>
        %eq3A_1017 = arith.constant 0 : i32
        %eq3A_1018 = vector.broadcast %eq3A_1017 : i32 to vector<16xi32>
        %eq3A_1019 = arith.cmpi eq, %iota3A, %eq3A_1018 : vector<16xi32>
        %broadcast_in_dim3A_1020 = vector.broadcast %squeeze3A_955 : f32 to vector<16xf32>
        %select_n3A_1021 = arith.select %eq3A_1019, %broadcast_in_dim3A_1020, %broadcast_in_dim3A_1016 : vector<16xi1>, vector<16xf32>
        %eq3A_1022 = arith.constant 1 : i32
        %eq3A_1023 = vector.broadcast %eq3A_1022 : i32 to vector<16xi32>
        %eq3A_1024 = arith.cmpi eq, %iota3A, %eq3A_1023 : vector<16xi32>
        %broadcast_in_dim3A_1025 = vector.broadcast %convert_element_type3A_983 : f32 to vector<16xf32>
        %select_n3A_1026 = arith.select %eq3A_1024, %broadcast_in_dim3A_1025, %select_n3A_1021 : vector<16xi1>, vector<16xf32>
        %eq3A_1027 = arith.constant 2 : i32
        %eq3A_1028 = vector.broadcast %eq3A_1027 : i32 to vector<16xi32>
        %eq3A_1029 = arith.cmpi eq, %iota3A, %eq3A_1028 : vector<16xi32>
        %broadcast_in_dim3A_1030 = vector.broadcast %squeeze3A_967 : f32 to vector<16xf32>
        %select_n3A_1031 = arith.select %eq3A_1029, %broadcast_in_dim3A_1030, %select_n3A_1026 : vector<16xi1>, vector<16xf32>
        %eq3A_1032 = arith.constant 3 : i32
        %eq3A_1033 = vector.broadcast %eq3A_1032 : i32 to vector<16xi32>
        %eq3A_1034 = arith.cmpi eq, %iota3A, %eq3A_1033 : vector<16xi32>
        %broadcast_in_dim3A_1035 = vector.broadcast %squeeze3A_972 : f32 to vector<16xf32>
        %select_n3A_1036 = arith.select %eq3A_1034, %broadcast_in_dim3A_1035, %select_n3A_1031 : vector<16xi1>, vector<16xf32>
        %eq3A_1037 = arith.constant 4 : i32
        %eq3A_1038 = vector.broadcast %eq3A_1037 : i32 to vector<16xi32>
        %eq3A_1039 = arith.cmpi eq, %iota3A, %eq3A_1038 : vector<16xi32>
        %broadcast_in_dim3A_1040 = vector.broadcast %squeeze3A_977 : f32 to vector<16xf32>
        %select_n3A_1041 = arith.select %eq3A_1039, %broadcast_in_dim3A_1040, %select_n3A_1036 : vector<16xi1>, vector<16xf32>
        %eq3A_1042 = arith.constant 5 : i32
        %eq3A_1043 = vector.broadcast %eq3A_1042 : i32 to vector<16xi32>
        %eq3A_1044 = arith.cmpi eq, %iota3A, %eq3A_1043 : vector<16xi32>
        %broadcast_in_dim3A_1045 = vector.broadcast %squeeze3A_982 : f32 to vector<16xf32>
        %select_n3A_1046 = arith.select %eq3A_1044, %broadcast_in_dim3A_1045, %select_n3A_1041 : vector<16xi1>, vector<16xf32>
        %eq3A_1047 = arith.constant 6 : i32
        %eq3A_1048 = vector.broadcast %eq3A_1047 : i32 to vector<16xi32>
        %eq3A_1049 = arith.cmpi eq, %iota3A, %eq3A_1048 : vector<16xi32>
        %broadcast_in_dim3A_1050 = vector.broadcast %squeeze3A_988 : f32 to vector<16xf32>
        %select_n3A_1051 = arith.select %eq3A_1049, %broadcast_in_dim3A_1050, %select_n3A_1046 : vector<16xi1>, vector<16xf32>
        %eq3A_1052 = arith.constant 7 : i32
        %eq3A_1053 = vector.broadcast %eq3A_1052 : i32 to vector<16xi32>
        %eq3A_1054 = arith.cmpi eq, %iota3A, %eq3A_1053 : vector<16xi32>
        %broadcast_in_dim3A_1055 = vector.broadcast %squeeze3A_993 : f32 to vector<16xf32>
        %select_n3A_1056 = arith.select %eq3A_1054, %broadcast_in_dim3A_1055, %select_n3A_1051 : vector<16xi1>, vector<16xf32>
        %eq3A_1057 = arith.constant 8 : i32
        %eq3A_1058 = vector.broadcast %eq3A_1057 : i32 to vector<16xi32>
        %eq3A_1059 = arith.cmpi eq, %iota3A, %eq3A_1058 : vector<16xi32>
        %broadcast_in_dim3A_1060 = vector.broadcast %squeeze3A_998 : f32 to vector<16xf32>
        %select_n3A_1061 = arith.select %eq3A_1059, %broadcast_in_dim3A_1060, %select_n3A_1056 : vector<16xi1>, vector<16xf32>
        %eq3A_1062 = arith.constant 9 : i32
        %eq3A_1063 = vector.broadcast %eq3A_1062 : i32 to vector<16xi32>
        %eq3A_1064 = arith.cmpi eq, %iota3A, %eq3A_1063 : vector<16xi32>
        %broadcast_in_dim3A_1065 = vector.broadcast %squeeze3A_1003 : f32 to vector<16xf32>
        %select_n3A_1066 = arith.select %eq3A_1064, %broadcast_in_dim3A_1065, %select_n3A_1061 : vector<16xi1>, vector<16xf32>
        %eq3A_1067 = arith.constant 10 : i32
        %eq3A_1068 = vector.broadcast %eq3A_1067 : i32 to vector<16xi32>
        %eq3A_1069 = arith.cmpi eq, %iota3A, %eq3A_1068 : vector<16xi32>
        %broadcast_in_dim3A_1070 = vector.broadcast %squeeze3A_1008 : f32 to vector<16xf32>
        %select_n3A_1071 = arith.select %eq3A_1069, %broadcast_in_dim3A_1070, %select_n3A_1066 : vector<16xi1>, vector<16xf32>
        %eq3A_1072 = arith.constant 11 : i32
        %eq3A_1073 = vector.broadcast %eq3A_1072 : i32 to vector<16xi32>
        %eq3A_1074 = arith.cmpi eq, %iota3A, %eq3A_1073 : vector<16xi32>
        %broadcast_in_dim3A_1075 = vector.broadcast %convert_element_type3A_1014 : f32 to vector<16xf32>
        %select_n3A_1076 = arith.select %eq3A_1074, %broadcast_in_dim3A_1075, %select_n3A_1071 : vector<16xi1>, vector<16xf32>
        %swap3A_1077 = arith.constant 0 : index
        %swap3A_1078 = tpu.vector_load %arg26[%swap3A_1077] {strides = array<i32>} : memref<16xf32, #tpu.memory_space<vmem>>, vector<16xf32>,
        %swap3A_1079 = vector.shape_cast %swap3A_1078 : vector<16xf32> to vector<16xf32>
        %swap3A_1080 = vector.shape_cast %select_n3A_1076 : vector<16xf32> to vector<16xf32>
        tpu.vector_store %arg26[%swap3A_1077], %swap3A_1080 {strides = array<i32>} : memref<16xf32, #tpu.memory_space<vmem>>, vector<16xf32>,
      } else {
      }
      %jit3A_833 = arith.constant 2 : i32
      %eq3A_834 = arith.constant 0 : i32
      %eq3A_835 = arith.cmpi eq, %jit3A_833, %eq3A_834 : i32
      %jit3A_836 = arith.constant 1 : i32
      %select_n3A_837 = arith.select %eq3A_835, %jit3A_836, %jit3A_833 : i32
      %rem3A = arith.remsi %scan3A_360, %select_n3A_837 : i32
      %ne3A = arith.constant 0 : i32
      %ne3A_838 = arith.cmpi ne, %rem3A, %ne3A : i32
      %lt3A_839 = arith.constant 0 : i32
      %lt3A_840 = arith.cmpi slt, %rem3A, %lt3A_839 : i32
      %lt3A_841 = arith.constant 0 : i32
      %lt3A_842 = arith.cmpi slt, %select_n3A_837, %lt3A_841 : i32
      %ne3A_843 = arith.xori %lt3A_840, %lt3A_842 : i1
      %and3A_844 = arith.andi %ne3A_843, %ne3A_838 : i1
      %add3A_845 = arith.addi %rem3A, %select_n3A_837 : i32
      %select_n3A_846 = arith.select %and3A_844, %add3A_845, %rem3A : i32
      %mul3A_847 = arith.constant 256 : i32
      %mul3A_848 = arith.muli %select_n3A_846, %mul3A_847 : i32
      %mul3A_849 = arith.constant 16 : i32
      %mul3A_850 = arith.muli %arg1, %mul3A_849 : i32
      %add3A_851 = arith.addi %mul3A_848, %mul3A_850 : i32
      "tpu.region"() ({
        %run_scoped3A = tpu.sem_alloc : memref<!tpu.dma_semaphore, #tpu.memory_space<semaphore_mem>>
        %dma_start3A = tpu.memref_slice %arg29[%add3A_851] : memref<768xf32, #tpu.memory_space<vmem_shared>> -> memref<16xf32, #tpu.memory_space<vmem_shared>>
        %dma_start3A_853 = tpu.memref_slice %arg29[%add3A_851] : memref<768xf32, #tpu.memory_space<vmem_shared>> -> memref<16xf32, #tpu.memory_space<vmem_shared>>
        tpu.enqueue_dma source(%arg26 : memref<16xf32, #tpu.memory_space<vmem>>) target(%dma_start3A_853 : memref<16xf32, #tpu.memory_space<vmem_shared>>) target_semaphore(%run_scoped3A : memref<!tpu.dma_semaphore, #tpu.memory_space<semaphore_mem>>)
        %dma_wait3A = tpu.memref_slice %arg29[%add3A_851] : memref<768xf32, #tpu.memory_space<vmem_shared>> -> memref<16xf32, #tpu.memory_space<vmem_shared>>
        %dma_wait3A_854 = tpu.memref_slice %arg29[%add3A_851] : memref<768xf32, #tpu.memory_space<vmem_shared>> -> memref<16xf32, #tpu.memory_space<vmem_shared>>
        tpu.wait_dma2 semaphore(%run_scoped3A : memref<!tpu.dma_semaphore, #tpu.memory_space<semaphore_mem>>) src(%arg26 : memref<16xf32, #tpu.memory_space<vmem>>) dst(%dma_wait3A_854 : memref<16xf32, #tpu.memory_space<vmem_shared>>)
        tpu.yield
      }) : () -> ()
      %barrier3A_852 = arith.constant 0 : index
      tpu.barrier barrier_id(%barrier3A_852)
      "tpu.region"() ({
        %run_scoped3A = tpu.sem_alloc : memref<!tpu.dma_semaphore, #tpu.memory_space<semaphore_mem>>
        %dma_start3A = tpu.memref_slice %arg29[%mul3A_848] : memref<768xf32, #tpu.memory_space<vmem_shared>> -> memref<256xf32, #tpu.memory_space<vmem_shared>>
        %dma_start3A_853 = tpu.memref_slice %arg29[%mul3A_848] : memref<768xf32, #tpu.memory_space<vmem_shared>> -> memref<256xf32, #tpu.memory_space<vmem_shared>>
        tpu.enqueue_dma source(%dma_start3A_853 : memref<256xf32, #tpu.memory_space<vmem_shared>>) target(%arg28 : memref<256xf32, #tpu.memory_space<vmem>>) target_semaphore(%run_scoped3A : memref<!tpu.dma_semaphore, #tpu.memory_space<semaphore_mem>>)
        %dma_wait3A = tpu.memref_slice %arg29[%mul3A_848] : memref<768xf32, #tpu.memory_space<vmem_shared>> -> memref<256xf32, #tpu.memory_space<vmem_shared>>
        %dma_wait3A_854 = tpu.memref_slice %arg29[%mul3A_848] : memref<768xf32, #tpu.memory_space<vmem_shared>> -> memref<256xf32, #tpu.memory_space<vmem_shared>>
        tpu.wait_dma2 semaphore(%run_scoped3A : memref<!tpu.dma_semaphore, #tpu.memory_space<semaphore_mem>>) src(%dma_wait3A_854 : memref<256xf32, #tpu.memory_space<vmem_shared>>) dst(%arg28 : memref<256xf32, #tpu.memory_space<vmem>>)
        tpu.yield
      }) : () -> ()
      scf.yield %add3A_786, %add3A_789 : i32, i32
    }
    %scan3A_357 = arith.constant 30 : i32
    %convert_element_type3A_358 = arith.extui %and3A : i1 to i32
    %cond3A = arith.constant 0 : i32
    %cond3A_359 = arith.cmpi ne, %convert_element_type3A_358, %cond3A : i32
    scf.if %cond3A_359 {
      "tpu.region"() ({
        %run_scoped3A = tpu.sem_alloc : memref<!tpu.dma_semaphore, #tpu.memory_space<semaphore_mem>>
        tpu.enqueue_dma source(%arg23 : memref<176xf32, #tpu.memory_space<vmem>>) target(%arg8 : memref<176xf32, #tpu.memory_space<hbm>>) target_semaphore(%run_scoped3A : memref<!tpu.dma_semaphore, #tpu.memory_space<semaphore_mem>>)
        tpu.wait_dma2 semaphore(%run_scoped3A : memref<!tpu.dma_semaphore, #tpu.memory_space<semaphore_mem>>) src(%arg23 : memref<176xf32, #tpu.memory_space<vmem>>) dst(%arg8 : memref<176xf32, #tpu.memory_space<hbm>>)
        tpu.yield
      }) : () -> ()
      "tpu.region"() ({
        %run_scoped3A = tpu.sem_alloc : memref<!tpu.dma_semaphore, #tpu.memory_space<semaphore_mem>>
        tpu.enqueue_dma source(%arg24 : memref<48xi32, #tpu.memory_space<vmem>>) target(%arg9 : memref<48xi32, #tpu.memory_space<hbm>>) target_semaphore(%run_scoped3A : memref<!tpu.dma_semaphore, #tpu.memory_space<semaphore_mem>>)
        tpu.wait_dma2 semaphore(%run_scoped3A : memref<!tpu.dma_semaphore, #tpu.memory_space<semaphore_mem>>) src(%arg24 : memref<48xi32, #tpu.memory_space<vmem>>) dst(%arg9 : memref<48xi32, #tpu.memory_space<hbm>>)
        tpu.yield
      }) : () -> ()
      "tpu.region"() ({
        %run_scoped3A = tpu.sem_alloc : memref<!tpu.dma_semaphore, #tpu.memory_space<semaphore_mem>>
        tpu.enqueue_dma source(%arg25 : memref<48xi32, #tpu.memory_space<vmem>>) target(%arg10 : memref<48xi32, #tpu.memory_space<hbm>>) target_semaphore(%run_scoped3A : memref<!tpu.dma_semaphore, #tpu.memory_space<semaphore_mem>>)
        tpu.wait_dma2 semaphore(%run_scoped3A : memref<!tpu.dma_semaphore, #tpu.memory_space<semaphore_mem>>) src(%arg25 : memref<48xi32, #tpu.memory_space<vmem>>) dst(%arg10 : memref<48xi32, #tpu.memory_space<hbm>>)
        tpu.yield
      }) : () -> ()
    } else {
    }
    return
  }
}

</mosaic_0001>

<sc_bundles>
// kernel: kernel.3.cloned.1.call-start
scs
__scs_entry_jumppad:
0x0: {  	(pc) =	sbr.rel $0x88, $3  }
0x1: {  	(tag) =	ssettag $0x0;
	lr =	simm.s32 $0x1  }
0x2: {  	[smem:$0x3F9E] =	sst lr;
	_ =	strace $0xD0000000  }
0x3: {  	_ = 	snop  }
0x4: {  	_ = 	snop  }
0x5: {  	_ = 	snop  }
0x6: {  	_ = 	snop  }
0x7: {  	_ = 	snop  }
__scs_overlays_trampoline_lowered:
0x8: {  	[smem:$0x3FAD] =	sst s0  }
0x9: {  	[smem:$0x3FAE] =	sst s1  }
0xa: {  	[smem:$0x3FAF] =	sst s2  }
0xb: {  	[smem:$0x3FB0] =	sst s3  }
0xc: {  	[smem:$0x3FB1] =	sst s4  }
0xd: {  	[smem:$0x3FB2] =	sst s5  }
0xe: {  	[smem:$0x3FB3] =	sst s6  }
0xf: {  	[smem:$0x3FB4] =	sst s7  }
0x10: {  	[smem:$0x3FB5] =	sst s8  }
0x11: {  	[smem:$0x3FB6] =	sst s9;
	s0 =	simm.s32 @!p0 $0x0  }
0x12: {  	s1 =	sld [smem:$0x3F9C];
	s0 =	simm.s32 @p0 $0x1  }
0x13: {  	[smem:$0x3FB7] =	sst s0;
	s0 =	simm.s32 @!p1 $0x0  }
0x14: {  	s2 =	sld [smem:$0x3F9B];
	s0 =	simm.s32 @p1 $0x1  }
0x15: {  	[smem:$0x3FB8] =	sst s0;
	s0 =	simm.s32 @!p2 $0x0  }
0x16: {  	s3 =	sld [smem:$0x3FDB];
	s0 =	simm.s32 @p2 $0x1  }
0x17: {  	s4 =	simm.s32 $0x1BF5;
	[smem:$0x3FBA] =	sst s0  }
0x18: {  	s0 =	sld [smem:$0x3F9D];
	_ =	swait.ge [sflag:s4], $0x0  }
0x19: {  	s7 =	sld [smem:$0x3F9E]  }
0x1a: {  	s8 =	sadd.s32 $0xFFFFE003, lr  }
0x1b: {  	s9 =	sadd.s32 $0xFFFFFEF7, lr;
	s5 =	simm.s32 $0xFFFFFFFF;
	p2 =	slt.u32 s8, $0xFFFFF086  }
0x1c: {  	p1 =	slt.u32 s9, $0xF7A;
	s5 =	simm.s32 @!p2 $0x0  }
0x1d: {  	s5 =	simm.s32 @p1 $0x1;
	p0 =	seq.s32 s7, s2  }
0x1e: {  	s7 =	smul.u32 @!p0 $0xF7A, s2;
	p2 =	seq.s32 @!p0 s5, $0x0  }
0x1f: {  	s9 =	smul.u32 $0xF7A, s1;
	s8 =	simm.s32 @!p0 $0x1BF5;
	p2 =	por !p2, p0  }
0x20: {  	[sflag:s8] =	ssyncset.s32 @!p0 $0xFFFFF086;
	s6 =	sadd.s32 @!p0 s3, s7;
	s7 =	simm.s32 @!p0 $0x108  }
0x21: {  	s3 =	sadd.s32 s3, s9;
	s6 =	sadd.s32 @!p0 $0x88, s6;
	s7 =	simm.s32 @p2 $0x1082  }
0x22: {  	[simem:s7], [sflag:s8] =	dma.local @!p0 [hbm:s6], $0xF7A  }
0x23: {  	s9 =	sor.u32 $0xD0000000, s2;
	s6 =	simm.s32 $0x108;
	_ =	swait.ge @!p0 [sflag:s8], $0x0  }
0x24: {  	s3 =	sadd.s32 $0x88, s3;
	s6 =	simm.s32 @!p1 $0x1082;
	[sflag:s4] =	ssyncset.s32 $0xFFFFF086  }
0x25: {  	[simem:s6], [sflag:s4] =	dma.local [hbm:s3], $0xF7A  }
0x26: {  	[smem:$0x3F9E] =	sst s1;
	(tag) =	ssettag s2;
	_ =	strace s9  }
0x27: {  	s1 =	sld [smem:$0x3FAE]  }
0x28: {  	s2 =	sld [smem:$0x3FAF]  }
0x29: {  	s4 =	sld [smem:$0x3FB1]  }
0x2a: {  	p0 =	seq.s32 s5, $0x0;
	s5 =	sld [smem:$0x3FB2]  }
0x2b: {  	s6 =	sld [smem:$0x3FB3]  }
0x2c: {  	s7 =	sld [smem:$0x3FB4]  }
0x2d: {  	s3 =	simm.s32 $0x108;
	s8 =	sld [smem:$0x3FB5]  }
0x2e: {  	s3 =	simm.s32 @!p0 $0x1082;
	s9 =	sld [smem:$0x3FB6]  }
0x2f: {  	lr =	sadd.s32 s0, s3;
	s0 =	sld [smem:$0x3FAD]  }
0x30: {  	s3 =	sld [smem:$0x3FB0]  }
0x31: {  	[smem:$0x3FB9] =	sst s10  }
0x32: {  	s10 =	sld [smem:$0x3FB7];
	_ =	sdelay $0x3  }
0x33: {  	p0 =	seq.s32 s10, $0x1;
	s10 =	sld [smem:$0x3FB9];
	_ =	sdelay $0x3  }
0x34: {  	[smem:$0x3FB9] =	sst s10  }
0x35: {  	s10 =	sld [smem:$0x3FB8];
	_ =	sdelay $0x3  }
0x36: {  	p1 =	seq.s32 s10, $0x1;
	s10 =	sld [smem:$0x3FB9];
	_ =	sdelay $0x3  }
0x37: {  	[smem:$0x3FB9] =	sst s10  }
0x38: {  	s10 =	sld [smem:$0x3FBA]  }
0x39: {  	_ = 	snop;
	(pc) =	sbr.ind lr, $3  }
0x3a: {  	_ = 	snop  }
0x3b: {  	_ = 	snop  }
0x3c: {  	p2 =	seq.s32 s10, $0x1;
	s10 =	sld [smem:$0x3FB9]  }
0x3d: {  	_ =	shalt  }
0x3e: {  	_ =	shalt  }
0x3f: {  	_ =	shalt  }
0x40: {  	_ =	shalt  }
0x41: {  	_ =	shalt  }
0x42: {  	_ =	shalt  }
0x43: {  	_ =	shalt  }
0x44: {  	_ =	shalt  }
0x45: {  	_ =	shalt  }
0x46: {  	_ =	shalt  }
0x47: {  	_ =	shalt  }
0x48: {  	_ =	shalt  }
0x49: {  	_ =	shalt  }
0x4a: {  	_ =	shalt  }
0x4b: {  	_ =	shalt  }
0x4c: {  	_ =	shalt  }
0x4d: {  	_ =	shalt  }
0x4e: {  	_ =	shalt  }
0x4f: {  	_ =	shalt  }
0x50: {  	_ =	shalt  }
0x51: {  	_ =	shalt  }
0x52: {  	_ =	shalt  }
0x53: {  	_ =	shalt  }
0x54: {  	_ =	shalt  }
0x55: {  	_ =	shalt  }
0x56: {  	_ =	shalt  }
0x57: {  	_ =	shalt  }
0x58: {  	_ =	shalt  }
0x59: {  	_ =	shalt  }
0x5a: {  	_ =	shalt  }
0x5b: {  	_ =	shalt  }
0x5c: {  	_ =	shalt  }
0x5d: {  	_ =	shalt  }
0x5e: {  	_ =	shalt  }
0x5f: {  	_ =	shalt  }
0x60: {  	_ =	shalt  }
0x61: {  	_ =	shalt  }
0x62: {  	_ =	shalt  }
0x63: {  	_ =	shalt  }
0x64: {  	_ =	shalt  }
0x65: {  	_ =	shalt  }
0x66: {  	_ =	shalt  }
0x67: {  	_ =	shalt  }
0x68: {  	_ =	shalt  }
0x69: {  	_ =	shalt  }
0x6a: {  	_ =	shalt  }
0x6b: {  	_ =	shalt  }
0x6c: {  	_ =	shalt  }
0x6d: {  	_ =	shalt  }
0x6e: {  	_ =	shalt  }
0x6f: {  	_ =	shalt  }
0x70: {  	_ =	shalt  }
0x71: {  	_ =	shalt  }
0x72: {  	_ =	shalt  }
0x73: {  	_ =	shalt  }
0x74: {  	_ =	shalt  }
0x75: {  	_ =	shalt  }
0x76: {  	_ =	shalt  }
0x77: {  	_ =	shalt  }
0x78: {  	_ =	shalt  }
0x79: {  	_ =	shalt  }
0x7a: {  	_ =	shalt  }
0x7b: {  	_ =	shalt  }
0x7c: {  	_ =	shalt  }
0x7d: {  	_ =	shalt  }
0x7e: {  	_ =	shalt  }
0x7f: {  	_ =	shalt  }
0x80: {  	_ =	shalt  }
0x81: {  	_ =	shalt  }
0x82: {  	_ =	shalt  }
0x83: {  	_ =	shalt  }
0x84: {  	_ =	shalt  }
0x85: {  	_ =	shalt  }
0x86: {  	_ =	shalt  }
0x87: {  	_ =	shalt  }
.Lfunc_end0:
.L_simem_size_0:
called_computation_lowered:
.L_overlay_start_0:
0x88: {  	s0 =	sld [smem:$0x3FD9]  }
0x89: {  	s1 =	sld [smem:$0x3FFE];
	_ =	sdelay $0x3  }
0x8a: {  	s0 =	sadd.s32 s1, s0  }
0x8b: {  	[smem:$0x3FC5] =	sst s0  }
0x8c: {  	_ = 	snop  }
0x8d: {  	s0 =	sld [smem:$0x3FD0];
	_ =	sdelay $0x2  }
0x8e: {  	s13 =	simm.s32 $0xA;
	s2 =	simm.s32 $0x10  }
0x8f: {  	[smem:s2], [sflag:s13] =	dma.local [hbm:s0], $0x1  }
0x90: {  	_ =	swait.eq [sflag:s13], $0x1  }
0x91: {  	s14 =	sld [smem:$0x10];
	[sflag:s13] =	ssyncset.done $0x0  }
0x92: {  	s15 =	sld [smem:$0x11];
	[sflag:s13] =	ssyncadd.s32 $0xFFFFFFFF  }
0x93: {  	s16 =	sld [smem:$0x12];
	(tm) =	ssettm $0x1  }
0x94: {  	s3 =	sld [smem:$0x3FFB];
	_ =	sdelay $0x3  }
0x95: {  	_ =	strace s3  }
0x96: {  	s3 =	sld [smem:$0x3FFC];
	_ =	sdelay $0x3  }
0x97: {  	_ =	strace s3  }
0x98: {  	s3 =	sld [smem:$0x3FFD];
	_ =	sdelay $0x3  }
0x99: {  	_ =	strace s3  }
0x9a: {  	_ =	strace $0x8FFFFFFF  }
0x9b: {  	s17 =	sld [smem:$0x3FDB];
	_ =	sdelay $0x1  }
0x9c: {  	s4 =	simm.s32 $_scs_section_size  }
0x9d: {  	s5 =	simm.s32 $_size__tile_overlayer_lowered;
	s6 =	simm.s32 $_tile_overlayer_lowered  }
0x9e: {  	s20 =	simm.s32 $0x1BFF;
	s19 =	sshll.u32 s6, $0x1;
	s3 =	sadd.s32 s4, s17  }
0x9f: {  	s7 =	simm.s32 $0x0;
	s18 =	sshll.u32 s5, $0x1;
	s5 =	sadd.s32 s19, s3  }
0xa0: {  	[timem:s7], [sflag:s20] =	dma.local [hbm:s5], s18  }
0xa1: {  	_ =	swait.ge [sflag:s20], s18  }
0xa2: {  	s4 =	ssub.s32 $0x0, s18;
	[sflag:s20] =	ssyncset.done $0x0  }
0xa3: {  	[sflag:s20] =	ssyncadd.s32 s4;
	_ =	sdelay $0x1  }
0xa4: {  	s21 =	simm.s32 $0x1B8B  }
0xa5: {  	_ =	swait.ge [sflag:s21], $0x1  }
0xa6: {  	[sflag:s21] =	ssyncset.done $0x0  }
0xa7: {  	s23 =	simm.s32 $0x1B8E;
	s22 =	sld [smem:$0x3FFE];
	[sflag:s21] =	ssyncadd.s32 $0xFFFFFFFF  }
0xa8: {  	s24 =	simm.s32 $execute0_lowered;
	[smem:$0x3FD2] =	sst s23  }
0xa9: {  	s5 =	sshll.u32 s24, $0x1;
	_ =	strace $0x80000046;
	[dreg:$0x1] =	wrdreg $0xFFFFFFFF  }
0xaa: {  	s25 =	simm.s32 $_size_execute0_lowered;
	s3 =	sadd.s32 s3, s5;
	[dreg:$0x0] =	wrdreg $0x0  }
0xab: {  	s5 =	sshll.u32 s25, $0x1;
	[dreg:$0x2] =	wrdreg s3  }
0xac: {  	[dreg:$0x3] =	wrdreg s5  }
0xad: {  	[dreg:$0x4] =	wrdreg $0xC0  }
0xae: {  	_ =	task [dreg:s7], $0x5FFFF  }
0xaf: {  	[dreg:$0x1] =	wrdreg $0xFFFFFFFF  }
0xb0: {  	[dreg:$0x0] =	wrdreg $0x60  }
0xb1: {  	[dreg:$0x2] =	wrdreg s22  }
0xb2: {  	[dreg:$0x3] =	wrdreg s14  }
0xb3: {  	[dreg:$0x4] =	wrdreg s15  }
0xb4: {  	[dreg:$0x5] =	wrdreg s16  }
0xb5: {  	[dreg:$0x6] =	wrdreg $0x16000  }
0xb6: {  	[dreg:$0x7] =	wrdreg $0x9  }
0xb7: {  	_ =	task.clear_ibuf [dreg:s7], $0x8FFFF;
	_ =	strace $0x90000046  }
0xb8: {  	s26 =	simm.s32 $0x9;
	_ =	strace $0x80000048  }
0xb9: {  	_ =	swait.ge [sflag:s26], $0x1  }
0xba: {  	[sflag:s26] =	ssyncadd.s32 $0xFFFFFFFF  }
0xbb: {  	_ =	strace $0x90000048  }
0xbc: {  	_ =	sfence  }
0xbd: {  	s28 =	sld [smem:$0x0];
	_ =	sdelay $0x1  }
0xbe: {  	s29 =	srdreg.scid  }
0xbf: {  	s30 =	sshll.u32 s29, $0xD;
	s31 =	sshrl.u32 s29, $0x2  }
0xc0: {  	s1 =	sand.u32 $0x1, s29;
	s2 =	sand.u32 $0x4000, s30;
	s0 =	sadd.s32 s31, s28  }
0xc1: {  	s1 =	sor.u32 s2, s1;
	s0 =	sshll.u32 s0, $0x11  }
0xc2: {  	s0 =	sor.u32 s0, s1  }
0xc3: {  	s0 =	sadd.s32 $0x8F2B, s0  }
0xc4: {  	[sflag:s0] =	ssyncadd.remote.s32 $0x1  }
0xc5: {  	_ =	sfence.sel $0xFFFF  }
0xc6: {  	[dreg:$0x0] =	wrdreg $0xFFFFFFFF;
	(pc) =	sbr.abs _section_cstart, $3  }
0xc7: {  	[dreg:$0x1] =	wrdreg $0xFFFFFFFF  }
0xc8: {  	_ =	task.clear_ibuf [dreg:s7], $0x2FFFF;
	_ =	strace $0x9FFFFFFF  }
0xc9: {  	(tm) =	ssettm $0x7FFFFFFF  }
tec
execute0_lowered:
.L_overlay_start_1:
0x0: {  	(tag) =	ssettag $0x1  }
0x1: {  	s6 =	rddreg [dreg:$0x0]  }
0x2: {  	s3 =	rddreg [dreg:$0x1]  }
0x3: {  	s2 =	rddreg [dreg:$0x2];
	s13 =	stileid.u32  }
0x4: {  	s1 =	rddreg [dreg:$0x3];
	s4 =	smul.u32 $0x140, s13  }
0x5: {  	s5 =	rddreg [dreg:$0x4]  }
0x6: {  	s0 =	rddreg [dreg:$0x5];
	s7 =	simm.s32 $0x0;
	s8 =	sshrl.u32 s4, $0x3  }
0x7: {  	[smem:$0x7FF] =	sst s7;
	s6 =	sadd.s32 s8, s6  }
0x8: {  	s22 =	simm.s32 $0x1;
	_ =	strace $0x80000047;
	s8 =	sadd.s32 $0x1200, s6  }
0x9: {  	[tilespmem:s7], [sflag:$0x1] =	stream.linear.gather [hbm4b:s8+s7], $0x140, $0x38;
	[tilespmem:$0x1630] =	vst v63  }
0xa: {  	_ =	swait.ge [sflag:s22], $0x140  }
0xb: {  	[sflag:s22] =	ssyncset.done $0x0  }
0xc: {  	s10 =	simm.s32 $0x180;
	s9 =	sadd.s32 $0x1600, s6;
	[sflag:s22] =	ssyncadd.s32 $0xFFFFFEC0  }
0xd: {  	[tilespmem:s10], [sflag:$0x1] =	stream.linear.gather [hbm4b:s9+s7], $0x140, $0x38;
	[tilespmem:$0x1630] =	vst v63  }
0xe: {  	_ =	swait.ge [sflag:s22], $0x140  }
0xf: {  	[sflag:s22] =	ssyncset.done $0x0  }
0x10: {  	s24 =	simm.s32 $0x300;
	s23 =	sadd.s32 $0x1A00, s6;
	[sflag:s22] =	ssyncadd.s32 $0xFFFFFEC0  }
0x11: {  	[tilespmem:s24], [sflag:$0x1] =	stream.linear.gather [hbm4b:s23+s7], $0x140, $0x38;
	[tilespmem:$0x1630] =	vst v63  }
0x12: {  	_ =	swait.ge [sflag:s22], $0x140  }
0x13: {  	[sflag:s22] =	ssyncset.done $0x0  }
0x14: {  	s26 =	simm.s32 $0x480;
	s25 =	sadd.s32 $0x1E00, s6;
	[sflag:s22] =	ssyncadd.s32 $0xFFFFFEC0  }
0x15: {  	[tilespmem:s26], [sflag:$0x1] =	stream.linear.gather [hbm4b:s25+s7], $0x140, $0x38;
	[tilespmem:$0x1630] =	vst v63  }
0x16: {  	_ =	swait.ge [sflag:s22], $0x140  }
0x17: {  	[sflag:s22] =	ssyncset.done $0x0  }
0x18: {  	s29 =	simm.s32 $0x600;
	s28 =	sadd.s32 $0x2200, s6;
	[sflag:s22] =	ssyncadd.s32 $0xFFFFFEC0  }
0x19: {  	[tilespmem:s29], [sflag:$0x1] =	stream.linear.gather [hbm4b:s28+s7], $0x140, $0x38;
	[tilespmem:$0x1630] =	vst v63  }
0x1a: {  	_ =	swait.ge [sflag:s22], $0x140  }
0x1b: {  	[sflag:s22] =	ssyncset.done $0x0  }
0x1c: {  	s30 =	simm.s32 $0x780;
	s6 =	sadd.s32 $0x2600, s6;
	[sflag:s22] =	ssyncadd.s32 $0xFFFFFEC0  }
0x1d: {  	[tilespmem:s30], [sflag:$0x1] =	stream.linear.gather [hbm4b:s6+s7], $0x140, $0x38;
	[tilespmem:$0x1630] =	vst v63  }
0x1e: {  	_ =	swait.ge [sflag:s22], $0x140  }
0x1f: {  	[sflag:s22] =	ssyncset.done $0x0  }
0x20: {  	s31 =	simm.s32 $0x0;
	[sflag:s22] =	ssyncadd.s32 $0xFFFFFEC0  }
0x21: {  	v1 =	vld [tilespmem:s31+$0x300]  }
0x22: {  	v0 =	vimm.f32 $-1.000000020e+30;
	s6 =	simm.s32 $0x40;
	v2 =	vld [tilespmem:s31+$0x480]  }
.LBB2_1:
0x23: {  	p0 =	sne.s32 s6, $0x4C0  }
.Ltmp0:
0x24: {  	_ = 	snop;
	(pc) =	sbr.rel @p0 .LBB2_1-.Ltmp0, $4  }
0x25: {  	_ = 	snop  }
0x26: {  	s7 =	sshra.s32 s6, $0x2  }
0x27: {  	s6 =	sadd.s32 $0x40, s6;
	v3 =	vmax.f32 v1, v2;
	v1 =	vld [tilespmem:s7+$0x300]  }
0x28: {  	v2 =	vld [tilespmem:s7+$0x480];
	v0 =	vmax.f32 v0, v3  }
0x29: {  	v3 =	vimm.s32 $0xFEDCBA98  }
0x2a: {  	v4 =	vimm.s32 $0x76543210;
	v3 =	vunpack.c.l.s4.s8 v3  }
0x2b: {  	v4 =	vunpack.c.l.s4.s8 v4  }
0x2c: {  	v3 =	vunpack.c.0.s8.s32 v3  }
0x2d: {  	v4 =	vunpack.c.0.s8.s32 v4  }
0x2e: {  	v1 =	vmax.f32 v1, v2;
	v2 =	vand.u32 $0xF, v3  }
0x2f: {  	v3 =	vimm.s32 $0xBA98FEDC;
	v2 =	vcombine.low v2, v4;
	v4 =	vimm.s32 $0x32107654  }
0x30: {  	v0 =	vmax.f32 v0, v1;
	v3 =	vunpack.c.l.s4.s8 v3;
	v1 =	vunpack.c.l.s4.s8 v4  }
0x31: {  	v5 =	vimm.s32 $0x54761032;
	v4 =	vimm.s32 $0xDCFE98BA;
	v2 =	vperm.xlane v0, v2  }
0x32: {  	v3 =	vunpack.c.0.s8.s32 v3;
	v4 =	vunpack.c.l.s4.s8 v4;
	v1 =	vunpack.c.0.s8.s32 v1  }
0x33: {  	v5 =	vunpack.c.l.s4.s8 v5  }
0x34: {  	v0 =	vmax.f32 v0, v2;
	v2 =	vunpack.c.0.s8.s32 v4;
	v1 =	vcombine.low v1, v3  }
0x35: {  	v4 =	vimm.s32 $0xEFCDAB89;
	v3 =	vunpack.c.0.s8.s32 v5;
	v5 =	vimm.s32 $0x67452301  }
0x36: {  	v4 =	vunpack.c.l.s4.s8 v4;
	v5 =	vunpack.c.l.s4.s8 v5;
	v1 =	vperm.xlane v0, v1  }
0x37: {  	v2 =	vcombine.low v3, v2  }
0x38: {  	v3 =	vunpack.c.0.s8.s32 v5;
	v0 =	vmax.f32 v0, v1;
	v1 =	vunpack.c.0.s8.s32 v4  }
0x39: {  	v2 =	vperm.xlane v0, v2  }
0x3a: {  	v1 =	vcombine.low v3, v1  }
0x3b: {  	v0 =	vmax.f32 v0, v2  }
0x3c: {  	v1 =	vperm.xlane v0, v1;
	_ =	sdelay $0x1  }
0x3d: {  	s6 =	sshll.u32 s13, $0x4;
	vm0 =	vmmov $0x1;
	v0 =	vmax.f32 v0, v1  }
0x3e: {  	s10 =	sadd.s32 s6, s5;
	v0 =	vnsel vm0, $0x0, v0  }
0x3f: {  	s8 =	simm.s32 $0x1400;
	s9 =	simm.s32 $0x1;
	s7 =	sadd.s32 $0x200, s10;
	[tilespmem:$0x1400] =	vst v0  }
0x40: {  	[spmem:s7] =	stream.linear.scatter [tilespmem:s8], [sflag:$0x1], $0x10, $0x38;
	[tilespmem:$0x1630] =	vst v63  }
0x41: {  	_ =	swait.ge [sflag:s9], $0x10  }
0x42: {  	[sflag:s9] =	ssyncset.done $0x0  }
0x43: {  	[sflag:s9] =	ssyncadd.s32 $0xFFFFFFF0  }
0x44: {  	s11 =	simm.s32 $0x1500;
	s8 =	sadd.s32 $0x200, s5;
	[bflag:$0x0] =	sbarrier.arrive $0xFFFF  }
0x45: {  	[tilespmem:s11], [sflag:$0x1] =	stream.linear.gather [spmem:s8], $0x100, $0x38;
	[tilespmem:$0x1630] =	vst v63  }
0x46: {  	_ =	swait.ge [sflag:s9], $0x100  }
0x47: {  	[sflag:s9] =	ssyncset.done $0x0  }
0x48: {  	[sflag:s9] =	ssyncadd.s32 $0xFFFFFF00  }
0x49: {  	v0 =	vld [tilespmem:$0x1500]  }
0x4a: {  	v1 =	vld [tilespmem:$0x1510]  }
0x4b: {  	v2 =	vld [tilespmem:$0x1520]  }
0x4c: {  	v3 =	vld [tilespmem:$0x1530]  }
0x4d: {  	v4 =	vld [tilespmem:$0x1540]  }
0x4e: {  	(v2sf) =	vpush v0, $0x0;
	v0 =	vld [tilespmem:$0x1550]  }
0x4f: {  	(v2sf) =	vpush v1, $0x0;
	v1 =	vld [tilespmem:$0x1560]  }
0x50: {  	(v2sf) =	vpush v2, $0x0;
	v2 =	vld [tilespmem:$0x1570]  }
0x51: {  	(v2sf) =	vpush v3, $0x0;
	v3 =	vld [tilespmem:$0x1580]  }
0x52: {  	(v2sf) =	vpush v4, $0x0;
	v4 =	vld [tilespmem:$0x1590]  }
0x53: {  	(v2sf) =	vpush v0, $0x0;
	v0 =	vld [tilespmem:$0x15A0]  }
0x54: {  	(v2sf) =	vpush v1, $0x0;
	v1 =	vld [tilespmem:$0x15B0]  }
0x55: {  	(v2sf) =	vpush v2, $0x0;
	v2 =	vld [tilespmem:$0x15C0]  }
0x56: {  	(v2sf) =	vpush v3, $0x0;
	v3 =	vld [tilespmem:$0x15D0]  }
0x57: {  	(v2sf) =	vpush v4, $0x0;
	v4 =	vld [tilespmem:$0x15E0]  }
0x58: {  	(v2sf) =	vpush v0, $0x0;
	v0 =	vld [tilespmem:$0x15F0]  }
0x59: {  	(v2sf) =	vpush v1, $0x0  }
0x5a: {  	(v2sf) =	vpush v2, $0x0  }
0x5b: {  	(v2sf) =	vpush v3, $0x0  }
0x5c: {  	(v2sf) =	vpush v4, $0x0  }
0x5d: {  	s14 =	spop (v2sf);
	(v2sf) =	vpush v0, $0x0  }
0x5e: {  	s15 =	spop (v2sf);
	s9 =	smax.f32 s14, $-3.000000010e+38  }
0x5f: {  	s12 =	spop (v2sf);
	s9 =	smax.f32 s9, s15  }
0x60: {  	s16 =	spop (v2sf);
	s9 =	smax.f32 s9, s12  }
0x61: {  	s17 =	spop (v2sf);
	s9 =	smax.f32 s9, s16  }
0x62: {  	s18 =	spop (v2sf);
	s9 =	smax.f32 s9, s17  }
0x63: {  	s19 =	spop (v2sf);
	s9 =	smax.f32 s9, s18  }
0x64: {  	s20 =	spop (v2sf);
	s9 =	smax.f32 s9, s19  }
0x65: {  	s21 =	spop (v2sf);
	s9 =	smax.f32 s9, s20  }
0x66: {  	s11 =	simm.s32 $0x10;
	v0 =	vlaneseq.u32;
	s22 =	spop (v2sf);
	s9 =	smax.f32 s9, s21  }
0x67: {  	v15 =	vld [tilespmem:s11+$0x600];
	v3 =	vor.u32 s4, v0;
	s23 =	spop (v2sf);
	s9 =	smax.f32 s9, s22  }
0x68: {  	v16 =	vld [tilespmem:s11+$0x780];
	s14 =	simm.s32 $0x0;
	v4 =	vcvt.s32.f32 v3;
	s24 =	spop (v2sf);
	s9 =	smax.f32 s9, s23  }
0x69: {  	v1 =	vld [tilespmem:s14+$0x600];
	s25 =	spop (v2sf);
	s9 =	smax.f32 s9, s24  }
0x6a: {  	v2 =	vld [tilespmem:s14+$0x780];
	v4 =	vadd.f32 $2.000000000e+00, v4;
	s26 =	spop (v2sf);
	s9 =	smax.f32 s9, s25  }
0x6b: {  	v11 =	vld [tilespmem:s11+$0x0];
	s28 =	spop (v2sf);
	s9 =	smax.f32 s9, s26  }
0x6c: {  	v7 =	vld [tilespmem:s11+$0x180];
	v6 =	vsub.f32 $0.0e+00, v4;
	s9 =	smax.f32 s9, s28;
	s29 =	spop (v2sf)  }
0x6d: {  	v5 =	vld [tilespmem:s14+$0x0];
	vm1 =	vlt.u32 v3, $0x1388;
	s9 =	smax.f32 s9, s29  }
0x6e: {  	v10 =	vimm.f32 $-1.000000020e+30;
	v12 =	vld [tilespmem:s14+$0x180];
	v8 =	vnsel vm1, $0xF149F2CA, v6;
	vm1 =	vge.f32 v1, $2.000000030e-01;
	s30 =	sadd.f32 $1.000000000e+00, s9;
	s9 =	sadd.s32 $0x10, s4  }
0x6f: {  	v13 =	vld [tilespmem:s14+$0x300];
	v2 =	vcvt.s32.f32 v2;
	v17 =	vsel vm1, v1, v8;
	v19 =	vor.u32 s9, v0  }
0x70: {  	v14 =	vld [tilespmem:s14+$0x480];
	v1 =	vnsel vm1, $0xF149F2CA, v1;
	s31 =	sadd.s32 $0x10, s9;
	v4 =	vmov s30;
	v9 =	vcvt.s32.f32 v19  }
0x71: {  	v8 =	vld [tilespmem:s11+$0x300];
	[tilespmem:s14+$0x1080] =	vst v17;
	v17 =	vimm.s32 $0x0;
	v6 =	vor.u32 s31, v0;
	v2 =	vmul.f32 v2, v4  }
0x72: {  	vm1 =	vgt.f32 v1, v10;
	v20 =	vcvt.s32.f32 v6;
	v18 =	vadd.f32 $2.000000000e+00, v9  }
0x73: {  	v21 =	vsel vm1, v1, v10;
	v9 =	vld [tilespmem:s11+$0x480];
	[tilespmem:s14+$0xF00] =	vst v1;
	v1 =	vsel vm1, v3, v17;
	v22 =	vadd.f32 v2, v5  }
0x74: {  	s16 =	sadd.s32 $0x10, s31;
	vm1 =	vlt.u32 v19, $0x1388;
	v20 =	vadd.f32 $2.000000000e+00, v20;
	v18 =	vsub.f32 $0.0e+00, v18  }
0x75: {  	v5 =	vor.u32 s16, v0;
	v12 =	vadd.f32 v2, v12;
	v63 =	vadd.f32 v13, v2  }
0x76: {  	s12 =	simm.s32 $0x20;
	v17 =	vnsel vm1, $0xF149F2CA, v18;
	vm1 =	vge.f32 v15, $2.000000030e-01;
	v18 =	vadd.f32 v14, v2  }
0x77: {  	v10 =	vld [tilespmem:s12+$0x600];
	[tilespmem:s14+$0x900] =	vst v22;
	v2 =	vcvt.s32.f32 v16;
	v14 =	vsub.f32 $0.0e+00, v20;
	v3 =	vnsel vm1, $0xF149F2CA, v15  }
0x78: {  	v13 =	vld [tilespmem:s12+$0x780];
	[tilespmem:s14+$0xA80] =	vst v12;
	v17 =	vsel vm1, v15, v17;
	v15 =	vcvt.s32.f32 v5;
	vm1 =	vgt.f32 v3, v21  }
0x79: {  	s15 =	simm.s32 $0xC0;
	s17 =	simm.s32 $0x100;
	s16 =	sadd.s32 $0x10, s16;
	v12 =	vld [tilespmem:s12+$0x0];
	[tilespmem:s14+$0xC00] =	vst v63;
	v16 =	vmul.f32 v2, v4;
	v2 =	vsel vm1, v3, v21;
	v1 =	vsel vm1, v19, v1  }
.LBB2_3:
0x7a: {  	v19 =	vadd.f32 $2.000000000e+00, v15;
	vm1 =	vlt.u32 v6, $0x1388  }
0x7b: {  	[tilespmem:s14+$0xD80] =	vst v18;
	v20 =	vmovc v6;
	v6 =	vmovc v5;
	v5 =	vor.u32 s16, v0;
	v15 =	vmov v7;
	v7 =	vld [tilespmem:s12+$0x180];
	v18 =	vmov v8;
	s14 =	smov.u32 s11;
	s11 =	smov.u32 s12;
	p0 =	sne.s32 s17, $0x4C0  }
.Ltmp1:
0x7c: {  	v8 =	vld [tilespmem:s11+$0x300];
	v14 =	vnsel vm1, $0xF149F2CA, v14;
	v23 =	vadd.f32 v16, v11;
	v21 =	vadd.f32 v16, v15;
	[tilespmem:s14+$0x1080] =	vst v17;
	(pc) =	sbr.rel @p0 .LBB2_3-.Ltmp1, $4  }
0x7d: {  	s12 =	sshra.s32 s15, $0x2;
	s15 =	smov.u32 s17;
	v22 =	vadd.f32 v18, v16;
	v18 =	vadd.f32 v9, v16;
	vm1 =	vge.f32 v10, $2.000000030e-01;
	v9 =	vld [tilespmem:s11+$0x480];
	[tilespmem:s14+$0xF00] =	vst v3  }
0x7e: {  	v16 =	vcvt.s32.f32 v13;
	v3 =	vnsel vm1, $0xF149F2CA, v10;
	v17 =	vsel vm1, v10, v14;
	v10 =	vld [tilespmem:s12+$0x600];
	[tilespmem:s14+$0x900] =	vst v23  }
0x7f: {  	v15 =	vcvt.s32.f32 v5;
	v14 =	vsub.f32 $0.0e+00, v19;
	v13 =	vld [tilespmem:s12+$0x780];
	vm1 =	vgt.f32 v3, v2;
	[tilespmem:s14+$0xA80] =	vst v21;
	v11 =	vmovc v12  }
0x80: {  	s16 =	sadd.s32 $0x10, s16;
	s17 =	sadd.s32 $0x40, s17;
	v12 =	vld [tilespmem:s12+$0x0];
	v16 =	vmul.f32 v16, v4;
	v2 =	vsel vm1, v3, v2;
	v1 =	vsel vm1, v20, v1;
	[tilespmem:s14+$0xC00] =	vst v22  }
0x81: {  	v19 =	vld [tilespmem:s12+$0x180];
	[tilespmem:s14+$0xD80] =	vst v18  }
0x82: {  	v18 =	vld [tilespmem:s12+$0x300];
	[tilespmem:s11+$0x1080] =	vst v17  }
0x83: {  	s24 =	sshra.s32 s15, $0x2;
	v17 =	vld [tilespmem:s12+$0x480];
	[tilespmem:s11+$0xF00] =	vst v3  }
0x84: {  	v20 =	vld [tilespmem:s24+$0x600];
	_ =	sdelay $0x1  }
0x85: {  	v0 =	vimm.s32 $0xFEDCBA98  }
0x86: {  	v0 =	vunpack.c.l.s4.s8 v0;
	vm2 =	vge.f32 v10, $2.000000030e-01;
	v3 =	vimm.s32 $0x76543210  }
0x87: {  	v23 =	vimm.s32 $0x32107654;
	v21 =	vnsel vm2, $0xF149F2CA, v10;
	v3 =	vunpack.c.l.s4.s8 v3  }
0x88: {  	v0 =	vunpack.c.0.s8.s32 v0;
	vm3 =	vgt.f32 v21, v2;
	vm1 =	vge.f32 v20, $2.000000030e-01  }
0x89: {  	v2 =	vsel vm3, v21, v2;
	v3 =	vunpack.c.0.s8.s32 v3;
	v22 =	vnsel vm1, $0xF149F2CA, v20  }
0x8a: {  	v1 =	vsel vm3, v6, v1;
	v0 =	vand.u32 $0xF, v0;
	vm4 =	vgt.f32 v22, v2  }
0x8b: {  	v0 =	vcombine.low v0, v3;
	v3 =	vimm.s32 $0xBA98FEDC;
	v2 =	vsel vm4, v22, v2  }
0x8c: {  	v24 =	vsel vm4, v5, v1;
	v1 =	vunpack.c.l.s4.s8 v3;
	v3 =	vunpack.c.l.s4.s8 v23  }
0x8d: {  	v44 =	vperm.xlane v2, v0;
	v25 =	vperm.xlane v24, v0  }
0x8e: {  	v1 =	vunpack.c.0.s8.s32 v1;
	v3 =	vunpack.c.0.s8.s32 v3  }
0x8f: {  	vm3 =	veq.f32 v44, v2;
	vm4 =	vlt.s32 v25, v24  }
0x90: {  	vm5 =	vgt.f32 v44, v2;
	vm3 =	vmand vm3, vm4;
	v1 =	vcombine.low v3, v1  }
0x91: {  	v45 =	vimm.s32 $0xDCFE98BA;
	v26 =	vimm.s32 $0x54761032;
	vm3 =	vmor vm5, vm3  }
0x92: {  	v2 =	vsel vm3, v44, v2;
	v1 =	vand.u32 $0xF, v1;
	v3 =	vsel vm3, v25, v24  }
0x93: {  	v26 =	vunpack.c.l.s4.s8 v26;
	v23 =	vperm.xlane v2, v1;
	v24 =	vperm.xlane v3, v1  }
0x94: {  	v25 =	vunpack.c.l.s4.s8 v45  }
0x95: {  	v26 =	vunpack.c.0.s8.s32 v26;
	vm4 =	veq.f32 v23, v2;
	vm5 =	vlt.s32 v24, v3  }
0x96: {  	v25 =	vunpack.c.0.s8.s32 v25;
	vm3 =	vgt.f32 v23, v2;
	vm4 =	vmand vm4, vm5  }
0x97: {  	vm3 =	vmor vm3, vm4  }
0x98: {  	v23 =	vsel vm3, v23, v2;
	v2 =	vcombine.low v26, v25  }
0x99: {  	v46 =	vimm.s32 $0xEFCDAB89;
	v47 =	vimm.s32 $0x67452301;
	v3 =	vsel vm3, v24, v3  }
0x9a: {  	v24 =	vunpack.c.l.s4.s8 v46;
	v25 =	vunpack.c.l.s4.s8 v47;
	v2 =	vand.u32 $0xF, v2  }
0x9b: {  	v48 =	vperm.xlane v23, v2;
	v27 =	vperm.xlane v3, v2  }
0x9c: {  	v24 =	vunpack.c.0.s8.s32 v24;
	v25 =	vunpack.c.0.s8.s32 v25  }
0x9d: {  	vm3 =	veq.f32 v48, v23;
	vm4 =	vlt.s32 v27, v3  }
0x9e: {  	v24 =	vcombine.low v25, v24;
	vm3 =	vmand vm3, vm4;
	vm4 =	vgt.f32 v48, v23  }
0x9f: {  	vm3 =	vmor vm4, vm3  }
0xa0: {  	v23 =	vsel vm3, v48, v23;
	v49 =	vsel vm3, v27, v3;
	v3 =	vand.u32 $0xF, v24  }
0xa1: {  	v24 =	vperm.xlane v23, v3;
	v50 =	vperm.xlane v49, v3;
	_ =	sdelay $0x1  }
0xa2: {  	vm3 =	veq.f32 v24, v23;
	vm4 =	vlt.s32 v50, v49  }
0xa3: {  	vm3 =	vmand vm3, vm4;
	vm4 =	vgt.f32 v24, v23  }
0xa4: {  	vm3 =	vmor vm4, vm3  }
0xa5: {  	v51 =	vsel vm3, v50, v49  }
0xa6: {  	(v2sf) =	vpush v51, $0x0;
	_ =	sdelay $0x1  }
0xa7: {  	v11 =	vadd.f32 v16, v11  }
0xa8: {  	v7 =	vadd.f32 v16, v7  }
0xa9: {  	v8 =	vadd.f32 v8, v16;
	[tilespmem:s11+$0x900] =	vst v11;
	vm4 =	vlt.u32 v6, $0x1388;
	v6 =	vcvt.s32.f32 v13  }
0xaa: {  	v9 =	vadd.f32 v9, v16;
	v52 =	vld [tilespmem:s24+$0x780];
	[tilespmem:s11+$0xA80] =	vst v7  }
0xab: {  	v7 =	vld [tilespmem:s24+$0x0];
	[tilespmem:s11+$0xC00] =	vst v8;
	v53 =	vnsel vm4, $0xF149F2CA, v14;
	v6 =	vmul.f32 v6, v4  }
0xac: {  	v8 =	vld [tilespmem:s24+$0x180];
	[tilespmem:s11+$0xD80] =	vst v9;
	v9 =	vsel vm2, v10, v53  }
0xad: {  	v55 =	vadd.f32 $2.000000000e+00, v15;
	v54 =	vld [tilespmem:s24+$0x300];
	[tilespmem:s12+$0x1080] =	vst v9;
	v12 =	vadd.f32 v6, v12  }
0xae: {  	v56 =	vld [tilespmem:s24+$0x480];
	[tilespmem:s12+$0xF00] =	vst v21;
	v57 =	vadd.f32 v6, v19  }
0xaf: {  	v11 =	vcvt.s32.f32 v52;
	v9 =	vsub.f32 $0.0e+00, v55;
	v58 =	vadd.f32 v18, v6;
	[tilespmem:s12+$0x900] =	vst v12  }
0xb0: {  	vm2 =	vlt.u32 v5, $0x1388;
	v6 =	vadd.f32 v17, v6;
	[tilespmem:s12+$0xA80] =	vst v57  }
0xb1: {  	v4 =	vmul.f32 v11, v4;
	v5 =	vnsel vm2, $0xF149F2CA, v9;
	[tilespmem:s12+$0xC00] =	vst v58  }
0xb2: {  	v5 =	vsel vm1, v20, v5;
	[tilespmem:s12+$0xD80] =	vst v6  }
0xb3: {  	v6 =	vadd.f32 v4, v7;
	[tilespmem:s24+$0x1080] =	vst v5  }
0xb4: {  	v7 =	vadd.f32 v54, v4;
	[tilespmem:s24+$0xF00] =	vst v22;
	s25 =	spop (v2sf)  }
0xb5: {  	v5 =	vadd.f32 v4, v8;
	[tilespmem:s24+$0x900] =	vst v6;
	s12 =	ssub.s32 s25, s4  }
0xb6: {  	[tilespmem:s24+$0xC00] =	vst v7;
	v4 =	vadd.f32 v56, v4;
	p0 =	sgt.s32 s12, $0x0  }
0xb7: {  	[tilespmem:s24+$0xA80] =	vst v5;
	s12 =	simm.s32 @!p0 $0x0  }
0xb8: {  	[tilespmem:s24+$0xD80] =	vst v4;
	s12 =	smin.u32 s12, $0x13F  }
0xb9: {  	v4 =	vld [tilespmem:s12+$0x780];
	_ =	sdelay $0x4  }
0xba: {  	(v2sf) =	vpush v4, $0x0;
	_ =	sdelay $0x3  }
0xbb: {  	v5 =	vld.msk [tilespmem:s12+$0x900 ss:$0x0], $0xffff  }
0xbc: {  	s26 =	sor.u32 $0xC00, s12;
	v6 =	vld.msk [tilespmem:s12+$0xA80 ss:$0x0], $0xffff  }
0xbd: {  	v7 =	vsel vm3, v24, v23;
	s11 =	scvt.s32.f32 s25;
	v59 =	vld.msk [tilespmem:s26+$0x0 ss:$0x0], $0xffff;
	v4 =	vlaneseq.u32  }
0xbe: {  	v7 =	vnsel vm0, $0x0, v7;
	v60 =	vld.msk [tilespmem:s12+$0xD80 ss:$0x0], $0xffff;
	vm1 =	veq.s32 v4, $0x1  }
0xbf: {  	v61 =	vld.msk [tilespmem:s12+$0x0 ss:$0x0], $0xffff;
	v7 =	vsel vm1, s11, v7;
	vm1 =	vcmask $0xB08  }
0xc0: {  	v5 =	vsel vm1, v5, v7;
	vm1 =	vcmask $0xB30;
	v7 =	vld.msk [tilespmem:s12+$0x180 ss:$0x0], $0xffff  }
0xc1: {  	vm3 =	vcmask $0xF30;
	v5 =	vsel vm1, v5, v6;
	v6 =	vld.msk [tilespmem:s12+$0x300 ss:$0x0], $0xffff  }
0xc2: {  	vm4 =	vcmask $0x1330;
	s28 =	sor.u32 $0x600, s12;
	v62 =	vld.msk [tilespmem:s12+$0x480 ss:$0x0], $0xffff;
	v5 =	vsel vm3, v5, v59  }
0xc3: {  	vm5 =	vcmask $0x1730;
	v63 =	vld.msk [tilespmem:s28+$0x0 ss:$0x0], $0xffff;
	v5 =	vsel vm4, v5, v60  }
0xc4: {  	vm6 =	vcmask $0x1B30;
	v5 =	vsel vm5, v5, v61  }
0xc5: {  	vm7 =	vcmask $0x1F30;
	v5 =	vsel vm6, v5, v7  }
0xc6: {  	vm8 =	vcmask $0x2330;
	v5 =	vsel vm7, v5, v6;
	s29 =	spop (v2sf)  }
0xc7: {  	vm9 =	vcmask $0x2730;
	v5 =	vsel vm8, v5, v62;
	s11 =	scvt.s32.f32 s29  }
0xc8: {  	vm1 =	veq.s32 v4, $0xB;
	v5 =	vsel vm9, v5, v63  }
0xc9: {  	v5 =	vsel vm1, s11, v5  }
0xca: {  	[tilespmem:$0x1400] =	vst v5;
	v5 =	vimm.f32 $0.0e+00  }
0xcb: {  	s30 =	sadd.s32 $0x100, s10;
	s10 =	simm.s32 $0x1400;
	s11 =	simm.s32 $0x1;
	[tilespmem:$0x1480] =	vst v5  }
0xcc: {  	[spmem:s30] =	stream.linear.scatter [tilespmem:s10], [sflag:$0x1], $0x10, $0x38;
	[tilespmem:$0x1630] =	vst v63  }
0xcd: {  	_ =	swait.ge [sflag:s11], $0x10  }
0xce: {  	s31 =	sadd.s32 $0x100, s5;
	[sflag:s11] =	ssyncset.done $0x0  }
0xcf: {  	s14 =	simm.s32 $0x0;
	p0 =	sne.s32 s13, $0x0;
	[sflag:s11] =	ssyncadd.s32 $0xFFFFFFF0  }
.Ltmp2:
0xd0: {  	s12 =	simm.s32 $0x1500;
	[bflag:$0x0] =	sbarrier.arrive $0xFFFF;
	(pc) =	sbr.rel .LBB2_5-.Ltmp2, $4  }
0xd1: {  	[tilespmem:s12], [sflag:$0x1] =	stream.linear.gather [spmem:s31], $0x100, $0x38;
	[tilespmem:$0x1630] =	vst v63  }
0xd2: {  	s16 =	simm.s32 $0x0;
	vm10 =	vcmask @!p0 $0x1310;
	s15 =	simm.s32 @!p0 $0x0;
	_ =	swait.ge [sflag:s11], $0x100  }
0xd3: {  	s13 =	sadd.s32 $0x140, s4;
	vm11 =	vcmask @!p0 $0x130C;
	vm12 =	vcmask @!p0 $0x1308;
	s15 =	simm.s32 @p0 $0x1;
	vm1 =	vcmask $0x300;
	[sflag:s11] =	ssyncset.done $0x0  }
0xd4: {  	vm13 =	vcmask @!p0 $0x1304;
	vm14 =	vmmov @!p0 $0x1f;
	v5 =	vsel vm1, $0xF149F2CA, v5;
	[smem:$0x7FD] =	sst s15;
	s15 =	simm.s32 $0x0;
	[sflag:s11] =	ssyncadd.s32 $0xFFFFFF00  }
.LBB2_16:
0xd5: {  	v8 =	vsub.f32 v41, v30;
	v9 =	vsub.f32 v20, v15  }
0xd6: {  	v10 =	vsub.f32 v24, v18;
	v63 =	vsub.f32 v31, v26  }
0xd7: {  	v7 =	vmin.f32 v7, v41;
	v24 =	vsub.f32 v33, v32;
	v26 =	vsub.f32 v39, v34  }
0xd8: {  	v19 =	vsub.f32 v25, v19;
	v14 =	vmul.f32 v17, v14;
	v7 =	vsub.f32 v7, v35  }
0xd9: {  	v29 =	vsub.f32 v29, v23;
	v16 =	vmul.f32 v22, v16;
	v8 =	vmul.f32 v8, v37  }
0xda: {  	v30 =	vmul.f32 v28, v27;
	v20 =	vmax.f32 v26, $0.0e+00;
	v7 =	vmax.f32 v7, $0.0e+00  }
0xdb: {  	v15 =	vmax.f32 v63, $0.0e+00;
	v7 =	vmul.f32 v7, v20;
	v8 =	vadd.f32 v8, v6  }
0xdc: {  	v18 =	vmax.f32 v24, $0.0e+00;
	v17 =	vmax.f32 v29, $0.0e+00;
	v19 =	vmax.f32 v19, $0.0e+00  }
0xdd: {  	v31 =	vadd.f32 v30, v6;
	v17 =	vmul.f32 v17, v18;
	v8 =	vsub.f32 v8, v7  }
0xde: {  	v9 =	vmax.f32 v9, $0.0e+00;
	v10 =	vmax.f32 v10, $0.0e+00;
	v16 =	vadd.f32 v16, v6  }
0xdf: {  	v15 =	vmul.f32 v19, v15;
	v18 =	vsub.f32 v31, v17;
	v8 =	vmax.f32 v8, $9.999999930e-09  }
0xe0: {  	v32 =	vmul.f32 v10, v9;
	(erf) = vrcp.f32 v8  }
0xe1: {  	v6 =	vadd.f32 v14, v6;
	v34 =	vsub.f32 v16, v15;
	v33 =	vmax.f32 v18, $9.999999930e-09  }
0xe2: {  	(erf) = vrcp.f32 v33  }
0xe3: {  	v6 =	vsub.f32 v6, v32;
	v35 =	vmax.f32 v34, $9.999999930e-09  }
0xe4: {  	(erf) = vrcp.f32 v35  }
0xe5: {  	v37 =	vsel vm1, $0xF149F2CA, v36;
	vm1 =	vgt.f32 v43, $5.000000000e-01;
	v6 =	vmax.f32 v6, $9.999999930e-09  }
0xe6: {  	[tilespmem:s18+$0xF20] =	vst v37;
	v39 =	vsel vm1, $0xF149F2CA, v38;
	(erf) = vrcp.f32 v6  }
0xe7: {  	[tilespmem:s18+$0xF30] =	vst v39  }
0xe8: {  	v6 =	vld [tilespmem:s17+$0xF00]  }
0xe9: {  	v43 =	vsel vm15, v42, v40;
	v41 =	vpop (erf)  }
0xea: {  	v13 =	vsel vm15, v13, v21;
	s25 =	sadd.s32 $0x40, s19;
	vm1 =	vgt.f32 v37, v43;
	v44 =	vld [tilespmem:s17+$0xF10];
	v7 =	vmul.f32 v41, v7  }
0xeb: {  	v48 =	vor.u32 s25, v4;
	v10 =	vsel vm1, v37, v43;
	v12 =	vsel vm1, v12, v13;
	v45 =	vpop (erf)  }
0xec: {  	vm2 =	vgt.f32 v39, v10;
	v46 =	vld [tilespmem:s17+$0xF20];
	vm1 =	vgt.f32 v7, $5.000000000e-01;
	v7 =	vmul.f32 v45, v17  }
0xed: {  	v9 =	vsel vm2, v39, v10;
	v47 =	vsel vm2, v11, v12;
	v49 =	vpop (erf);
	v6 =	vsel vm1, $0xF149F2CA, v6  }
0xee: {  	s19 =	sadd.s32 $0x20, s25;
	v50 =	vld [tilespmem:s17+$0xF30];
	vm1 =	vgt.f32 v6, v9;
	vm2 =	vgt.f32 v7, $5.000000000e-01;
	v7 =	vmul.f32 v49, v15  }
0xef: {  	v51 =	vor.u32 s19, v4;
	v53 =	vpop (erf);
	[tilespmem:s17+$0xF00] =	vst v6;
	v6 =	vsel vm1, v6, v9;
	v52 =	vsel vm2, $0xF149F2CA, v44  }
0xf0: {  	s26 =	sadd.s32 $0x10, s25;
	vm2 =	vgt.f32 v52, v6;
	vm15 =	vgt.f32 v7, $5.000000000e-01;
	v7 =	vmul.f32 v53, v32  }
0xf1: {  	v54 =	vor.u32 s26, v4;
	v6 =	vsel vm2, v52, v6;
	v13 =	vsel vm15, $0xF149F2CA, v46  }
0xf2: {  	v10 =	vsel vm1, v48, v47;
	vm1 =	vgt.f32 v13, v6;
	vm15 =	vgt.f32 v7, $5.000000000e-01  }
0xf3: {  	s18 =	sadd.s32 $0x30, s25;
	v7 =	vsel vm2, v54, v10;
	v6 =	vsel vm1, v13, v6;
	v55 =	vsel vm15, $0xF149F2CA, v50  }
0xf4: {  	v56 =	vor.u32 s18, v4;
	v7 =	vsel vm1, v51, v7;
	vm1 =	vgt.f32 v55, v6  }
0xf5: {  	v6 =	vsel vm1, v55, v6;
	v7 =	vsel vm1, v56, v7  }
0xf6: {  	v57 =	vperm.xlane v6, v0;
	v58 =	vperm.xlane v7, v0;
	_ =	sdelay $0x1  }
0xf7: {  	vm1 =	veq.f32 v57, v6;
	vm2 =	vlt.s32 v58, v7  }
0xf8: {  	vm15 =	vgt.f32 v57, v6;
	vm1 =	vmand vm1, vm2  }
0xf9: {  	vm1 =	vmor vm15, vm1  }
0xfa: {  	v6 =	vsel vm1, v57, v6;
	v7 =	vsel vm1, v58, v7  }
0xfb: {  	v10 =	vperm.xlane v6, v1;
	v11 =	vperm.xlane v7, v1;
	_ =	sdelay $0x1  }
0xfc: {  	vm1 =	veq.f32 v10, v6;
	vm2 =	vlt.s32 v11, v7  }
0xfd: {  	vm15 =	vgt.f32 v10, v6;
	vm1 =	vmand vm1, vm2  }
0xfe: {  	vm1 =	vmor vm15, vm1  }
0xff: {  	v6 =	vsel vm1, v10, v6;
	v7 =	vsel vm1, v11, v7  }
0x100: {  	v10 =	vperm.xlane v6, v2;
	v11 =	vperm.xlane v7, v2;
	_ =	sdelay $0x1  }
0x101: {  	vm1 =	veq.f32 v10, v6;
	vm2 =	vlt.s32 v11, v7  }
0x102: {  	vm15 =	vgt.f32 v10, v6;
	vm1 =	vmand vm1, vm2  }
0x103: {  	vm1 =	vmor vm15, vm1  }
0x104: {  	v6 =	vsel vm1, v10, v6;
	v7 =	vsel vm1, v11, v7  }
0x105: {  	v10 =	vperm.xlane v6, v3;
	v11 =	vperm.xlane v7, v3;
	_ =	sdelay $0x1  }
0x106: {  	vm1 =	veq.f32 v10, v6;
	vm2 =	vlt.s32 v11, v7  }
0x107: {  	vm15 =	vgt.f32 v10, v6;
	vm1 =	vmand vm1, vm2  }
0x108: {  	vm1 =	vmor vm15, vm1  }
0x109: {  	v7 =	vsel vm1, v11, v7  }
0x10a: {  	(v2sf) =	vpush v7, $0x0;
	_ =	sdelay $0xe  }
0x10b: {  	s28 =	spop (v2sf)  }
0x10c: {  	s19 =	ssub.s32 s28, s4  }
0x10d: {  	[tilespmem:s17+$0xF10] =	vst v52;
	p0 =	sgt.s32 s19, $0x0  }
0x10e: {  	[tilespmem:s17+$0xF20] =	vst v13;
	s19 =	simm.s32 @!p0 $0x0  }
0x10f: {  	[tilespmem:s17+$0xF30] =	vst v55;
	s29 =	smin.u32 s19, $0x13F  }
0x110: {  	v7 =	vld [tilespmem:s29+$0x780];
	_ =	sdelay $0x4  }
0x111: {  	(v2sf) =	vpush v7, $0x0;
	_ =	sdelay $0x3  }
0x112: {  	v7 =	vld.msk [tilespmem:s29+$0x900 ss:$0x0], $0xffff  }
0x113: {  	s19 =	sor.u32 $0xC00, s29;
	v8 =	vld.msk [tilespmem:s29+$0xA80 ss:$0x0], $0xffff  }
0x114: {  	v6 =	vsel vm1, v10, v6;
	s18 =	scvt.s32.f32 s28;
	v9 =	vld.msk [tilespmem:s19+$0x0 ss:$0x0], $0xffff  }
0x115: {  	vm1 =	veq.s32 v4, $0x1;
	v6 =	vnsel vm0, $0x0, v6;
	v59 =	vld.msk [tilespmem:s29+$0xD80 ss:$0x0], $0xffff  }
0x116: {  	v6 =	vsel vm1, s18, v6;
	vm1 =	vcmask $0xB08;
	v60 =	vld.msk [tilespmem:s29+$0x0 ss:$0x0], $0xffff  }
0x117: {  	v6 =	vsel vm1, v7, v6;
	v7 =	vld.msk [tilespmem:s29+$0x180 ss:$0x0], $0xffff;
	vm1 =	vcmask $0xB30  }
0x118: {  	v61 =	vld.msk [tilespmem:s29+$0x300 ss:$0x0], $0xffff;
	v6 =	vsel vm1, v6, v8  }
0x119: {  	s30 =	sor.u32 $0x600, s29;
	v62 =	vld.msk [tilespmem:s29+$0x480 ss:$0x0], $0xffff;
	v6 =	vsel vm3, v6, v9  }
0x11a: {  	v63 =	vld.msk [tilespmem:s30+$0x0 ss:$0x0], $0xffff;
	v6 =	vsel vm4, v6, v59  }
0x11b: {  	v6 =	vsel vm5, v6, v60  }
0x11c: {  	v6 =	vsel vm6, v6, v7  }
0x11d: {  	v6 =	vsel vm7, v6, v61;
	s31 =	spop (v2sf)  }
0x11e: {  	v6 =	vsel vm8, v6, v62;
	s17 =	scvt.s32.f32 s31  }
0x11f: {  	vm1 =	veq.s32 v4, $0xB;
	v6 =	vsel vm9, v6, v63  }
0x120: {  	v6 =	vsel vm1, s17, v6  }
0x121: {  	[tilespmem:$0x1400] =	vst v6  }
.LBB2_17:
0x122: {  	s17 =	sshll.u32 s16, $0x8  }
0x123: {  	s17 =	sand.u32 $0x100, s17  }
0x124: {  	s17 =	sadd.s32 s17, s5  }
0x125: {  	s18 =	sadd.s32 s6, s17  }
0x126: {  	[spmem:s18] =	stream.linear.scatter [tilespmem:s10], [sflag:$0x1], $0x10, $0x38;
	[tilespmem:$0x1630] =	vst v63  }
0x127: {  	_ =	swait.ge [sflag:s11], $0x10  }
0x128: {  	s16 =	sadd.s32 $0x1, s16;
	[sflag:s11] =	ssyncset.done $0x0  }
0x129: {  	p0 =	sne.s32 s16, $0x1E;
	[sflag:s11] =	ssyncadd.s32 $0xFFFFFFF0  }
.Ltmp3:
0x12a: {  	[bflag:$0x0] =	sbarrier.arrive $0xFFFF;
	(pc) =	sbr.rel @!p0 .LBB2_18-.Ltmp3, $4  }
0x12b: {  	[tilespmem:s12], [sflag:$0x1] =	stream.linear.gather [spmem:s17], $0x100, $0x38;
	[tilespmem:$0x1630] =	vst v63  }
0x12c: {  	_ =	swait.ge [sflag:s11], $0x100  }
0x12d: {  	[sflag:s11] =	ssyncset.done $0x0  }
0x12e: {  	[sflag:s11] =	ssyncadd.s32 $0xFFFFFF00  }
.LBB2_5:
0x12f: {  	v14 =	vld [tilespmem:$0x1500];
	_ =	sdelay $0x4  }
0x130: {  	(v2sf) =	vpush v14, $0x0;
	_ =	sdelay $0x1  }
0x131: {  	v16 =	vld [tilespmem:$0x1510];
	(v2sf) =	vpush v14, $0x1;
	_ =	sdelay $0x4  }
0x132: {  	(v2sf) =	vpush v16, $0x0  }
0x133: {  	(v2sf) =	vpush v16, $0x1  }
0x134: {  	v15 =	vld [tilespmem:$0x1520];
	_ =	sdelay $0x4  }
0x135: {  	(v2sf) =	vpush v15, $0x0  }
0x136: {  	s17 =	spop (v2sf);
	(v2sf) =	vpush v15, $0x1  }
0x137: {  	v13 =	vld [tilespmem:$0x1530]  }
0x138: {  	s18 =	spop (v2sf)  }
0x139: {  	p1 =	seq.f32 s17, $-3.000000010e+38;
	p2 =	slt.f32 s18, $3.000000010e+38  }
0x13a: {  	_ = 	snop  }
0x13b: {  	p3 =	sgt.f32 s17, $-3.000000010e+38;
	p1 =	por !p1, !p2  }
0x13c: {  	(v2sf) =	vpush v13, $0x0;
	p1 =	por !p1, !p1  }
0x13d: {  	s19 =	spop (v2sf);
	(v2sf) =	vpush v13, $0x1;
	p2 =	por p3, p1  }
0x13e: {  	v11 =	vld [tilespmem:$0x1540];
	s20 =	spop (v2sf);
	s17 =	simm.s32 @!p2 $0xFF61B1E6;
	s18 =	simm.s32 @!p2 $0x7F61B1E6  }
0x13f: {  	p6 =	seq.f32 s19, s17;
	p0 =	slt.f32 s20, s18  }
0x140: {  	_ = 	snop  }
0x141: {  	p4 =	sgt.f32 s19, s17;
	p1 =	por !p6, !p0  }
0x142: {  	p1 =	por !p1, !p1  }
0x143: {  	(v2sf) =	vpush v11, $0x0;
	p5 =	por p4, p1  }
0x144: {  	(v2sf) =	vpush v11, $0x1;
	s17 =	smov.u32 @p5 s19;
	s19 =	spop (v2sf)  }
0x145: {  	v12 =	vld [tilespmem:$0x1550];
	s18 =	smov.u32 @p5 s20;
	s20 =	spop (v2sf)  }
0x146: {  	p4 =	seq.f32 s19, s17;
	p6 =	slt.f32 s20, s18  }
0x147: {  	_ = 	snop  }
0x148: {  	p0 =	sgt.f32 s19, s17;
	p1 =	por !p4, !p6  }
0x149: {  	p1 =	por !p1, !p1  }
0x14a: {  	(v2sf) =	vpush v12, $0x0;
	p6 =	por p0, p1  }
0x14b: {  	s17 =	smov.u32 @p6 s19;
	s19 =	spop (v2sf);
	(v2sf) =	vpush v12, $0x1  }
0x14c: {  	v10 =	vld [tilespmem:$0x1560];
	s18 =	smov.u32 @p6 s20;
	s20 =	spop (v2sf)  }
0x14d: {  	p3 =	seq.f32 s19, s17;
	p4 =	slt.f32 s20, s18  }
0x14e: {  	_ = 	snop  }
0x14f: {  	p0 =	sgt.f32 s19, s17;
	p1 =	por !p3, !p4  }
0x150: {  	p1 =	por !p1, !p1  }
0x151: {  	(v2sf) =	vpush v10, $0x0;
	p4 =	por p0, p1  }
0x152: {  	s17 =	smov.u32 @p4 s19;
	s19 =	spop (v2sf);
	(v2sf) =	vpush v10, $0x1  }
0x153: {  	v8 =	vld [tilespmem:$0x1570];
	s18 =	smov.u32 @p4 s20;
	s20 =	spop (v2sf)  }
0x154: {  	p1 =	seq.f32 s19, s17;
	p3 =	slt.f32 s20, s18  }
0x155: {  	_ = 	snop  }
0x156: {  	p0 =	sgt.f32 s19, s17;
	p1 =	por !p1, !p3  }
0x157: {  	p1 =	por !p1, !p1  }
0x158: {  	(v2sf) =	vpush v8, $0x0;
	p0 =	por p0, p1  }
0x159: {  	s17 =	smov.u32 @p0 s19;
	s19 =	spop (v2sf);
	(v2sf) =	vpush v8, $0x1  }
0x15a: {  	v6 =	vld [tilespmem:$0x1580];
	s18 =	smov.u32 @p0 s20;
	s20 =	spop (v2sf)  }
0x15b: {  	p3 =	seq.f32 s19, s17;
	p1 =	slt.f32 s20, s18  }
0x15c: {  	s21 =	simm.s32 @!p0 $0x0  }
0x15d: {  	s21 =	simm.s32 @p0 $0x1;
	p0 =	por !p3, !p1;
	p1 =	sgt.f32 s19, s17  }
0x15e: {  	p0 =	por !p0, !p0  }
0x15f: {  	(v2sf) =	vpush v6, $0x0;
	p3 =	por p1, p0  }
0x160: {  	s17 =	smov.u32 @p3 s19;
	s19 =	spop (v2sf);
	(v2sf) =	vpush v6, $0x1  }
0x161: {  	v7 =	vld [tilespmem:$0x1590];
	s18 =	smov.u32 @p3 s20;
	s20 =	spop (v2sf)  }
0x162: {  	p0 =	seq.f32 s19, s17;
	p1 =	slt.f32 s20, s18  }
0x163: {  	_ = 	snop  }
0x164: {  	p0 =	por !p0, !p1;
	p1 =	sgt.f32 s19, s17  }
0x165: {  	[smem:$0x7FC] =	sst s21;
	s21 =	simm.f32 $1.000000000e+00;
	p0 =	por !p0, !p0  }
0x166: {  	s21 =	simm.s32 @!p2 $0x0;
	(v2sf) =	vpush v7, $0x0;
	p2 =	por p1, p0  }
0x167: {  	v9 =	vmov s21;
	s17 =	smov.u32 @p2 s19;
	s19 =	spop (v2sf);
	(v2sf) =	vpush v7, $0x1  }
0x168: {  	v43 =	vld [tilespmem:$0x15A0];
	v17 =	vsub.f32 $1.000000000e+00, v9;
	s18 =	smov.u32 @p2 s20;
	s20 =	spop (v2sf)  }
0x169: {  	s22 =	simm.f32 $1.000000000e+00;
	p0 =	seq.f32 s19, s17;
	p1 =	slt.f32 s20, s18  }
0x16a: {  	s22 =	simm.s32 @!p5 $0x0;
	v14 =	vmul.f32 s21, v14;
	v17 =	vmul.f32 $0.0e+00, v17  }
0x16b: {  	v18 =	vmov s22;
	p5 =	sgt.f32 s19, s17;
	p0 =	por !p0, !p1  }
0x16c: {  	v44 =	vsub.f32 $1.000000000e+00, v18;
	v14 =	vadd.f32 v17, v14;
	p0 =	por !p0, !p0  }
0x16d: {  	s21 =	simm.f32 $1.000000000e+00;
	(v2sf) =	vpush v43, $0x0;
	p5 =	por p5, p0  }
0x16e: {  	v16 =	vmul.f32 s22, v16;
	s21 =	simm.s32 @!p6 $0x0;
	v17 =	vmul.f32 v44, v14;
	s17 =	smov.u32 @p5 s19;
	s19 =	spop (v2sf);
	(v2sf) =	vpush v43, $0x1  }
0x16f: {  	v46 =	vld [tilespmem:$0x15B0];
	v45 =	vmov s21;
	s18 =	smov.u32 @p5 s20;
	s20 =	spop (v2sf)  }
0x170: {  	v15 =	vmul.f32 s21, v15;
	s21 =	simm.f32 $1.000000000e+00;
	v47 =	vsub.f32 $1.000000000e+00, v45;
	v16 =	vadd.f32 v17, v16;
	p1 =	seq.f32 s19, s17;
	p6 =	slt.f32 s20, s18  }
0x171: {  	s21 =	simm.s32 @!p4 $0x0  }
0x172: {  	s28 =	sld [smem:$0x7FC];
	v48 =	vmov s21;
	v16 =	vmul.f32 v47, v16;
	p0 =	por !p1, !p6;
	p6 =	sgt.f32 s19, s17  }
0x173: {  	v49 =	vsub.f32 $1.000000000e+00, v48;
	p0 =	por !p0, !p0  }
0x174: {  	v50 =	vld [tilespmem:$0x15C0];
	v13 =	vmul.f32 s21, v13;
	s21 =	simm.f32 $1.000000000e+00;
	v16 =	vadd.f32 v16, v15;
	(v2sf) =	vpush v46, $0x0;
	p4 =	por p6, p0  }
0x175: {  	p6 =	seq.s32 s28, $0x1;
	s17 =	smov.u32 @p4 s19;
	s19 =	spop (v2sf);
	(v2sf) =	vpush v46, $0x1  }
0x176: {  	v16 =	vmul.f32 v49, v16;
	s18 =	smov.u32 @p4 s20;
	s21 =	simm.s32 @!p6 $0x0;
	s20 =	spop (v2sf)  }
0x177: {  	p0 =	seq.f32 s19, s17;
	v51 =	vmov s21;
	p1 =	slt.f32 s20, s18  }
0x178: {  	v13 =	vadd.f32 v16, v13;
	v16 =	vsub.f32 $1.000000000e+00, v51  }
0x179: {  	v52 =	vld [tilespmem:$0x15D0];
	s22 =	simm.f32 $1.000000000e+00;
	p6 =	sgt.f32 s19, s17;
	(v2sf) =	vpush v50, $0x0;
	p0 =	por !p0, !p1  }
0x17a: {  	s22 =	simm.s32 @!p3 $0x0;
	v11 =	vmul.f32 s21, v11;
	(v2sf) =	vpush v50, $0x1;
	v13 =	vmul.f32 v16, v13;
	p0 =	por !p0, !p0  }
0x17b: {  	v53 =	vmov s22;
	p1 =	por p6, p0  }
0x17c: {  	v54 =	vsub.f32 $1.000000000e+00, v53;
	v11 =	vadd.f32 v13, v11;
	s17 =	smov.u32 @p1 s19;
	s19 =	spop (v2sf)  }
0x17d: {  	s21 =	simm.f32 $1.000000000e+00;
	s18 =	smov.u32 @p1 s20;
	s20 =	spop (v2sf)  }
0x17e: {  	v12 =	vmul.f32 s22, v12;
	s21 =	simm.s32 @!p2 $0x0;
	(v2sf) =	vpush v52, $0x0;
	p3 =	seq.f32 s19, s17;
	v11 =	vmul.f32 v54, v11;
	p6 =	slt.f32 s20, s18  }
0x17f: {  	v55 =	vmov s21;
	(v2sf) =	vpush v52, $0x1  }
0x180: {  	v56 =	vsub.f32 $1.000000000e+00, v55;
	v11 =	vadd.f32 v11, v12;
	p0 =	por !p3, !p6;
	p6 =	sgt.f32 s19, s17  }
0x181: {  	s22 =	simm.f32 $1.000000000e+00;
	p0 =	por !p0, !p0  }
0x182: {  	s22 =	simm.s32 @!p5 $0x0;
	v10 =	vmul.f32 s21, v10;
	v11 =	vmul.f32 v56, v11;
	p2 =	por p6, p0  }
0x183: {  	v57 =	vld [tilespmem:$0x15E0];
	v58 =	vmov s22;
	s17 =	smov.u32 @p2 s19;
	s19 =	spop (v2sf)  }
0x184: {  	v59 =	vsub.f32 $1.000000000e+00, v58;
	s21 =	simm.f32 $1.000000000e+00;
	s18 =	smov.u32 @p2 s20;
	v10 =	vadd.f32 v11, v10;
	s20 =	spop (v2sf)  }
0x185: {  	s21 =	simm.s32 @!p4 $0x0;
	p3 =	seq.f32 s19, s17;
	p5 =	slt.f32 s20, s18  }
0x186: {  	v8 =	vmul.f32 s22, v8;
	v60 =	vmov s21;
	v10 =	vmul.f32 v59, v10  }
0x187: {  	v61 =	vsub.f32 $1.000000000e+00, v60;
	p6 =	sgt.f32 s19, s17;
	p0 =	por !p3, !p5  }
0x188: {  	v62 =	vld [tilespmem:$0x15F0];
	(v2sf) =	vpush v57, $0x0;
	s22 =	spop (v2sf);
	v8 =	vadd.f32 v10, v8;
	p0 =	por !p0, !p0  }
0x189: {  	(v2sf) =	vpush v57, $0x1;
	s23 =	spop (v2sf);
	p3 =	por p6, p0  }
0x18a: {  	v6 =	vmul.f32 s21, v6;
	v8 =	vmul.f32 v61, v8;
	s17 =	smov.u32 @p3 s19;
	s19 =	simm.f32 $1.000000000e+00;
	s18 =	smov.u32 @p3 s20  }
0x18b: {  	s19 =	simm.s32 @!p1 $0x0;
	p5 =	seq.f32 s22, s17;
	p6 =	slt.f32 s23, s18  }
0x18c: {  	v6 =	vadd.f32 v8, v6;
	v63 =	vmov s19  }
0x18d: {  	p4 =	sgt.f32 s22, s17;
	s21 =	spop (v2sf);
	(v2sf) =	vpush v62, $0x0;
	v8 =	vsub.f32 $1.000000000e+00, v63;
	p0 =	por !p5, !p6  }
0x18e: {  	s20 =	simm.f32 $1.000000000e+00;
	v7 =	vmul.f32 s19, v7;
	s19 =	spop (v2sf);
	(v2sf) =	vpush v62, $0x1;
	p0 =	por !p0, !p0  }
0x18f: {  	s20 =	simm.s32 @!p2 $0x0;
	v6 =	vmul.f32 v8, v6;
	p1 =	por p4, p0  }
0x190: {  	v8 =	vmov s20;
	s17 =	smov.u32 @p1 s22;
	s18 =	smov.u32 @p1 s23  }
0x191: {  	v6 =	vadd.f32 v6, v7;
	v7 =	vsub.f32 $1.000000000e+00, v8;
	p5 =	seq.f32 s21, s17;
	p6 =	slt.f32 s19, s18  }
0x192: {  	s22 =	simm.f32 $1.000000000e+00  }
0x193: {  	s22 =	simm.s32 @!p3 $0x0;
	v8 =	vmul.f32 s20, v43;
	p3 =	sgt.f32 s21, s17;
	v6 =	vmul.f32 v7, v6;
	p0 =	por !p5, !p6  }
0x194: {  	v7 =	vmov s22;
	p0 =	por !p0, !p0  }
0x195: {  	v7 =	vsub.f32 $1.000000000e+00, v7;
	v6 =	vadd.f32 v6, v8;
	p2 =	por p3, p0  }
0x196: {  	s17 =	smov.u32 @p2 s21;
	s21 =	simm.f32 $1.000000000e+00  }
0x197: {  	s20 =	spop (v2sf);
	v8 =	vmul.f32 s22, v46;
	v6 =	vmul.f32 v7, v6;
	s21 =	simm.s32 @!p1 $0x0  }
0x198: {  	s23 =	spop (v2sf);
	s18 =	smov.u32 @p2 s19;
	v7 =	vmov s21  }
0x199: {  	p4 =	seq.f32 s20, s17;
	p5 =	slt.f32 s23, s18;
	v6 =	vadd.f32 v6, v8;
	v7 =	vsub.f32 $1.000000000e+00, v7  }
0x19a: {  	s19 =	simm.f32 $1.000000000e+00  }
0x19b: {  	p6 =	sgt.f32 s20, s17;
	s19 =	simm.s32 @!p2 $0x0;
	p0 =	por !p4, !p5;
	v8 =	vmul.f32 s21, v50;
	v6 =	vmul.f32 v7, v6  }
0x19c: {  	p0 =	por !p0, !p0;
	s29 =	spop (v2sf);
	v7 =	vmov s19  }
0x19d: {  	p0 =	por p6, p0;
	s30 =	spop (v2sf);
	v7 =	vsub.f32 $1.000000000e+00, v7;
	v6 =	vadd.f32 v6, v8  }
0x19e: {  	s17 =	smov.u32 @p0 s20;
	s20 =	simm.f32 $1.000000000e+00;
	s18 =	smov.u32 @p0 s23  }
0x19f: {  	v8 =	vmul.f32 s19, v52;
	s20 =	simm.s32 @!p0 $0x0;
	p0 =	slt.f32 s30, s18;
	v6 =	vmul.f32 v7, v6  }
0x1a0: {  	p1 =	seq.f32 s29, s17;
	s18 =	simm.f32 $1.000000000e+00;
	v7 =	vmov s20  }
0x1a1: {  	p2 =	sgt.f32 s29, s17;
	s18 =	simm.s32 @!p0 $0x0;
	v7 =	vsub.f32 $1.000000000e+00, v7;
	v6 =	vadd.f32 v6, v8  }
0x1a2: {  	s18 =	simm.s32 @!p1 $0x0  }
0x1a3: {  	v8 =	vmul.f32 s20, v57;
	s18 =	simm.s32 @p2 $0x3F800000;
	v6 =	vmul.f32 v7, v6  }
0x1a4: {  	v7 =	vmov s18  }
0x1a5: {  	v7 =	vsub.f32 $1.000000000e+00, v7;
	v6 =	vadd.f32 v6, v8;
	_ =	sdelay $0x1  }
0x1a6: {  	v8 =	vmul.f32 s18, v62;
	v6 =	vmul.f32 v7, v6;
	_ =	sdelay $0x1  }
0x1a7: {  	v6 =	vadd.f32 v6, v8;
	_ =	sdelay $0x1  }
0x1a8: {  	(v2sf) =	vpush v6, $0x0;
	_ =	sdelay $0xe  }
0x1a9: {  	s31 =	spop (v2sf)  }
0x1aa: {  	p2 =	sgt.f32 s31, $-5.000000080e+29  }
.Ltmp4:
0x1ab: {  	_ = 	snop;
	(pc) =	sbr.rel @p2 .LBB2_9-.Ltmp4, $2  }
0x1ac: {  	_ =	sdelay $0x2  }
0x1ad: {  	s17 =	simm.f32 $1.000000000e+00  }
0x1ae: {  	s18 =	simm.s32 $0x0  }
0x1af: {  	v9 =	vld [tilespmem:s18+$0x1080];
	_ =	sdelay $0x1  }
0x1b0: {  	s17 =	simm.s32 @!p2 $0x0  }
0x1b1: {  	s17 =	simm.s32 @p2 $0x1  }
0x1b2: {  	v7 =	vimm.f32 $-1.000000020e+30;
	v8 =	vimm.s32 $0x0;
	s18 =	smov.u32 s4;
	[smem:$0x7FB] =	sst s17;
	s17 =	simm.s32 $0x40  }
.LBB2_7:
0x1b3: {  	s19 =	sshra.s32 s17, $0x2;
	p0 =	sne.s32 s17, $0x4C0;
	s17 =	sadd.s32 $0x40, s17;
	v10 =	vor.u32 s18, v4;
	vm1 =	vgt.f32 v9, v7  }
.Ltmp5:
0x1b4: {  	v7 =	vsel vm1, v9, v7;
	v9 =	vld [tilespmem:s19+$0x1080];
	v8 =	vsel vm1, v10, v8;
	(pc) =	sbr.rel @p0 .LBB2_7-.Ltmp5, $2  }
0x1b5: {  	_ =	sdelay $0x2  }
0x1b6: {  	s18 =	sadd.s32 $0x10, s18  }
0x1b7: {  	v10 =	vor.u32 s18, v4;
	vm1 =	vgt.f32 v9, v7  }
0x1b8: {  	v7 =	vsel vm1, v9, v7;
	v8 =	vsel vm1, v10, v8  }
0x1b9: {  	v9 =	vperm.xlane v7, v0;
	v10 =	vperm.xlane v8, v0;
	_ =	sdelay $0x1  }
0x1ba: {  	vm1 =	veq.f32 v9, v7;
	vm15 =	vlt.s32 v10, v8  }
0x1bb: {  	vm2 =	vgt.f32 v9, v7;
	vm1 =	vmand vm1, vm15  }
0x1bc: {  	vm1 =	vmor vm2, vm1  }
0x1bd: {  	v7 =	vsel vm1, v9, v7;
	v8 =	vsel vm1, v10, v8  }
0x1be: {  	v9 =	vperm.xlane v7, v1;
	v10 =	vperm.xlane v8, v1;
	_ =	sdelay $0x1  }
0x1bf: {  	vm1 =	veq.f32 v9, v7;
	vm2 =	vlt.s32 v10, v8  }
0x1c0: {  	vm15 =	vgt.f32 v9, v7;
	vm1 =	vmand vm1, vm2  }
0x1c1: {  	vm1 =	vmor vm15, vm1  }
0x1c2: {  	v7 =	vsel vm1, v9, v7;
	v8 =	vsel vm1, v10, v8  }
0x1c3: {  	v9 =	vperm.xlane v7, v2;
	v10 =	vperm.xlane v8, v2;
	_ =	sdelay $0x1  }
0x1c4: {  	vm1 =	veq.f32 v9, v7;
	vm2 =	vlt.s32 v10, v8  }
0x1c5: {  	vm15 =	vgt.f32 v9, v7;
	vm1 =	vmand vm1, vm2  }
0x1c6: {  	vm1 =	vmor vm15, vm1  }
0x1c7: {  	v7 =	vsel vm1, v9, v7;
	v8 =	vsel vm1, v10, v8  }
0x1c8: {  	v9 =	vperm.xlane v7, v3;
	v10 =	vperm.xlane v8, v3;
	_ =	sdelay $0x1  }
0x1c9: {  	vm1 =	veq.f32 v9, v7;
	vm2 =	vlt.s32 v10, v8  }
0x1ca: {  	vm15 =	vgt.f32 v9, v7;
	vm1 =	vmand vm1, vm2  }
0x1cb: {  	vm1 =	vmor vm15, vm1  }
0x1cc: {  	v8 =	vsel vm1, v10, v8  }
0x1cd: {  	(v2sf) =	vpush v8, $0x0;
	_ =	sdelay $0xe  }
0x1ce: {  	s17 =	spop (v2sf)  }
0x1cf: {  	s18 =	ssub.s32 s17, s4  }
0x1d0: {  	p0 =	sgt.s32 s18, $0x0  }
0x1d1: {  	s18 =	simm.s32 @!p0 $0x0  }
0x1d2: {  	s18 =	smin.u32 s18, $0x13F  }
0x1d3: {  	v8 =	vld [tilespmem:s18+$0x780];
	_ =	sdelay $0x4  }
0x1d4: {  	(v2sf) =	vpush v8, $0x0;
	_ =	sdelay $0x7  }
0x1d5: {  	v8 =	vld.msk [tilespmem:s18+$0x0 ss:$0x0], $0xffff  }
0x1d6: {  	v29 =	vld.msk [tilespmem:s18+$0x180 ss:$0x0], $0xffff  }
0x1d7: {  	v7 =	vsel vm1, v9, v7;
	s17 =	scvt.s32.f32 s17;
	v30 =	vld.msk [tilespmem:s18+$0x300 ss:$0x0], $0xffff  }
0x1d8: {  	vm1 =	veq.s32 v4, $0x1;
	v7 =	vnsel vm0, $0x0, v7;
	s19 =	sor.u32 $0x600, s18;
	v11 =	vld.msk [tilespmem:s18+$0x480 ss:$0x0], $0xffff  }
0x1d9: {  	v7 =	vsel vm1, s17, v7;
	vm1 =	vcmask $0x1B18;
	v12 =	vld.msk [tilespmem:s19+$0x0 ss:$0x0], $0xffff  }
0x1da: {  	v7 =	vsel vm1, v8, v7  }
0x1db: {  	v7 =	vsel vm6, v7, v29  }
0x1dc: {  	v7 =	vsel vm7, v7, v30;
	s26 =	spop (v2sf)  }
0x1dd: {  	v7 =	vsel vm8, v7, v11;
	s17 =	scvt.s32.f32 s26  }
0x1de: {  	vm1 =	veq.s32 v4, $0xB;
	v7 =	vsel vm9, v7, v12  }
0x1df: {  	v7 =	vsel vm1, s17, v7  }
0x1e0: {  	[tilespmem:$0x1400] =	vst v7  }
0x1e1: {  	[spmem:s7] =	stream.linear.scatter [tilespmem:s10], [sflag:$0x1], $0x10, $0x38;
	[tilespmem:$0x1630] =	vst v63  }
0x1e2: {  	_ =	swait.ge [sflag:s11], $0x10  }
0x1e3: {  	[sflag:s11] =	ssyncset.done $0x0  }
0x1e4: {  	[sflag:s11] =	ssyncadd.s32 $0xFFFFFFF0  }
0x1e5: {  	[bflag:$0x0] =	sbarrier.arrive $0xFFFF  }
0x1e6: {  	[tilespmem:s12], [sflag:$0x1] =	stream.linear.gather [spmem:s8], $0x100, $0x38;
	[tilespmem:$0x1630] =	vst v63  }
0x1e7: {  	_ =	swait.ge [sflag:s11], $0x100  }
0x1e8: {  	[sflag:s11] =	ssyncset.done $0x0  }
0x1e9: {  	[sflag:s11] =	ssyncadd.s32 $0xFFFFFF00  }
0x1ea: {  	v15 =	vld [tilespmem:$0x1500];
	_ =	sdelay $0x4  }
0x1eb: {  	(v2sf) =	vpush v15, $0x0  }
0x1ec: {  	v17 =	vld [tilespmem:$0x1510];
	(v2sf) =	vpush v15, $0x1;
	_ =	sdelay $0x4  }
0x1ed: {  	(v2sf) =	vpush v17, $0x0  }
0x1ee: {  	(v2sf) =	vpush v17, $0x1  }
0x1ef: {  	v16 =	vld [tilespmem:$0x1520];
	_ =	sdelay $0x4  }
0x1f0: {  	(v2sf) =	vpush v16, $0x0  }
0x1f1: {  	(v2sf) =	vpush v16, $0x1  }
0x1f2: {  	v14 =	vld [tilespmem:$0x1530];
	s17 =	spop (v2sf)  }
0x1f3: {  	s18 =	spop (v2sf)  }
0x1f4: {  	p3 =	seq.f32 s17, $-3.000000010e+38;
	p1 =	slt.f32 s18, $3.000000010e+38  }
0x1f5: {  	_ = 	snop  }
0x1f6: {  	p2 =	sgt.f32 s17, $-3.000000010e+38;
	p0 =	por !p3, !p1  }
0x1f7: {  	(v2sf) =	vpush v14, $0x0;
	p0 =	por !p0, !p0  }
0x1f8: {  	s19 =	spop (v2sf);
	(v2sf) =	vpush v14, $0x1;
	p3 =	por p2, p0  }
0x1f9: {  	v31 =	vld [tilespmem:$0x1540];
	s20 =	spop (v2sf);
	s17 =	simm.s32 @!p3 $0xFF61B1E6;
	s18 =	simm.s32 @!p3 $0x7F61B1E6  }
0x1fa: {  	p4 =	seq.f32 s19, s17;
	p5 =	slt.f32 s20, s18  }
0x1fb: {  	_ = 	snop  }
0x1fc: {  	p6 =	sgt.f32 s19, s17;
	p0 =	por !p4, !p5  }
0x1fd: {  	p0 =	por !p0, !p0  }
0x1fe: {  	(v2sf) =	vpush v31, $0x0;
	p6 =	por p6, p0  }
0x1ff: {  	(v2sf) =	vpush v31, $0x1;
	s17 =	smov.u32 @p6 s19;
	s19 =	spop (v2sf)  }
0x200: {  	v13 =	vld [tilespmem:$0x1550];
	s18 =	smov.u32 @p6 s20;
	s20 =	spop (v2sf)  }
0x201: {  	p2 =	seq.f32 s19, s17;
	p4 =	slt.f32 s20, s18  }
0x202: {  	_ = 	snop  }
0x203: {  	p5 =	sgt.f32 s19, s17;
	p0 =	por !p2, !p4  }
0x204: {  	p0 =	por !p0, !p0  }
0x205: {  	(v2sf) =	vpush v13, $0x0;
	p1 =	por p5, p0  }
0x206: {  	s17 =	smov.u32 @p1 s19;
	s19 =	spop (v2sf);
	(v2sf) =	vpush v13, $0x1  }
0x207: {  	v32 =	vld [tilespmem:$0x1560];
	s18 =	smov.u32 @p1 s20;
	s20 =	spop (v2sf)  }
0x208: {  	p2 =	seq.f32 s19, s17;
	p5 =	slt.f32 s20, s18  }
0x209: {  	_ = 	snop  }
0x20a: {  	p4 =	sgt.f32 s19, s17;
	p0 =	por !p2, !p5  }
0x20b: {  	p0 =	por !p0, !p0  }
0x20c: {  	(v2sf) =	vpush v32, $0x0;
	p5 =	por p4, p0  }
0x20d: {  	s17 =	smov.u32 @p5 s19;
	s19 =	spop (v2sf);
	(v2sf) =	vpush v32, $0x1  }
0x20e: {  	v33 =	vld [tilespmem:$0x1570];
	s18 =	smov.u32 @p5 s20;
	s20 =	spop (v2sf)  }
0x20f: {  	p0 =	seq.f32 s19, s17;
	p2 =	slt.f32 s20, s18  }
0x210: {  	_ = 	snop  }
0x211: {  	p4 =	sgt.f32 s19, s17;
	p0 =	por !p0, !p2  }
0x212: {  	p0 =	por !p0, !p0  }
0x213: {  	(v2sf) =	vpush v33, $0x0;
	p0 =	por p4, p0  }
0x214: {  	s17 =	smov.u32 @p0 s19;
	s19 =	spop (v2sf);
	(v2sf) =	vpush v33, $0x1  }
0x215: {  	v7 =	vld [tilespmem:$0x1580];
	s18 =	smov.u32 @p0 s20;
	s20 =	spop (v2sf)  }
0x216: {  	p4 =	seq.f32 s19, s17;
	p2 =	slt.f32 s20, s18  }
0x217: {  	s21 =	simm.s32 @!p0 $0x0  }
0x218: {  	s21 =	simm.s32 @p0 $0x1;
	p0 =	por !p4, !p2;
	p2 =	sgt.f32 s19, s17  }
0x219: {  	p0 =	por !p0, !p0  }
0x21a: {  	(v2sf) =	vpush v7, $0x0;
	p4 =	por p2, p0  }
0x21b: {  	s17 =	smov.u32 @p4 s19;
	s19 =	spop (v2sf);
	(v2sf) =	vpush v7, $0x1  }
0x21c: {  	v8 =	vld [tilespmem:$0x1590];
	s18 =	smov.u32 @p4 s20;
	s20 =	spop (v2sf)  }
0x21d: {  	p0 =	seq.f32 s19, s17;
	p2 =	slt.f32 s20, s18  }
0x21e: {  	_ = 	snop  }
0x21f: {  	p0 =	por !p0, !p2;
	p2 =	sgt.f32 s19, s17  }
0x220: {  	[smem:$0x7FA] =	sst s21;
	s21 =	simm.f32 $1.000000000e+00;
	p0 =	por !p0, !p0  }
0x221: {  	s21 =	simm.s32 @!p3 $0x0;
	(v2sf) =	vpush v8, $0x0;
	p3 =	por p2, p0  }
0x222: {  	v34 =	vmov s21;
	s17 =	smov.u32 @p3 s19;
	s19 =	spop (v2sf);
	(v2sf) =	vpush v8, $0x1  }
0x223: {  	v35 =	vld [tilespmem:$0x15A0];
	v18 =	vsub.f32 $1.000000000e+00, v34;
	s18 =	smov.u32 @p3 s20;
	s20 =	spop (v2sf)  }
0x224: {  	s22 =	simm.f32 $1.000000000e+00;
	p0 =	seq.f32 s19, s17;
	p2 =	slt.f32 s20, s18  }
0x225: {  	s22 =	simm.s32 @!p6 $0x0;
	v15 =	vmul.f32 s21, v15;
	v18 =	vmul.f32 $0.0e+00, v18  }
0x226: {  	v19 =	vmov s22;
	p6 =	sgt.f32 s19, s17;
	p0 =	por !p0, !p2  }
0x227: {  	v36 =	vsub.f32 $1.000000000e+00, v19;
	s21 =	simm.f32 $1.000000000e+00;
	v15 =	vadd.f32 v18, v15;
	p0 =	por !p0, !p0  }
0x228: {  	s21 =	simm.s32 @!p1 $0x0;
	(v2sf) =	vpush v35, $0x0;
	p1 =	por p6, p0  }
0x229: {  	v17 =	vmul.f32 s22, v17;
	v18 =	vmul.f32 v36, v15;
	s17 =	smov.u32 @p1 s19;
	s19 =	spop (v2sf);
	(v2sf) =	vpush v35, $0x1  }
0x22a: {  	v38 =	vld [tilespmem:$0x15B0];
	v37 =	vmov s21;
	s18 =	smov.u32 @p1 s20;
	s20 =	spop (v2sf)  }
0x22b: {  	v16 =	vmul.f32 s21, v16;
	s21 =	simm.f32 $1.000000000e+00;
	v39 =	vsub.f32 $1.000000000e+00, v37;
	v17 =	vadd.f32 v18, v17;
	p2 =	seq.f32 s19, s17;
	p6 =	slt.f32 s20, s18  }
0x22c: {  	s21 =	simm.s32 @!p5 $0x0  }
0x22d: {  	s28 =	sld [smem:$0x7FA];
	v40 =	vmov s21;
	v17 =	vmul.f32 v39, v17;
	p0 =	por !p2, !p6;
	p6 =	sgt.f32 s19, s17  }
0x22e: {  	v41 =	vsub.f32 $1.000000000e+00, v40;
	p0 =	por !p0, !p0  }
0x22f: {  	v42 =	vld [tilespmem:$0x15C0];
	v14 =	vmul.f32 s21, v14;
	s21 =	simm.f32 $1.000000000e+00;
	v17 =	vadd.f32 v17, v16;
	(v2sf) =	vpush v38, $0x0;
	p5 =	por p6, p0  }
0x230: {  	p6 =	seq.s32 s28, $0x1;
	s17 =	smov.u32 @p5 s19;
	s19 =	spop (v2sf);
	(v2sf) =	vpush v38, $0x1  }
0x231: {  	v17 =	vmul.f32 v41, v17;
	s18 =	smov.u32 @p5 s20;
	s21 =	simm.s32 @!p6 $0x0;
	s20 =	spop (v2sf)  }
0x232: {  	p0 =	seq.f32 s19, s17;
	v43 =	vmov s21;
	p2 =	slt.f32 s20, s18  }
0x233: {  	v14 =	vadd.f32 v17, v14;
	v17 =	vsub.f32 $1.000000000e+00, v43  }
0x234: {  	v44 =	vld [tilespmem:$0x15D0];
	s22 =	simm.f32 $1.000000000e+00;
	p6 =	sgt.f32 s19, s17;
	(v2sf) =	vpush v42, $0x0;
	p0 =	por !p0, !p2  }
0x235: {  	s22 =	simm.s32 @!p4 $0x0;
	v12 =	vmul.f32 s21, v31;
	(v2sf) =	vpush v42, $0x1;
	v14 =	vmul.f32 v17, v14;
	p0 =	por !p0, !p0  }
0x236: {  	v45 =	vmov s22;
	p2 =	por p6, p0  }
0x237: {  	v46 =	vsub.f32 $1.000000000e+00, v45;
	v12 =	vadd.f32 v14, v12;
	s17 =	smov.u32 @p2 s19;
	s19 =	spop (v2sf)  }
0x238: {  	s21 =	simm.f32 $1.000000000e+00;
	s18 =	smov.u32 @p2 s20;
	s20 =	spop (v2sf)  }
0x239: {  	v13 =	vmul.f32 s22, v13;
	s21 =	simm.s32 @!p3 $0x0;
	(v2sf) =	vpush v44, $0x0;
	p4 =	seq.f32 s19, s17;
	v12 =	vmul.f32 v46, v12;
	p6 =	slt.f32 s20, s18  }
0x23a: {  	v47 =	vmov s21;
	(v2sf) =	vpush v44, $0x1  }
0x23b: {  	v48 =	vsub.f32 $1.000000000e+00, v47;
	v12 =	vadd.f32 v12, v13;
	p0 =	por !p4, !p6;
	p6 =	sgt.f32 s19, s17  }
0x23c: {  	s22 =	simm.f32 $1.000000000e+00;
	p0 =	por !p0, !p0  }
0x23d: {  	s22 =	simm.s32 @!p1 $0x0;
	v11 =	vmul.f32 s21, v32;
	v12 =	vmul.f32 v48, v12;
	p1 =	por p6, p0  }
0x23e: {  	v49 =	vld [tilespmem:$0x15E0];
	v50 =	vmov s22;
	s17 =	smov.u32 @p1 s19;
	s19 =	spop (v2sf)  }
0x23f: {  	v51 =	vsub.f32 $1.000000000e+00, v50;
	s21 =	simm.f32 $1.000000000e+00;
	s18 =	smov.u32 @p1 s20;
	v11 =	vadd.f32 v12, v11;
	s20 =	spop (v2sf)  }
0x240: {  	s21 =	simm.s32 @!p5 $0x0;
	p4 =	seq.f32 s19, s17;
	p6 =	slt.f32 s20, s18  }
0x241: {  	v9 =	vmul.f32 s22, v33;
	v52 =	vmov s21;
	v11 =	vmul.f32 v51, v11  }
0x242: {  	v53 =	vsub.f32 $1.000000000e+00, v52;
	p0 =	por !p4, !p6;
	p4 =	sgt.f32 s19, s17  }
0x243: {  	v54 =	vld [tilespmem:$0x15F0];
	(v2sf) =	vpush v49, $0x0;
	s22 =	spop (v2sf);
	v9 =	vadd.f32 v11, v9;
	p0 =	por !p0, !p0  }
0x244: {  	(v2sf) =	vpush v49, $0x1;
	s23 =	spop (v2sf);
	p3 =	por p4, p0  }
0x245: {  	v7 =	vmul.f32 s21, v7;
	v9 =	vmul.f32 v53, v9;
	s17 =	smov.u32 @p3 s19;
	s19 =	simm.f32 $1.000000000e+00;
	s18 =	smov.u32 @p3 s20  }
0x246: {  	s19 =	simm.s32 @!p2 $0x0;
	p5 =	seq.f32 s22, s17;
	p6 =	slt.f32 s23, s18  }
0x247: {  	v7 =	vadd.f32 v9, v7;
	v55 =	vmov s19  }
0x248: {  	p4 =	sgt.f32 s22, s17;
	s21 =	spop (v2sf);
	(v2sf) =	vpush v54, $0x0;
	v56 =	vsub.f32 $1.000000000e+00, v55;
	p0 =	por !p5, !p6  }
0x249: {  	s20 =	simm.f32 $1.000000000e+00;
	v8 =	vmul.f32 s19, v8;
	s19 =	spop (v2sf);
	(v2sf) =	vpush v54, $0x1;
	p0 =	por !p0, !p0  }
0x24a: {  	s20 =	simm.s32 @!p1 $0x0;
	v7 =	vmul.f32 v56, v7;
	p1 =	por p4, p0  }
0x24b: {  	v57 =	vmov s20;
	s17 =	smov.u32 @p1 s22;
	s18 =	smov.u32 @p1 s23  }
0x24c: {  	v7 =	vadd.f32 v7, v8;
	v8 =	vsub.f32 $1.000000000e+00, v57;
	p5 =	seq.f32 s21, s17;
	p6 =	slt.f32 s19, s18  }
0x24d: {  	s22 =	simm.f32 $1.000000000e+00  }
0x24e: {  	v58 =	vmul.f32 s20, v35;
	s22 =	simm.s32 @!p3 $0x0;
	p3 =	sgt.f32 s21, s17;
	v7 =	vmul.f32 v8, v7;
	p0 =	por !p5, !p6  }
0x24f: {  	v8 =	vmov s22;
	p0 =	por !p0, !p0  }
0x250: {  	v8 =	vsub.f32 $1.000000000e+00, v8;
	v7 =	vadd.f32 v7, v58;
	p2 =	por p3, p0  }
0x251: {  	s17 =	smov.u32 @p2 s21;
	s21 =	simm.f32 $1.000000000e+00  }
0x252: {  	s20 =	spop (v2sf);
	v59 =	vmul.f32 s22, v38;
	v7 =	vmul.f32 v8, v7;
	s21 =	simm.s32 @!p1 $0x0  }
0x253: {  	s23 =	spop (v2sf);
	s18 =	smov.u32 @p2 s19;
	v8 =	vmov s21  }
0x254: {  	p4 =	seq.f32 s20, s17;
	p5 =	slt.f32 s23, s18;
	v7 =	vadd.f32 v7, v59;
	v8 =	vsub.f32 $1.000000000e+00, v8  }
0x255: {  	s19 =	simm.f32 $1.000000000e+00  }
0x256: {  	p6 =	sgt.f32 s20, s17;
	s19 =	simm.s32 @!p2 $0x0;
	v60 =	vmul.f32 s21, v42;
	p0 =	por !p4, !p5;
	v7 =	vmul.f32 v8, v7  }
0x257: {  	p0 =	por !p0, !p0;
	s29 =	spop (v2sf);
	v8 =	vmov s19  }
0x258: {  	p0 =	por p6, p0;
	s30 =	spop (v2sf);
	v8 =	vsub.f32 $1.000000000e+00, v8;
	v7 =	vadd.f32 v7, v60  }
0x259: {  	s17 =	smov.u32 @p0 s20;
	s20 =	simm.f32 $1.000000000e+00;
	s18 =	smov.u32 @p0 s23  }
0x25a: {  	v61 =	vmul.f32 s19, v44;
	s20 =	simm.s32 @!p0 $0x0;
	p0 =	slt.f32 s30, s18;
	v7 =	vmul.f32 v8, v7  }
0x25b: {  	p1 =	seq.f32 s29, s17;
	s18 =	simm.f32 $1.000000000e+00;
	v8 =	vmov s20  }
0x25c: {  	p2 =	sgt.f32 s29, s17;
	s18 =	simm.s32 @!p0 $0x0;
	v8 =	vsub.f32 $1.000000000e+00, v8;
	v7 =	vadd.f32 v7, v61  }
0x25d: {  	s18 =	simm.s32 @!p1 $0x0  }
0x25e: {  	v62 =	vmul.f32 s20, v49;
	s18 =	simm.s32 @p2 $0x3F800000;
	v7 =	vmul.f32 v8, v7  }
0x25f: {  	v8 =	vmov s18  }
0x260: {  	v8 =	vsub.f32 $1.000000000e+00, v8;
	v7 =	vadd.f32 v7, v62;
	_ =	sdelay $0x1  }
0x261: {  	v63 =	vmul.f32 s18, v54;
	v7 =	vmul.f32 v8, v7  }
0x262: {  	s31 =	sld [smem:$0x7FB]  }
0x263: {  	v7 =	vadd.f32 v7, v63;
	_ =	sdelay $0x1  }
0x264: {  	s17 =	simm.f32 $0.0e+00;
	p2 =	seq.s32 s31, $0x1;
	[tilespmem:$0x1480] =	vst v7  }
.LBB2_9:
0x265: {  	v7 =	vld [tilespmem:$0x1480];
	_ =	sdelay $0x1  }
0x266: {  	v8 =	vmov s17  }
0x267: {  	v8 =	vsub.f32 $1.000000000e+00, v8;
	_ =	sdelay $0x1  }
0x268: {  	v6 =	vmul.f32 s17, v6;
	v7 =	vmul.f32 v8, v7;
	_ =	sdelay $0x1  }
0x269: {  	v6 =	vadd.f32 v7, v6;
	_ =	sdelay $0x1  }
0x26a: {  	(v2sf) =	vpush v6, $0x1;
	_ =	sdelay $0xe  }
0x26b: {  	s30 =	spop (v2sf)  }
0x26c: {  	s17 =	scvt.f32.s32 s30;
	_ =	sdelay $0x1  }
0x26d: {  	s18 =	ssub.s32 s17, s4  }
0x26e: {  	p0 =	sgt.s32 s18, $0x0  }
0x26f: {  	s18 =	simm.s32 @!p0 $0x0  }
0x270: {  	s18 =	smin.u32 s18, $0x13F  }
0x271: {  	v7 =	vld [tilespmem:s18+$0x1080];
	_ =	sdelay $0x3  }
0x272: {  	(v2sf) =	vpush v6, $0xB  }
0x273: {  	(v2sf) =	vpush v7, $0x0;
	_ =	sdelay $0xd  }
0x274: {  	s19 =	spop (v2sf)  }
0x275: {  	s31 =	sld [smem:$0x7FD];
	s20 =	spop (v2sf)  }
0x276: {  	p0 =	sgt.s32 s13, s17;
	s21 =	smov.u32 s20  }
0x277: {  	p1 =	sge.s32 s17, s4;
	s21 =	simm.s32 @p0 $0xF149F2CA  }
0x278: {  	s20 =	smov.u32 @p1 s21;
	p1 =	seq.s32 s31, $0x1  }
0x279: {  	vm1 =	veq.s32 v4, $0x0;
	s17 =	smul.u32 @!p1 $0x14, s16  }
0x27a: {  	v7 =	vsel vm1, s20, v7  }
0x27b: {  	v8 =	vbroadcast @!p1 v6, $0xA;
	[tilespmem:s18+$0x1080] =	vst v7;
	v7 =	vbroadcast @!p1 v6, $0x9;
	s17 =	sshra.s32 @!p1 s17, $0x2  }
0x27c: {  	v9 =	vbroadcast @!p1 v6, $0x8;
	v10 =	vld @!p1 [tilespmem:s17+$0x1200]  }
0x27d: {  	v7 =	vsel @!p1 vm10, v8, v7;
	v8 =	vbroadcast @!p1 v6, $0x7  }
0x27e: {  	v7 =	vsel @!p1 vm11, v7, v9;
	v9 =	vbroadcast @!p1 v6, $0x6  }
0x27f: {  	v7 =	vsel @!p1 vm12, v7, v8  }
0x280: {  	v7 =	vsel @!p1 vm13, v7, v9  }
0x281: {  	v7 =	vsel @!p1 vm14, v7, v10  }
0x282: {  	[tilespmem:s17+$0x1200] =	vst @!p1 v7  }
0x283: {  	v7 =	vld @!p1 [tilespmem:s16+$0x1300];
	_ =	sdelay $0x2  }
0x284: {  	v8 =	vlaneseq.u32 @!p1;
	s17 =	scvt.f32.s32 s19  }
0x285: {  	vm1 =	veq.s32 @!p1 v8, $0x0  }
0x286: {  	v7 =	vsel @!p1 vm1, s17, v7  }
0x287: {  	[tilespmem:s16+$0x1300] =	vst @!p1 v7;
	v7 =	vld @!p1 [tilespmem:s16+$0x1380];
	_ =	sdelay $0x2  }
.Ltmp6:
0x288: {  	s18 =	simm.s32 $0x1;
	(pc) =	sbr.rel @!p2 .LBB2_17-.Ltmp6, $4  }
0x289: {  	s18 =	simm.s32 @!p2 $0x0  }
0x28a: {  	s20 =	smov.u32 s18;
	s19 =	smov.u32 s18;
	p0 =	seq.s32 s17, $0x1;
	v7 =	vsel @!p1 vm1, s18, v7  }
0x28b: {  	s19 =	simm.s32 @!p0 $0x0;
	s20 =	simm.s32 @p0 $0x0;
	[tilespmem:s16+$0x1380] =	vst @!p1 v7  }
0x28c: {  	s15 =	sadd.s32 s15, s19;
	s14 =	sadd.s32 s14, s20;
	[tilespmem:$0x1400] =	vst v5  }
0x28d: {  	(v2sf) =	vpush v6, $0x2  }
0x28e: {  	(v2sf) =	vpush v6, $0x3  }
0x28f: {  	(v2sf) =	vpush v6, $0x4  }
0x290: {  	(v2sf) =	vpush v6, $0x5;
	_ =	sdelay $0x6  }
0x291: {  	s18 =	sadd.s32 $0xFFFFFFFF, s17  }
0x292: {  	s21 =	smov.u32 s14;
	p0 =	seq.s32 s18, $0x0  }
0x293: {  	s21 =	smov.u32 @p0 s15  }
0x294: {  	p0 =	sne.s32 s21, $0xF  }
.Ltmp7:
0x295: {  	_ = 	snop;
	(pc) =	sbr.rel @p0 .LBB2_14-.Ltmp7, $4  }
0x296: {  	s17 =	spop (v2sf)  }
0x297: {  	s19 =	spop (v2sf)  }
0x298: {  	s20 =	spop (v2sf)  }
0x299: {  	s21 =	spop (v2sf)  }
0x29a: {  	s22 =	simm.s32 $0x0  }
0x29b: {  	v7 =	vld [tilespmem:s22+$0x780]  }
0x29c: {  	s23 =	ssub.s32 $0x0, s18  }
0x29d: {  	s18 =	smin.u32 s18, s23  }
0x29e: {  	p0 =	slt.s32 s18, $0x1  }
0x29f: {  	s18 =	simm.s32 @!p0 $0x1  }
0x2a0: {  	s31 =	ssub.s32 $0x1, s18;
	s18 =	simm.s32 $0x10;
	v9 =	vadd.s32 $0xFFFFFFFF, v7  }
0x2a1: {  	s23 =	simm.s32 $0x80;
	v8 =	vld [tilespmem:s18+$0x780];
	v7 =	vmov s31;
	v10 =	vsub.s32 $0x0, v9  }
.LBB2_12:
0x2a2: {  	p1 =	sne.s32 s23, $0x4C0;
	v9 =	vmin.u32 v9, v10;
	v10 =	vld [tilespmem:s22+$0xF00]  }
0x2a3: {  	vm1 =	vlt.s32 v9, $0x1  }
.Ltmp8:
0x2a4: {  	v9 =	vnsel vm1, $0x1, v9;
	(pc) =	sbr.rel @p1 .LBB2_12-.Ltmp8, $4  }
0x2a5: {  	v9 =	vsub.s32 $0x1, v9  }
0x2a6: {  	vm1 =	veq.s32 v9, v7  }
0x2a7: {  	s24 =	sshra.s32 s23, $0x2;
	v9 =	vadd.s32 $0xFFFFFFFF, v8;
	v11 =	vsel vm1, $0xF149F2CA, v10  }
0x2a8: {  	s23 =	sadd.s32 $0x40, s23;
	v10 =	vsub.s32 $0x0, v9;
	v8 =	vld [tilespmem:s24+$0x780];
	[tilespmem:s22+$0xF00] =	vst v11;
	s22 =	smov.u32 s18;
	s18 =	smov.u32 s24  }
0x2a9: {  	v9 =	vmin.u32 v9, v10;
	v62 =	vld [tilespmem:s22+$0xF00]  }
0x2aa: {  	vm1 =	vlt.s32 v9, $0x1  }
0x2ab: {  	v9 =	vnsel vm1, $0x1, v9  }
0x2ac: {  	v9 =	vsub.s32 $0x1, v9  }
0x2ad: {  	vm1 =	veq.s32 v9, v7  }
0x2ae: {  	v8 =	vadd.s32 $0xFFFFFFFF, v8;
	v9 =	vsel vm1, $0xF149F2CA, v62  }
0x2af: {  	v63 =	vsub.s32 $0x0, v8;
	[tilespmem:s22+$0xF00] =	vst v9  }
0x2b0: {  	v8 =	vmin.u32 v8, v63;
	v9 =	vld [tilespmem:s18+$0xF00]  }
0x2b1: {  	vm1 =	vlt.s32 v8, $0x1  }
0x2b2: {  	v8 =	vnsel vm1, $0x1, v8  }
0x2b3: {  	v8 =	vsub.s32 $0x1, v8  }
0x2b4: {  	vm1 =	veq.s32 v8, v7  }
0x2b5: {  	v7 =	vsel vm1, $0xF149F2CA, v9  }
0x2b6: {  	[tilespmem:s18+$0xF00] =	vst v7  }
.LBB2_14:
0x2b7: {  	s18 =	simm.s32 $0x0  }
0x2b8: {  	v11 =	vld [tilespmem:s18+$0x930]  }
0x2b9: {  	v12 =	vld [tilespmem:s18+$0xAB0]  }
0x2ba: {  	v13 =	vld [tilespmem:s18+$0xC30]  }
0x2bb: {  	v14 =	vld [tilespmem:s18+$0xDB0]  }
0x2bc: {  	v15 =	vld [tilespmem:s18+$0x920]  }
0x2bd: {  	v16 =	vld [tilespmem:s18+$0xAA0]  }
0x2be: {  	s17 =	ssub.f32 s20, s17;
	v17 =	vld [tilespmem:s18+$0xC20]  }
0x2bf: {  	s19 =	ssub.f32 s21, s19;
	v18 =	vld [tilespmem:s18+$0xDA0]  }
0x2c0: {  	v19 =	vld [tilespmem:s18+$0x910]  }
0x2c1: {  	v8 =	vbroadcast v6, $0x2;
	v9 =	vbroadcast v6, $0x3;
	v20 =	vld [tilespmem:s18+$0xA90];
	s17 =	smul.f32 s19, s17  }
0x2c2: {  	v10 =	vbroadcast v6, $0x4;
	v7 =	vbroadcast v6, $0x5;
	v21 =	vimm.f32 $-1.000000020e+30;
	v22 =	vld [tilespmem:s18+$0xC10]  }
0x2c3: {  	v23 =	vld [tilespmem:s18+$0xD90];
	v6 =	vmov s17;
	v25 =	vmax.f32 v8, v11;
	v26 =	vmax.f32 v9, v12  }
0x2c4: {  	v24 =	vld [tilespmem:s18+$0x900];
	v28 =	vmin.f32 v10, v13;
	v29 =	vmin.f32 v7, v14;
	v11 =	vsub.f32 v13, v11  }
0x2c5: {  	v27 =	vld [tilespmem:s18+$0xA80];
	v30 =	vmax.f32 v8, v15;
	v31 =	vmax.f32 v9, v16;
	v12 =	vsub.f32 v14, v12  }
0x2c6: {  	v13 =	vld [tilespmem:s18+$0xC00];
	v32 =	vmin.f32 v10, v17;
	v33 =	vmin.f32 v7, v18;
	v15 =	vsub.f32 v17, v15  }
0x2c7: {  	v14 =	vld [tilespmem:s18+$0xD80];
	v17 =	vmax.f32 v8, v19;
	v34 =	vmax.f32 v9, v20;
	v16 =	vsub.f32 v18, v16  }
0x2c8: {  	v18 =	vmin.f32 v10, v22;
	v19 =	vsub.f32 v22, v19;
	v20 =	vsub.f32 v23, v20  }
0x2c9: {  	v35 =	vmin.f32 v7, v23;
	v25 =	vsub.f32 v28, v25;
	v26 =	vsub.f32 v29, v26  }
0x2ca: {  	v22 =	vmax.f32 v8, v24;
	v28 =	vsub.f32 v32, v30;
	v17 =	vsub.f32 v18, v17  }
0x2cb: {  	v11 =	vmul.f32 v12, v11;
	v23 =	vsub.f32 v13, v24;
	v24 =	vmax.f32 v9, v27  }
0x2cc: {  	s17 =	simm.s32 $0x40;
	v27 =	vsub.f32 v14, v27;
	v13 =	vmin.f32 v10, v13;
	v14 =	vmin.f32 v7, v14  }
0x2cd: {  	v56 =	vld [tilespmem:s17+$0xC20];
	v15 =	vmul.f32 v16, v15;
	v13 =	vsub.f32 v13, v22;
	v14 =	vsub.f32 v14, v24  }
0x2ce: {  	v57 =	vld [tilespmem:s17+$0xDA0];
	v18 =	vsub.f32 v33, v31;
	v19 =	vmul.f32 v20, v19;
	v12 =	vmul.f32 v27, v23  }
0x2cf: {  	v58 =	vld [tilespmem:s17+$0x910];
	v23 =	vsub.f32 v35, v34;
	v13 =	vmax.f32 v13, $0.0e+00;
	v14 =	vmax.f32 v14, $0.0e+00  }
0x2d0: {  	v39 =	vld [tilespmem:s17+$0xC10];
	v18 =	vmax.f32 v18, $0.0e+00;
	v55 =	vmul.f32 v14, v13;
	v12 =	vadd.f32 v12, v6  }
0x2d1: {  	v45 =	vld [tilespmem:s17+$0x900];
	v13 =	vmax.f32 v28, $0.0e+00;
	v14 =	vmax.f32 v17, $0.0e+00;
	v17 =	vmax.f32 v23, $0.0e+00  }
0x2d2: {  	v29 =	vld [tilespmem:s17+$0xAA0];
	v36 =	vmul.f32 v17, v14;
	v14 =	vadd.f32 v19, v6;
	v12 =	vsub.f32 v12, v55  }
0x2d3: {  	v30 =	vld [tilespmem:s17+$0xA80];
	v15 =	vadd.f32 v15, v6;
	v38 =	vmul.f32 v18, v13;
	v13 =	vmax.f32 v25, $0.0e+00  }
0x2d4: {  	v16 =	vld [tilespmem:s17+$0xAB0];
	v17 =	vmax.f32 v26, $0.0e+00;
	v14 =	vsub.f32 v14, v36;
	v12 =	vmax.f32 v12, $9.999999930e-09  }
0x2d5: {  	v42 =	vimm.s32 $0x0;
	v22 =	vld [tilespmem:s17+$0x930];
	v43 =	vmul.f32 v17, v13;
	(erf) = vrcp.f32 v12  }
0x2d6: {  	v27 =	vld [tilespmem:s17+$0xC30];
	v13 =	vsub.f32 v15, v38;
	v12 =	vmax.f32 v14, $9.999999930e-09;
	v14 =	vadd.f32 v11, v6  }
0x2d7: {  	v44 =	vor.u32 s4, v4;
	v31 =	vmin.f32 v10, v56;
	v28 =	vld [tilespmem:s17+$0xDB0];
	(erf) = vrcp.f32 v12  }
0x2d8: {  	v32 =	vmax.f32 v8, v58;
	v23 =	vld [tilespmem:s17+$0x920];
	v17 =	vmax.f32 v13, $9.999999930e-09;
	v14 =	vsub.f32 v14, v43  }
0x2d9: {  	v33 =	vmin.f32 v10, v39;
	v34 =	vmax.f32 v8, v45;
	(erf) = vrcp.f32 v17  }
0x2da: {  	v40 =	vld [tilespmem:s17+$0xD90];
	v35 =	vmax.f32 v9, v30;
	v18 =	vmax.f32 v9, v16;
	v17 =	vmax.f32 v14, $9.999999930e-09  }
0x2db: {  	s30 =	sadd.s32 $0x30, s4;
	v37 =	vld [tilespmem:s17+$0xA90];
	v19 =	vmax.f32 v9, v29;
	v25 =	vmin.f32 v7, v57;
	(erf) = vrcp.f32 v17  }
0x2dc: {  	v46 =	vld [tilespmem:s17+$0xC00];
	v15 =	vmax.f32 v8, v22;
	v20 =	vmin.f32 v10, v27;
	v11 =	vor.u32 s30, v4  }
0x2dd: {  	s31 =	sadd.s32 $0x20, s4;
	v47 =	vld [tilespmem:s18+$0xF00];
	v13 =	vor.u32 s9, v4;
	v24 =	vmin.f32 v7, v28;
	v26 =	vmax.f32 v8, v23  }
0x2de: {  	v12 =	vor.u32 s31, v4;
	v14 =	vsub.f32 v27, v22;
	v22 =	vsub.f32 v57, v29;
	v27 =	vpop (erf)  }
0x2df: {  	v48 =	vld [tilespmem:s18+$0xF10];
	v29 =	vmin.f32 v7, v40;
	v17 =	vsub.f32 v28, v16;
	v41 =	vmul.f32 v27, v55  }
0x2e0: {  	v16 =	vsub.f32 v56, v23;
	v23 =	vmax.f32 v9, v37;
	v28 =	vsub.f32 v40, v37;
	v59 =	vpop (erf)  }
0x2e1: {  	v37 =	vsub.f32 v46, v45;
	v60 =	vmul.f32 v59, v36;
	v36 =	vld [tilespmem:s18+$0xF20];
	vm1 =	vgt.f32 v41, $5.000000000e-01  }
0x2e2: {  	v27 =	vsub.f32 v39, v58;
	v39 =	vmin.f32 v10, v46;
	v62 =	vpop (erf);
	v41 =	vld [tilespmem:s17+$0xD80];
	v61 =	vsel vm1, $0xF149F2CA, v47  }
0x2e3: {  	v46 =	vmul.f32 v62, v38;
	v38 =	vld [tilespmem:s18+$0xF30];
	vm2 =	vgt.f32 v60, $5.000000000e-01;
	vm1 =	vgt.f32 v61, v21  }
0x2e4: {  	[tilespmem:s18+$0xF00] =	vst v61;
	v63 =	vpop (erf);
	v40 =	vsel vm1, v61, v21;
	v21 =	vsel vm1, v44, v42;
	v42 =	vsel vm2, $0xF149F2CA, v48  }
0x2e5: {  	s20 =	simm.s32 $0x200;
	s19 =	smov.u32 s4;
	vm1 =	vgt.f32 v46, $5.000000000e-01;
	v43 =	vmul.f32 v63, v43;
	[tilespmem:s18+$0xF10] =	vst v42;
	vm15 =	vgt.f32 v42, v40  }
.LBB2_15:
0x2e6: {  	p1 =	sne.s32 s20, $0x400;
	v40 =	vsel vm15, v42, v40;
	v13 =	vsel vm15, v13, v21;
	v21 =	vsel vm1, $0xF149F2CA, v36  }
0x2e7: {  	v30 =	vsub.f32 v41, v30;
	vm2 =	vgt.f32 v43, $5.000000000e-01;
	[tilespmem:s18+$0xF20] =	vst v21;
	vm1 =	vgt.f32 v21, v40  }
0x2e8: {  	v21 =	vsel vm1, v21, v40;
	v12 =	vsel vm1, v12, v13;
	v13 =	vsel vm2, $0xF149F2CA, v38  }
0x2e9: {  	v15 =	vsub.f32 v20, v15;
	v18 =	vsub.f32 v24, v18;
	[tilespmem:s18+$0xF30] =	vst v13;
	vm1 =	vgt.f32 v13, v21;
	s18 =	smov.u32 s17  }
0x2ea: {  	v20 =	vsub.f32 v31, v26;
	v21 =	vsel vm1, v13, v21;
	v42 =	vsel vm1, v11, v12  }
0x2eb: {  	v11 =	vmin.f32 v7, v41;
	v12 =	vsub.f32 v33, v32;
	v13 =	vsub.f32 v25, v19  }
0x2ec: {  	v14 =	vmul.f32 v17, v14;
	s17 =	sshra.s32 s20, $0x2;
	v19 =	vsub.f32 v39, v34;
	v11 =	vsub.f32 v11, v35  }
0x2ed: {  	v23 =	vsub.f32 v29, v23;
	v16 =	vmul.f32 v22, v16;
	v24 =	vmul.f32 v30, v37;
	v17 =	vld [tilespmem:s17+$0x930]  }
0x2ee: {  	v25 =	vmul.f32 v28, v27;
	v19 =	vmax.f32 v19, $0.0e+00;
	v11 =	vmax.f32 v11, $0.0e+00;
	v22 =	vld [tilespmem:s17+$0xAB0]  }
0x2ef: {  	v27 =	vmul.f32 v11, v19;
	v11 =	vadd.f32 v24, v6;
	v19 =	vmax.f32 v20, $0.0e+00;
	v26 =	vld [tilespmem:s17+$0xC30]  }
0x2f0: {  	v12 =	vmax.f32 v12, $0.0e+00;
	v13 =	vmax.f32 v13, $0.0e+00;
	v20 =	vmax.f32 v23, $0.0e+00;
	v28 =	vld [tilespmem:s17+$0xDB0]  }
0x2f1: {  	v36 =	vmul.f32 v20, v12;
	v12 =	vadd.f32 v25, v6;
	v11 =	vsub.f32 v11, v27;
	v23 =	vld [tilespmem:s17+$0x920]  }
0x2f2: {  	v38 =	vmul.f32 v13, v19;
	v13 =	vmax.f32 v15, $0.0e+00;
	v15 =	vmax.f32 v18, $0.0e+00;
	v29 =	vld [tilespmem:s17+$0xAA0]  }
0x2f3: {  	v16 =	vadd.f32 v16, v6;
	v12 =	vsub.f32 v12, v36;
	v11 =	vmax.f32 v11, $9.999999930e-09;
	v32 =	vld [tilespmem:s17+$0xC20]  }
0x2f4: {  	s19 =	sadd.s32 $0x40, s19;
	v43 =	vmul.f32 v15, v13;
	v33 =	vld [tilespmem:s17+$0xDA0];
	(erf) = vrcp.f32 v11  }
0x2f5: {  	s21 =	sadd.s32 $0x30, s19;
	v14 =	vadd.f32 v14, v6;
	v13 =	vsub.f32 v16, v38;
	v12 =	vmax.f32 v12, $9.999999930e-09;
	v35 =	vld [tilespmem:s17+$0x910]  }
0x2f6: {  	v44 =	vor.u32 s19, v4;
	s22 =	sadd.s32 $0x20, s19;
	v11 =	vor.u32 s21, v4;
	v37 =	vld [tilespmem:s17+$0xA90];
	(erf) = vrcp.f32 v12  }
0x2f7: {  	v14 =	vsub.f32 v14, v43;
	v16 =	vmax.f32 v13, $9.999999930e-09;
	s21 =	sadd.s32 $0x10, s19;
	v12 =	vor.u32 s22, v4;
	v39 =	vld [tilespmem:s17+$0xC10]  }
0x2f8: {  	v15 =	vmax.f32 v8, v17;
	v13 =	vor.u32 s21, v4;
	v40 =	vld [tilespmem:s17+$0xD90];
	(erf) = vrcp.f32 v16  }
0x2f9: {  	v18 =	vmax.f32 v9, v22;
	v20 =	vmin.f32 v10, v26;
	v16 =	vmax.f32 v14, $9.999999930e-09;
	v45 =	vld [tilespmem:s17+$0x900]  }
0x2fa: {  	v24 =	vmin.f32 v7, v28;
	v14 =	vsub.f32 v26, v17;
	v30 =	vld [tilespmem:s17+$0xA80];
	(erf) = vrcp.f32 v16  }
0x2fb: {  	v19 =	vmax.f32 v9, v29;
	v26 =	vmax.f32 v8, v23;
	v17 =	vsub.f32 v28, v22;
	v46 =	vld [tilespmem:s17+$0xC00]  }
0x2fc: {  	v31 =	vmin.f32 v10, v32;
	v25 =	vmin.f32 v7, v33;
	v16 =	vsub.f32 v32, v23;
	v47 =	vld [tilespmem:s18+$0xF00]  }
0x2fd: {  	v22 =	vsub.f32 v33, v29;
	v32 =	vmax.f32 v8, v35;
	v23 =	vmax.f32 v9, v37;
	v28 =	vpop (erf)  }
0x2fe: {  	v33 =	vmin.f32 v10, v39;
	v29 =	vmin.f32 v7, v40;
	v41 =	vmul.f32 v28, v27;
	v48 =	vld [tilespmem:s18+$0xF10]  }
0x2ff: {  	v34 =	vmax.f32 v8, v45;
	v27 =	vsub.f32 v39, v35;
	v28 =	vsub.f32 v40, v37;
	v37 =	vpop (erf)  }
.Ltmp9:
0x300: {  	v35 =	vmax.f32 v9, v30;
	vm1 =	vgt.f32 v41, $5.000000000e-01;
	v40 =	vmul.f32 v37, v36;
	v36 =	vld [tilespmem:s18+$0xF20];
	(pc) =	sbr.rel @p1 .LBB2_15-.Ltmp9, $4  }
0x301: {  	v39 =	vmin.f32 v10, v46;
	v37 =	vsub.f32 v46, v45;
	v41 =	vld [tilespmem:s17+$0xD80];
	v45 =	vsel vm1, $0xF149F2CA, v47;
	v46 =	vpop (erf)  }
0x302: {  	[tilespmem:s18+$0xF00] =	vst v45;
	vm1 =	vgt.f32 v45, v21;
	vm2 =	vgt.f32 v40, $5.000000000e-01;
	v46 =	vmul.f32 v46, v38;
	v38 =	vld [tilespmem:s18+$0xF30]  }
0x303: {  	v40 =	vsel vm1, v45, v21;
	v21 =	vsel vm1, v44, v42;
	v42 =	vsel vm2, $0xF149F2CA, v48;
	v44 =	vpop (erf)  }
0x304: {  	s20 =	sadd.s32 $0x100, s20;
	[tilespmem:s18+$0xF10] =	vst v42;
	vm15 =	vgt.f32 v42, v40;
	vm1 =	vgt.f32 v46, $5.000000000e-01;
	v43 =	vmul.f32 v44, v43  }
.Ltmp10:
0x305: {  	_ = 	snop;
	(pc) =	sbr.rel .LBB2_16-.Ltmp10, $1  }
0x306: {  	_ =	sdelay $0x3  }
.LBB2_18:
0x307: {  	s4 =	sld [smem:$0x7FD];
	_ =	sdelay $0x2  }
0x308: {  	p0 =	seq.s32 s4, $0x1  }
0x309: {  	_ =	sfence.sel @p0 $0x180000  }
0x30a: {  	[bflag:$0x0] =	sbarrier.arrive @p0 $0xFFFF  }
0x30b: {  	_ =	strace @p0 $0x90000047  }
0x30c: {  	s4 =	simm.s32 @!p0 $0x0;
	s5 =	simm.s32 @!p0 $0x1200;
	[bflag:$0x2] =	sbarrier.arrive @p0 $0xFFFF  }
0x30d: {  	[hbm4b:s3+s4] =	stream.linear.scatter @!p0 [tilespmem:s5], [sflag:$0x1], $0x100, $0x38;
	[tilespmem:$0x1630] =	vst v63  }
0x30e: {  	s3 =	simm.s32 @!p0 $0x1  }
0x30f: {  	_ =	swait.ge @!p0 [sflag:s3], $0x100  }
0x310: {  	[sflag:s3] =	ssyncset.done @!p0 $0x0  }
0x311: {  	s5 =	simm.s32 @!p0 $0x1300;
	[sflag:s3] =	ssyncadd.s32 @!p0 $0xFFFFFF00  }
0x312: {  	[hbm4b:s2+s4] =	stream.linear.scatter @!p0 [tilespmem:s5], [sflag:$0x1], $0x80, $0x38;
	[tilespmem:$0x1630] =	vst v63  }
0x313: {  	_ =	swait.ge @!p0 [sflag:s3], $0x80  }
0x314: {  	[sflag:s3] =	ssyncset.done @!p0 $0x0  }
0x315: {  	s2 =	simm.s32 @!p0 $0x1380;
	[sflag:s3] =	ssyncadd.s32 @!p0 $0xFFFFFF80  }
0x316: {  	[hbm4b:s1+s4] =	stream.linear.scatter @!p0 [tilespmem:s2], [sflag:$0x1], $0x80, $0x38;
	[tilespmem:$0x1630] =	vst v63  }
0x317: {  	_ =	swait.ge @!p0 [sflag:s3], $0x80  }
0x318: {  	[sflag:s3] =	ssyncset.done @!p0 $0x0  }
0x319: {  	[sflag:s3] =	ssyncadd.s32 @!p0 $0xFFFFFF80  }
0x31a: {  	_ =	sfence.sel @!p0 $0x180000  }
0x31b: {  	[bflag:$0x0] =	sbarrier.arrive @!p0 $0xFFFF  }
0x31c: {  	_ =	strace @!p0 $0x90000047  }
0x31d: {  	s0 =	sadd.s32 @!p0 $0x100000, s0;
	[bflag:$0x2] =	sbarrier.arrive @!p0 $0xFFFF  }
0x31e: {  	[sflag:s0] =	ssyncadd.tile.s32 @!p0 $0x1;
	_ =	shalt  }
.Lfunc_end2:
_tile_overlayer_lowered:
.L_overlay_start_2:
0x31f: {  	(tag) =	ssettag $0x2  }
0x320: {  	s0 =	rddreg [dreg:$0x0];
	s2 =	stileid.u32  }
0x321: {  	s1 =	rddreg [dreg:$0x1];
	p0 =	sne.s32 s2, $0x0  }
0x322: {  	s3 =	rddreg [dreg:$0x2];
	[bflag:$0x3] =	sbarrier.arrive $0xFFFF;
	s2 =	simm.s32 @!p0 $0x1C01  }
0x323: {  	[timem:s3], [sflag:s2] =	dma.local @!p0 [hbm:s0], s1  }
0x324: {  	s0 =	simm.s32 @!p0 $0x1  }
0x325: {  	_ =	swait.ge @!p0 [sflag:s0], s1  }
0x326: {  	s1 =	ssub.s32 @!p0 $0x0, s1;
	[sflag:s0] =	ssyncset.done @!p0 $0x0  }
0x327: {  	[sflag:s0] =	ssyncadd.s32 @!p0 s1  }
0x328: {  	[bflag:$0x3] =	sbarrier.arrive $0xFFFF  }
0x329: {  	_ =	shalt  }

</sc_bundles>
